<compile_context>
chip_gen: v7x
topology: tpu7x:2x2x1
jax: 0.10.2.dev20260603
libtpu: 0.0.44.dev20260713+nightly
codegen_flags: <defaults>
</compile_context>

<pallas_src>
import functools

import jax
import jax.numpy as jnp
from jax import lax
from jax.experimental import pallas as pl
from jax.experimental.pallas import tpu as pltpu
from jax.experimental.pallas import tpu_sc as plsc

INDIM = 2048
OUTDIM = 2048
PER = 128
NNZ = INDIM * PER
B = 128

NC = 2
NS = 16
NW = NC * NS
ROWS_PER_W = INDIM // NW
CHUNK = 32
NCHUNK = ROWS_PER_W // CHUNK
CHUNK_NNZ = CHUNK * PER
WROWS = CHUNK // 2
NGRP = CHUNK_NNZ // 16


def _densify_body(w_hbm, iout_hbm, wpack_hbm,
                  ibuf0, ibuf1, wbuf0, wbuf1, rbuf0, rbuf1,
                  sin0, sin1, sout0, sout1):
    wid = lax.axis_index("s") * NC + lax.axis_index("c")
    zero16 = jnp.zeros((16,), jnp.int32)
    ibufs, wbufs, rbufs = (ibuf0, ibuf1), (wbuf0, wbuf1), (rbuf0, rbuf1)
    sins, souts = (sin0, sin1), (sout0, sout1)
    row0 = wid * ROWS_PER_W

    for chunk in range(NCHUNK):
        nnz0 = (row0 + chunk * CHUNK) * PER
        pltpu.async_copy(iout_hbm.at[pl.ds(nnz0, CHUNK_NNZ)], ibufs[chunk], sins[chunk])
        pltpu.async_copy(w_hbm.at[pl.ds(nnz0, CHUNK_NNZ)], wbufs[chunk], sins[chunk])

    for chunk in range(NCHUNK):
        ibuf, wbuf, rbuf = ibufs[chunk], wbufs[chunk], rbufs[chunk]

        def zero_row(k, c):
            for j in range(OUTDIM // 128):
                base = pl.multiple_of(j * 128, 128)
                for t in range(8):
                    rbuf[k, pl.ds(base + t * 16, 16)] = zero16
            return c

        lax.fori_loop(0, WROWS, zero_row, 0)

        nnz0 = (row0 + chunk * CHUNK) * PER
        pltpu.make_async_copy(iout_hbm.at[pl.ds(nnz0, CHUNK_NNZ)], ibuf, sins[chunk]).wait()
        pltpu.make_async_copy(w_hbm.at[pl.ds(nnz0, CHUNK_NNZ)], wbuf, sins[chunk]).wait()

        def scat_one(g):
            base = pl.multiple_of(g * 16, 16)
            iv = ibuf[pl.ds(base, 16)]
            wv = wbuf[pl.ds(base, 16)]
            wb = plsc.bitcast(wv, jnp.uint32)
            lsb = jnp.right_shift(wb, jnp.uint32(16)) & jnp.uint32(1)
            rne = jnp.right_shift(wb + jnp.uint32(0x7FFF) + lsb, jnp.uint32(16))
            shift = (((g // 8) & 1) * 16).astype(jnp.uint32)
            val = plsc.bitcast(jnp.left_shift(rne, shift), jnp.int32)
            rp = jnp.full((16,), g // 16, jnp.int32)
            plsc.addupdate_scatter(rbuf, [rp, iv], val)

        def scat_body(k, c):
            for u in range(4):
                scat_one(4 * k + u)
            return c

        wrow0 = wid * (ROWS_PER_W // 2) + chunk * WROWS
        lax.fori_loop(0, NGRP // 8, scat_body, 0)
        pltpu.async_copy(
            rbuf.at[pl.ds(0, WROWS // 2), :],
            wpack_hbm.at[pl.ds(wrow0, WROWS // 2), :],
            souts[chunk],
        )
        lax.fori_loop(NGRP // 8, NGRP // 4, scat_body, 0)
        pltpu.async_copy(
            rbuf.at[pl.ds(WROWS // 2, WROWS // 2), :],
            wpack_hbm.at[pl.ds(wrow0 + WROWS // 2, WROWS // 2), :],
            souts[chunk],
        )

    for chunk in range(NCHUNK):
        wrow0 = wid * (ROWS_PER_W // 2) + chunk * WROWS
        for h in range(2):
            pltpu.make_async_copy(
                rbufs[chunk].at[pl.ds(h * (WROWS // 2), WROWS // 2), :],
                wpack_hbm.at[pl.ds(wrow0 + h * (WROWS // 2), WROWS // 2), :],
                souts[chunk],
            ).wait()


_densify = functools.partial(
    pl.kernel,
    out_type=jax.ShapeDtypeStruct((INDIM // 2, OUTDIM), jnp.int32),
    mesh=plsc.VectorSubcoreMesh(core_axis_name="c", subcore_axis_name="s"),
    compiler_params=pltpu.CompilerParams(needs_layout_passes=False),
    scratch_types=[
        pltpu.VMEM((CHUNK_NNZ,), jnp.int32),
        pltpu.VMEM((CHUNK_NNZ,), jnp.int32),
        pltpu.VMEM((CHUNK_NNZ,), jnp.float32),
        pltpu.VMEM((CHUNK_NNZ,), jnp.float32),
        pltpu.VMEM((WROWS, OUTDIM), jnp.int32),
        pltpu.VMEM((WROWS, OUTDIM), jnp.int32),
        pltpu.SemaphoreType.DMA,
        pltpu.SemaphoreType.DMA,
        pltpu.SemaphoreType.DMA,
        pltpu.SemaphoreType.DMA,
    ],
)(_densify_body)


NBLK = 1024


def _matmul_body(x_ref, w_ref, b_ref, o_ref):
    w_bf = pltpu.bitcast(w_ref[...], jnp.bfloat16)
    x_bf = x_ref[...].astype(jnp.bfloat16)
    o_ref[...] = (
        jnp.dot(x_bf, w_bf, preferred_element_type=jnp.float32)
        + b_ref[...]
    )


def _matmul(x, w, bias2d):
    return pl.pallas_call(
        _matmul_body,
        grid=(OUTDIM // NBLK,),
        in_specs=[
            pl.BlockSpec((B, INDIM), lambda j: (0, 0)),
            pl.BlockSpec((INDIM // 2, NBLK), lambda j: (0, j)),
            pl.BlockSpec((1, NBLK), lambda j: (0, j)),
        ],
        out_specs=pl.BlockSpec((B, NBLK), lambda j: (0, j)),
        out_shape=jax.ShapeDtypeStruct((B, OUTDIM), jnp.float32),
    )(x, w, bias2d)


def kernel(input_, weight, bias, ind_in, ind_out):
    del ind_in
    w_pack = _densify(weight, ind_out)
    return _matmul(input_, w_pack, bias.reshape(1, OUTDIM))

# --- scband reference (transcript-rebuilt; emitter-appended) ---
"""Pipeline reference for scband-expander-linear-layer-23965917512071 (READ-ONLY COPY).

The authoritative reference and input builder live on the scoring server;
editing this copy changes nothing except your own understanding.
"""

import jax, jax.numpy as jnp
import numpy as np

INDIM = 2048
OUTDIM = 2048
SPARSITY = 0.0625
PER = int(OUTDIM * SPARSITY)  # 128 connections per input unit
NNZ = INDIM * PER             # 262144 sparse weight params
B = 128


def setup_inputs(seed: int = 0) -> dict:
    key = jax.random.key(seed)
    k1, k2, k3, k4 = jax.random.split(key, 4)
    input_ = jax.random.normal(k1, (B, INDIM), dtype=jnp.float32)
    stdv = float(np.sqrt(2.0 / INDIM))
    weight = jax.random.normal(k2, (NNZ,), dtype=jnp.float32) * stdv
    bias = jax.random.normal(k3, (OUTDIM,), dtype=jnp.float32) * stdv
    # generate_mask: since outdim == indim, the else branch runs:
    # for each input unit i, pick PER distinct random output units.
    ind_in = jnp.repeat(jnp.arange(INDIM, dtype=jnp.int32), PER)
    perm = jnp.argsort(jax.random.uniform(k4, (INDIM, OUTDIM)), axis=1)[:, :PER]
    ind_out = perm.reshape(-1).astype(jnp.int32)
    return {"input_": input_, "weight": weight, "bias": bias,
            "ind_in": ind_in, "ind_out": ind_out}


def reference(input_, weight, bias, ind_in, ind_out):
    # x = input_[:, ind_in]  (gather columns per sparse connection)
    x = jnp.take(input_, ind_in, axis=1)
    # elementwise multiply by the flat sparse weight vector
    x = x * weight
    # scatter_add over output units
    out = jnp.zeros((input_.shape[0], OUTDIM), dtype=x.dtype).at[:, ind_out].add(x)
    out = out + bias
    return out

if __name__ == "__main__":
    import jax
    _d = setup_inputs()
    print(jax.jit(kernel)(*tuple(_d.values())))

</pallas_src>

<mosaic_0001>
#map = affine_map<(d0, d1) -> (0)>
#map1 = affine_map<(d0, d1) -> (0, 0)>
module attributes {stable_mosaic.version = 14 : i64} {
  func.func @_densify_body(%arg0: i32, %arg1: i32, %arg2: memref<262144xf32, #tpu.memory_space<hbm>>, %arg3: memref<262144xi32, #tpu.memory_space<hbm>>, %arg4: memref<1024x2048xi32, #tpu.memory_space<hbm>>, %arg5: memref<4096xi32, #tpu.memory_space<vmem>>, %arg6: memref<4096xi32, #tpu.memory_space<vmem>>, %arg7: memref<4096xf32, #tpu.memory_space<vmem>>, %arg8: memref<4096xf32, #tpu.memory_space<vmem>>, %arg9: memref<16x2048xi32, #tpu.memory_space<vmem>>, %arg10: memref<16x2048xi32, #tpu.memory_space<vmem>>, %arg11: memref<!tpu.dma_semaphore, #tpu.memory_space<semaphore_mem>>, %arg12: memref<!tpu.dma_semaphore, #tpu.memory_space<semaphore_mem>>, %arg13: memref<!tpu.dma_semaphore, #tpu.memory_space<semaphore_mem>>, %arg14: memref<!tpu.dma_semaphore, #tpu.memory_space<semaphore_mem>>) attributes {dimension_semantics = [#tpu.dimension_semantics<core_parallel>, #tpu.dimension_semantics<subcore_parallel>], iteration_bounds = array<i64: 2, 16>, scalar_prefetch = 0 : i64, scratch_operands = 10 : i64, tpu.core_type = #tpu.core_type<sc_vector_subcore>, window_params = [{transform_indices = #map}, {transform_indices = #map}, {transform_indices = #map1}]} {
    %mul3A = arith.constant 2 : i32
    %mul3A_0 = arith.muli %arg1, %mul3A : i32
    %add3A = arith.addi %mul3A_0, %arg0 : i32
    %broadcast_in_dim3A = arith.constant 0 : i32
    %broadcast_in_dim3A_1 = vector.broadcast %broadcast_in_dim3A : i32 to vector<16xi32>
    %mul3A_2 = arith.constant 64 : i32
    %mul3A_3 = arith.muli %add3A, %mul3A_2 : i32
    %add3A_4 = arith.constant 0 : i32
    %add3A_5 = arith.addi %mul3A_3, %add3A_4 : i32
    %mul3A_6 = arith.constant 128 : i32
    %mul3A_7 = arith.muli %add3A_5, %mul3A_6 : i32
    %dma_start3A = tpu.memref_slice %arg3[%mul3A_7] : memref<262144xi32, #tpu.memory_space<hbm>> -> memref<4096xi32, #tpu.memory_space<hbm>>
    %dma_start3A_8 = tpu.memref_slice %arg3[%mul3A_7] : memref<262144xi32, #tpu.memory_space<hbm>> -> memref<4096xi32, #tpu.memory_space<hbm>>
    tpu.enqueue_dma source(%dma_start3A_8 : memref<4096xi32, #tpu.memory_space<hbm>>) target(%arg5 : memref<4096xi32, #tpu.memory_space<vmem>>) target_semaphore(%arg11 : memref<!tpu.dma_semaphore, #tpu.memory_space<semaphore_mem>>)
    %dma_start3A_9 = tpu.memref_slice %arg2[%mul3A_7] : memref<262144xf32, #tpu.memory_space<hbm>> -> memref<4096xf32, #tpu.memory_space<hbm>>
    %dma_start3A_10 = tpu.memref_slice %arg2[%mul3A_7] : memref<262144xf32, #tpu.memory_space<hbm>> -> memref<4096xf32, #tpu.memory_space<hbm>>
    tpu.enqueue_dma source(%dma_start3A_10 : memref<4096xf32, #tpu.memory_space<hbm>>) target(%arg7 : memref<4096xf32, #tpu.memory_space<vmem>>) target_semaphore(%arg11 : memref<!tpu.dma_semaphore, #tpu.memory_space<semaphore_mem>>)
    %add3A_11 = arith.constant 32 : i32
    %add3A_12 = arith.addi %mul3A_3, %add3A_11 : i32
    %mul3A_13 = arith.constant 128 : i32
    %mul3A_14 = arith.muli %add3A_12, %mul3A_13 : i32
    %dma_start3A_15 = tpu.memref_slice %arg3[%mul3A_14] : memref<262144xi32, #tpu.memory_space<hbm>> -> memref<4096xi32, #tpu.memory_space<hbm>>
    %dma_start3A_16 = tpu.memref_slice %arg3[%mul3A_14] : memref<262144xi32, #tpu.memory_space<hbm>> -> memref<4096xi32, #tpu.memory_space<hbm>>
    tpu.enqueue_dma source(%dma_start3A_16 : memref<4096xi32, #tpu.memory_space<hbm>>) target(%arg6 : memref<4096xi32, #tpu.memory_space<vmem>>) target_semaphore(%arg12 : memref<!tpu.dma_semaphore, #tpu.memory_space<semaphore_mem>>)
    %dma_start3A_17 = tpu.memref_slice %arg2[%mul3A_14] : memref<262144xf32, #tpu.memory_space<hbm>> -> memref<4096xf32, #tpu.memory_space<hbm>>
    %dma_start3A_18 = tpu.memref_slice %arg2[%mul3A_14] : memref<262144xf32, #tpu.memory_space<hbm>> -> memref<4096xf32, #tpu.memory_space<hbm>>
    tpu.enqueue_dma source(%dma_start3A_18 : memref<4096xf32, #tpu.memory_space<hbm>>) target(%arg8 : memref<4096xf32, #tpu.memory_space<vmem>>) target_semaphore(%arg12 : memref<!tpu.dma_semaphore, #tpu.memory_space<semaphore_mem>>)
    %scan3A = arith.constant 0 : i32
    %scan3A_19 = arith.constant 0 : i32
    %scan3A_20 = arith.constant 16 : i32
    %scan3A_21 = arith.addi %scan3A_19, %scan3A_20 : i32
    %scan3A_22 = arith.constant 1 : i32
    scf.for %scan3A_177 = %scan3A_19 to %scan3A_21 step %scan3A_22  : i32 {
      %multiple_of3A = arith.constant 0 : i32
      %multiple_of3A_178 = tpu.assume_multiple %multiple_of3A, 128 : i32
      %add3A_179 = arith.constant 0 : i32
      %add3A_180 = arith.addi %multiple_of3A_178, %add3A_179 : i32
      %swap3A = arith.index_cast %scan3A_177 : i32 to index
      %swap3A_181 = arith.index_cast %add3A_180 : i32 to index
      %swap3A_182 = tpu.vector_load %arg9[%swap3A, %swap3A_181] {strides = array<i32>} : memref<16x2048xi32, #tpu.memory_space<vmem>>, vector<16xi32>,
      tpu.vector_store %arg9[%swap3A, %swap3A_181], %broadcast_in_dim3A_1 {strides = array<i32>} : memref<16x2048xi32, #tpu.memory_space<vmem>>, vector<16xi32>,
      %add3A_183 = arith.constant 16 : i32
      %add3A_184 = arith.addi %multiple_of3A_178, %add3A_183 : i32
      %swap3A_185 = arith.index_cast %scan3A_177 : i32 to index
      %swap3A_186 = arith.index_cast %add3A_184 : i32 to index
      %swap3A_187 = tpu.vector_load %arg9[%swap3A_185, %swap3A_186] {strides = array<i32>} : memref<16x2048xi32, #tpu.memory_space<vmem>>, vector<16xi32>,
      tpu.vector_store %arg9[%swap3A_185, %swap3A_186], %broadcast_in_dim3A_1 {strides = array<i32>} : memref<16x2048xi32, #tpu.memory_space<vmem>>, vector<16xi32>,
      %add3A_188 = arith.constant 32 : i32
      %add3A_189 = arith.addi %multiple_of3A_178, %add3A_188 : i32
      %swap3A_190 = arith.index_cast %scan3A_177 : i32 to index
      %swap3A_191 = arith.index_cast %add3A_189 : i32 to index
      %swap3A_192 = tpu.vector_load %arg9[%swap3A_190, %swap3A_191] {strides = array<i32>} : memref<16x2048xi32, #tpu.memory_space<vmem>>, vector<16xi32>,
      tpu.vector_store %arg9[%swap3A_190, %swap3A_191], %broadcast_in_dim3A_1 {strides = array<i32>} : memref<16x2048xi32, #tpu.memory_space<vmem>>, vector<16xi32>,
      %add3A_193 = arith.constant 48 : i32
      %add3A_194 = arith.addi %multiple_of3A_178, %add3A_193 : i32
      %swap3A_195 = arith.index_cast %scan3A_177 : i32 to index
      %swap3A_196 = arith.index_cast %add3A_194 : i32 to index
      %swap3A_197 = tpu.vector_load %arg9[%swap3A_195, %swap3A_196] {strides = array<i32>} : memref<16x2048xi32, #tpu.memory_space<vmem>>, vector<16xi32>,
      tpu.vector_store %arg9[%swap3A_195, %swap3A_196], %broadcast_in_dim3A_1 {strides = array<i32>} : memref<16x2048xi32, #tpu.memory_space<vmem>>, vector<16xi32>,
      %add3A_198 = arith.constant 64 : i32
      %add3A_199 = arith.addi %multiple_of3A_178, %add3A_198 : i32
      %swap3A_200 = arith.index_cast %scan3A_177 : i32 to index
      %swap3A_201 = arith.index_cast %add3A_199 : i32 to index
      %swap3A_202 = tpu.vector_load %arg9[%swap3A_200, %swap3A_201] {strides = array<i32>} : memref<16x2048xi32, #tpu.memory_space<vmem>>, vector<16xi32>,
      tpu.vector_store %arg9[%swap3A_200, %swap3A_201], %broadcast_in_dim3A_1 {strides = array<i32>} : memref<16x2048xi32, #tpu.memory_space<vmem>>, vector<16xi32>,
      %add3A_203 = arith.constant 80 : i32
      %add3A_204 = arith.addi %multiple_of3A_178, %add3A_203 : i32
      %swap3A_205 = arith.index_cast %scan3A_177 : i32 to index
      %swap3A_206 = arith.index_cast %add3A_204 : i32 to index
      %swap3A_207 = tpu.vector_load %arg9[%swap3A_205, %swap3A_206] {strides = array<i32>} : memref<16x2048xi32, #tpu.memory_space<vmem>>, vector<16xi32>,
      tpu.vector_store %arg9[%swap3A_205, %swap3A_206], %broadcast_in_dim3A_1 {strides = array<i32>} : memref<16x2048xi32, #tpu.memory_space<vmem>>, vector<16xi32>,
      %add3A_208 = arith.constant 96 : i32
      %add3A_209 = arith.addi %multiple_of3A_178, %add3A_208 : i32
      %swap3A_210 = arith.index_cast %scan3A_177 : i32 to index
      %swap3A_211 = arith.index_cast %add3A_209 : i32 to index
      %swap3A_212 = tpu.vector_load %arg9[%swap3A_210, %swap3A_211] {strides = array<i32>} : memref<16x2048xi32, #tpu.memory_space<vmem>>, vector<16xi32>,
      tpu.vector_store %arg9[%swap3A_210, %swap3A_211], %broadcast_in_dim3A_1 {strides = array<i32>} : memref<16x2048xi32, #tpu.memory_space<vmem>>, vector<16xi32>,
      %add3A_213 = arith.constant 112 : i32
      %add3A_214 = arith.addi %multiple_of3A_178, %add3A_213 : i32
      %swap3A_215 = arith.index_cast %scan3A_177 : i32 to index
      %swap3A_216 = arith.index_cast %add3A_214 : i32 to index
      %swap3A_217 = tpu.vector_load %arg9[%swap3A_215, %swap3A_216] {strides = array<i32>} : memref<16x2048xi32, #tpu.memory_space<vmem>>, vector<16xi32>,
      tpu.vector_store %arg9[%swap3A_215, %swap3A_216], %broadcast_in_dim3A_1 {strides = array<i32>} : memref<16x2048xi32, #tpu.memory_space<vmem>>, vector<16xi32>,
      %multiple_of3A_218 = arith.constant 128 : i32
      %multiple_of3A_219 = tpu.assume_multiple %multiple_of3A_218, 128 : i32
      %add3A_220 = arith.constant 0 : i32
      %add3A_221 = arith.addi %multiple_of3A_219, %add3A_220 : i32
      %swap3A_222 = arith.index_cast %scan3A_177 : i32 to index
      %swap3A_223 = arith.index_cast %add3A_221 : i32 to index
      %swap3A_224 = tpu.vector_load %arg9[%swap3A_222, %swap3A_223] {strides = array<i32>} : memref<16x2048xi32, #tpu.memory_space<vmem>>, vector<16xi32>,
      tpu.vector_store %arg9[%swap3A_222, %swap3A_223], %broadcast_in_dim3A_1 {strides = array<i32>} : memref<16x2048xi32, #tpu.memory_space<vmem>>, vector<16xi32>,
      %add3A_225 = arith.constant 16 : i32
      %add3A_226 = arith.addi %multiple_of3A_219, %add3A_225 : i32
      %swap3A_227 = arith.index_cast %scan3A_177 : i32 to index
      %swap3A_228 = arith.index_cast %add3A_226 : i32 to index
      %swap3A_229 = tpu.vector_load %arg9[%swap3A_227, %swap3A_228] {strides = array<i32>} : memref<16x2048xi32, #tpu.memory_space<vmem>>, vector<16xi32>,
      tpu.vector_store %arg9[%swap3A_227, %swap3A_228], %broadcast_in_dim3A_1 {strides = array<i32>} : memref<16x2048xi32, #tpu.memory_space<vmem>>, vector<16xi32>,
      %add3A_230 = arith.constant 32 : i32
      %add3A_231 = arith.addi %multiple_of3A_219, %add3A_230 : i32
      %swap3A_232 = arith.index_cast %scan3A_177 : i32 to index
      %swap3A_233 = arith.index_cast %add3A_231 : i32 to index
      %swap3A_234 = tpu.vector_load %arg9[%swap3A_232, %swap3A_233] {strides = array<i32>} : memref<16x2048xi32, #tpu.memory_space<vmem>>, vector<16xi32>,
      tpu.vector_store %arg9[%swap3A_232, %swap3A_233], %broadcast_in_dim3A_1 {strides = array<i32>} : memref<16x2048xi32, #tpu.memory_space<vmem>>, vector<16xi32>,
      %add3A_235 = arith.constant 48 : i32
      %add3A_236 = arith.addi %multiple_of3A_219, %add3A_235 : i32
      %swap3A_237 = arith.index_cast %scan3A_177 : i32 to index
      %swap3A_238 = arith.index_cast %add3A_236 : i32 to index
      %swap3A_239 = tpu.vector_load %arg9[%swap3A_237, %swap3A_238] {strides = array<i32>} : memref<16x2048xi32, #tpu.memory_space<vmem>>, vector<16xi32>,
      tpu.vector_store %arg9[%swap3A_237, %swap3A_238], %broadcast_in_dim3A_1 {strides = array<i32>} : memref<16x2048xi32, #tpu.memory_space<vmem>>, vector<16xi32>,
      %add3A_240 = arith.constant 64 : i32
      %add3A_241 = arith.addi %multiple_of3A_219, %add3A_240 : i32
      %swap3A_242 = arith.index_cast %scan3A_177 : i32 to index
      %swap3A_243 = arith.index_cast %add3A_241 : i32 to index
      %swap3A_244 = tpu.vector_load %arg9[%swap3A_242, %swap3A_243] {strides = array<i32>} : memref<16x2048xi32, #tpu.memory_space<vmem>>, vector<16xi32>,
      tpu.vector_store %arg9[%swap3A_242, %swap3A_243], %broadcast_in_dim3A_1 {strides = array<i32>} : memref<16x2048xi32, #tpu.memory_space<vmem>>, vector<16xi32>,
      %add3A_245 = arith.constant 80 : i32
      %add3A_246 = arith.addi %multiple_of3A_219, %add3A_245 : i32
      %swap3A_247 = arith.index_cast %scan3A_177 : i32 to index
      %swap3A_248 = arith.index_cast %add3A_246 : i32 to index
      %swap3A_249 = tpu.vector_load %arg9[%swap3A_247, %swap3A_248] {strides = array<i32>} : memref<16x2048xi32, #tpu.memory_space<vmem>>, vector<16xi32>,
      tpu.vector_store %arg9[%swap3A_247, %swap3A_248], %broadcast_in_dim3A_1 {strides = array<i32>} : memref<16x2048xi32, #tpu.memory_space<vmem>>, vector<16xi32>,
      %add3A_250 = arith.constant 96 : i32
      %add3A_251 = arith.addi %multiple_of3A_219, %add3A_250 : i32
      %swap3A_252 = arith.index_cast %scan3A_177 : i32 to index
      %swap3A_253 = arith.index_cast %add3A_251 : i32 to index
      %swap3A_254 = tpu.vector_load %arg9[%swap3A_252, %swap3A_253] {strides = array<i32>} : memref<16x2048xi32, #tpu.memory_space<vmem>>, vector<16xi32>,
      tpu.vector_store %arg9[%swap3A_252, %swap3A_253], %broadcast_in_dim3A_1 {strides = array<i32>} : memref<16x2048xi32, #tpu.memory_space<vmem>>, vector<16xi32>,
      %add3A_255 = arith.constant 112 : i32
      %add3A_256 = arith.addi %multiple_of3A_219, %add3A_255 : i32
      %swap3A_257 = arith.index_cast %scan3A_177 : i32 to index
      %swap3A_258 = arith.index_cast %add3A_256 : i32 to index
      %swap3A_259 = tpu.vector_load %arg9[%swap3A_257, %swap3A_258] {strides = array<i32>} : memref<16x2048xi32, #tpu.memory_space<vmem>>, vector<16xi32>,
      tpu.vector_store %arg9[%swap3A_257, %swap3A_258], %broadcast_in_dim3A_1 {strides = array<i32>} : memref<16x2048xi32, #tpu.memory_space<vmem>>, vector<16xi32>,
      %multiple_of3A_260 = arith.constant 256 : i32
      %multiple_of3A_261 = tpu.assume_multiple %multiple_of3A_260, 128 : i32
      %add3A_262 = arith.constant 0 : i32
      %add3A_263 = arith.addi %multiple_of3A_261, %add3A_262 : i32
      %swap3A_264 = arith.index_cast %scan3A_177 : i32 to index
      %swap3A_265 = arith.index_cast %add3A_263 : i32 to index
      %swap3A_266 = tpu.vector_load %arg9[%swap3A_264, %swap3A_265] {strides = array<i32>} : memref<16x2048xi32, #tpu.memory_space<vmem>>, vector<16xi32>,
      tpu.vector_store %arg9[%swap3A_264, %swap3A_265], %broadcast_in_dim3A_1 {strides = array<i32>} : memref<16x2048xi32, #tpu.memory_space<vmem>>, vector<16xi32>,
      %add3A_267 = arith.constant 16 : i32
      %add3A_268 = arith.addi %multiple_of3A_261, %add3A_267 : i32
      %swap3A_269 = arith.index_cast %scan3A_177 : i32 to index
      %swap3A_270 = arith.index_cast %add3A_268 : i32 to index
      %swap3A_271 = tpu.vector_load %arg9[%swap3A_269, %swap3A_270] {strides = array<i32>} : memref<16x2048xi32, #tpu.memory_space<vmem>>, vector<16xi32>,
      tpu.vector_store %arg9[%swap3A_269, %swap3A_270], %broadcast_in_dim3A_1 {strides = array<i32>} : memref<16x2048xi32, #tpu.memory_space<vmem>>, vector<16xi32>,
      %add3A_272 = arith.constant 32 : i32
      %add3A_273 = arith.addi %multiple_of3A_261, %add3A_272 : i32
      %swap3A_274 = arith.index_cast %scan3A_177 : i32 to index
      %swap3A_275 = arith.index_cast %add3A_273 : i32 to index
      %swap3A_276 = tpu.vector_load %arg9[%swap3A_274, %swap3A_275] {strides = array<i32>} : memref<16x2048xi32, #tpu.memory_space<vmem>>, vector<16xi32>,
      tpu.vector_store %arg9[%swap3A_274, %swap3A_275], %broadcast_in_dim3A_1 {strides = array<i32>} : memref<16x2048xi32, #tpu.memory_space<vmem>>, vector<16xi32>,
      %add3A_277 = arith.constant 48 : i32
      %add3A_278 = arith.addi %multiple_of3A_261, %add3A_277 : i32
      %swap3A_279 = arith.index_cast %scan3A_177 : i32 to index
      %swap3A_280 = arith.index_cast %add3A_278 : i32 to index
      %swap3A_281 = tpu.vector_load %arg9[%swap3A_279, %swap3A_280] {strides = array<i32>} : memref<16x2048xi32, #tpu.memory_space<vmem>>, vector<16xi32>,
      tpu.vector_store %arg9[%swap3A_279, %swap3A_280], %broadcast_in_dim3A_1 {strides = array<i32>} : memref<16x2048xi32, #tpu.memory_space<vmem>>, vector<16xi32>,
      %add3A_282 = arith.constant 64 : i32
      %add3A_283 = arith.addi %multiple_of3A_261, %add3A_282 : i32
      %swap3A_284 = arith.index_cast %scan3A_177 : i32 to index
      %swap3A_285 = arith.index_cast %add3A_283 : i32 to index
      %swap3A_286 = tpu.vector_load %arg9[%swap3A_284, %swap3A_285] {strides = array<i32>} : memref<16x2048xi32, #tpu.memory_space<vmem>>, vector<16xi32>,
      tpu.vector_store %arg9[%swap3A_284, %swap3A_285], %broadcast_in_dim3A_1 {strides = array<i32>} : memref<16x2048xi32, #tpu.memory_space<vmem>>, vector<16xi32>,
      %add3A_287 = arith.constant 80 : i32
      %add3A_288 = arith.addi %multiple_of3A_261, %add3A_287 : i32
      %swap3A_289 = arith.index_cast %scan3A_177 : i32 to index
      %swap3A_290 = arith.index_cast %add3A_288 : i32 to index
      %swap3A_291 = tpu.vector_load %arg9[%swap3A_289, %swap3A_290] {strides = array<i32>} : memref<16x2048xi32, #tpu.memory_space<vmem>>, vector<16xi32>,
      tpu.vector_store %arg9[%swap3A_289, %swap3A_290], %broadcast_in_dim3A_1 {strides = array<i32>} : memref<16x2048xi32, #tpu.memory_space<vmem>>, vector<16xi32>,
      %add3A_292 = arith.constant 96 : i32
      %add3A_293 = arith.addi %multiple_of3A_261, %add3A_292 : i32
      %swap3A_294 = arith.index_cast %scan3A_177 : i32 to index
      %swap3A_295 = arith.index_cast %add3A_293 : i32 to index
      %swap3A_296 = tpu.vector_load %arg9[%swap3A_294, %swap3A_295] {strides = array<i32>} : memref<16x2048xi32, #tpu.memory_space<vmem>>, vector<16xi32>,
      tpu.vector_store %arg9[%swap3A_294, %swap3A_295], %broadcast_in_dim3A_1 {strides = array<i32>} : memref<16x2048xi32, #tpu.memory_space<vmem>>, vector<16xi32>,
      %add3A_297 = arith.constant 112 : i32
      %add3A_298 = arith.addi %multiple_of3A_261, %add3A_297 : i32
      %swap3A_299 = arith.index_cast %scan3A_177 : i32 to index
      %swap3A_300 = arith.index_cast %add3A_298 : i32 to index
      %swap3A_301 = tpu.vector_load %arg9[%swap3A_299, %swap3A_300] {strides = array<i32>} : memref<16x2048xi32, #tpu.memory_space<vmem>>, vector<16xi32>,
      tpu.vector_store %arg9[%swap3A_299, %swap3A_300], %broadcast_in_dim3A_1 {strides = array<i32>} : memref<16x2048xi32, #tpu.memory_space<vmem>>, vector<16xi32>,
      %multiple_of3A_302 = arith.constant 384 : i32
      %multiple_of3A_303 = tpu.assume_multiple %multiple_of3A_302, 128 : i32
      %add3A_304 = arith.constant 0 : i32
      %add3A_305 = arith.addi %multiple_of3A_303, %add3A_304 : i32
      %swap3A_306 = arith.index_cast %scan3A_177 : i32 to index
      %swap3A_307 = arith.index_cast %add3A_305 : i32 to index
      %swap3A_308 = tpu.vector_load %arg9[%swap3A_306, %swap3A_307] {strides = array<i32>} : memref<16x2048xi32, #tpu.memory_space<vmem>>, vector<16xi32>,
      tpu.vector_store %arg9[%swap3A_306, %swap3A_307], %broadcast_in_dim3A_1 {strides = array<i32>} : memref<16x2048xi32, #tpu.memory_space<vmem>>, vector<16xi32>,
      %add3A_309 = arith.constant 16 : i32
      %add3A_310 = arith.addi %multiple_of3A_303, %add3A_309 : i32
      %swap3A_311 = arith.index_cast %scan3A_177 : i32 to index
      %swap3A_312 = arith.index_cast %add3A_310 : i32 to index
      %swap3A_313 = tpu.vector_load %arg9[%swap3A_311, %swap3A_312] {strides = array<i32>} : memref<16x2048xi32, #tpu.memory_space<vmem>>, vector<16xi32>,
      tpu.vector_store %arg9[%swap3A_311, %swap3A_312], %broadcast_in_dim3A_1 {strides = array<i32>} : memref<16x2048xi32, #tpu.memory_space<vmem>>, vector<16xi32>,
      %add3A_314 = arith.constant 32 : i32
      %add3A_315 = arith.addi %multiple_of3A_303, %add3A_314 : i32
      %swap3A_316 = arith.index_cast %scan3A_177 : i32 to index
      %swap3A_317 = arith.index_cast %add3A_315 : i32 to index
      %swap3A_318 = tpu.vector_load %arg9[%swap3A_316, %swap3A_317] {strides = array<i32>} : memref<16x2048xi32, #tpu.memory_space<vmem>>, vector<16xi32>,
      tpu.vector_store %arg9[%swap3A_316, %swap3A_317], %broadcast_in_dim3A_1 {strides = array<i32>} : memref<16x2048xi32, #tpu.memory_space<vmem>>, vector<16xi32>,
      %add3A_319 = arith.constant 48 : i32
      %add3A_320 = arith.addi %multiple_of3A_303, %add3A_319 : i32
      %swap3A_321 = arith.index_cast %scan3A_177 : i32 to index
      %swap3A_322 = arith.index_cast %add3A_320 : i32 to index
      %swap3A_323 = tpu.vector_load %arg9[%swap3A_321, %swap3A_322] {strides = array<i32>} : memref<16x2048xi32, #tpu.memory_space<vmem>>, vector<16xi32>,
      tpu.vector_store %arg9[%swap3A_321, %swap3A_322], %broadcast_in_dim3A_1 {strides = array<i32>} : memref<16x2048xi32, #tpu.memory_space<vmem>>, vector<16xi32>,
      %add3A_324 = arith.constant 64 : i32
      %add3A_325 = arith.addi %multiple_of3A_303, %add3A_324 : i32
      %swap3A_326 = arith.index_cast %scan3A_177 : i32 to index
      %swap3A_327 = arith.index_cast %add3A_325 : i32 to index
      %swap3A_328 = tpu.vector_load %arg9[%swap3A_326, %swap3A_327] {strides = array<i32>} : memref<16x2048xi32, #tpu.memory_space<vmem>>, vector<16xi32>,
      tpu.vector_store %arg9[%swap3A_326, %swap3A_327], %broadcast_in_dim3A_1 {strides = array<i32>} : memref<16x2048xi32, #tpu.memory_space<vmem>>, vector<16xi32>,
      %add3A_329 = arith.constant 80 : i32
      %add3A_330 = arith.addi %multiple_of3A_303, %add3A_329 : i32
      %swap3A_331 = arith.index_cast %scan3A_177 : i32 to index
      %swap3A_332 = arith.index_cast %add3A_330 : i32 to index
      %swap3A_333 = tpu.vector_load %arg9[%swap3A_331, %swap3A_332] {strides = array<i32>} : memref<16x2048xi32, #tpu.memory_space<vmem>>, vector<16xi32>,
      tpu.vector_store %arg9[%swap3A_331, %swap3A_332], %broadcast_in_dim3A_1 {strides = array<i32>} : memref<16x2048xi32, #tpu.memory_space<vmem>>, vector<16xi32>,
      %add3A_334 = arith.constant 96 : i32
      %add3A_335 = arith.addi %multiple_of3A_303, %add3A_334 : i32
      %swap3A_336 = arith.index_cast %scan3A_177 : i32 to index
      %swap3A_337 = arith.index_cast %add3A_335 : i32 to index
      %swap3A_338 = tpu.vector_load %arg9[%swap3A_336, %swap3A_337] {strides = array<i32>} : memref<16x2048xi32, #tpu.memory_space<vmem>>, vector<16xi32>,
      tpu.vector_store %arg9[%swap3A_336, %swap3A_337], %broadcast_in_dim3A_1 {strides = array<i32>} : memref<16x2048xi32, #tpu.memory_space<vmem>>, vector<16xi32>,
      %add3A_339 = arith.constant 112 : i32
      %add3A_340 = arith.addi %multiple_of3A_303, %add3A_339 : i32
      %swap3A_341 = arith.index_cast %scan3A_177 : i32 to index
      %swap3A_342 = arith.index_cast %add3A_340 : i32 to index
      %swap3A_343 = tpu.vector_load %arg9[%swap3A_341, %swap3A_342] {strides = array<i32>} : memref<16x2048xi32, #tpu.memory_space<vmem>>, vector<16xi32>,
      tpu.vector_store %arg9[%swap3A_341, %swap3A_342], %broadcast_in_dim3A_1 {strides = array<i32>} : memref<16x2048xi32, #tpu.memory_space<vmem>>, vector<16xi32>,
      %multiple_of3A_344 = arith.constant 512 : i32
      %multiple_of3A_345 = tpu.assume_multiple %multiple_of3A_344, 128 : i32
      %add3A_346 = arith.constant 0 : i32
      %add3A_347 = arith.addi %multiple_of3A_345, %add3A_346 : i32
      %swap3A_348 = arith.index_cast %scan3A_177 : i32 to index
      %swap3A_349 = arith.index_cast %add3A_347 : i32 to index
      %swap3A_350 = tpu.vector_load %arg9[%swap3A_348, %swap3A_349] {strides = array<i32>} : memref<16x2048xi32, #tpu.memory_space<vmem>>, vector<16xi32>,
      tpu.vector_store %arg9[%swap3A_348, %swap3A_349], %broadcast_in_dim3A_1 {strides = array<i32>} : memref<16x2048xi32, #tpu.memory_space<vmem>>, vector<16xi32>,
      %add3A_351 = arith.constant 16 : i32
      %add3A_352 = arith.addi %multiple_of3A_345, %add3A_351 : i32
      %swap3A_353 = arith.index_cast %scan3A_177 : i32 to index
      %swap3A_354 = arith.index_cast %add3A_352 : i32 to index
      %swap3A_355 = tpu.vector_load %arg9[%swap3A_353, %swap3A_354] {strides = array<i32>} : memref<16x2048xi32, #tpu.memory_space<vmem>>, vector<16xi32>,
      tpu.vector_store %arg9[%swap3A_353, %swap3A_354], %broadcast_in_dim3A_1 {strides = array<i32>} : memref<16x2048xi32, #tpu.memory_space<vmem>>, vector<16xi32>,
      %add3A_356 = arith.constant 32 : i32
      %add3A_357 = arith.addi %multiple_of3A_345, %add3A_356 : i32
      %swap3A_358 = arith.index_cast %scan3A_177 : i32 to index
      %swap3A_359 = arith.index_cast %add3A_357 : i32 to index
      %swap3A_360 = tpu.vector_load %arg9[%swap3A_358, %swap3A_359] {strides = array<i32>} : memref<16x2048xi32, #tpu.memory_space<vmem>>, vector<16xi32>,
      tpu.vector_store %arg9[%swap3A_358, %swap3A_359], %broadcast_in_dim3A_1 {strides = array<i32>} : memref<16x2048xi32, #tpu.memory_space<vmem>>, vector<16xi32>,
      %add3A_361 = arith.constant 48 : i32
      %add3A_362 = arith.addi %multiple_of3A_345, %add3A_361 : i32
      %swap3A_363 = arith.index_cast %scan3A_177 : i32 to index
      %swap3A_364 = arith.index_cast %add3A_362 : i32 to index
      %swap3A_365 = tpu.vector_load %arg9[%swap3A_363, %swap3A_364] {strides = array<i32>} : memref<16x2048xi32, #tpu.memory_space<vmem>>, vector<16xi32>,
      tpu.vector_store %arg9[%swap3A_363, %swap3A_364], %broadcast_in_dim3A_1 {strides = array<i32>} : memref<16x2048xi32, #tpu.memory_space<vmem>>, vector<16xi32>,
      %add3A_366 = arith.constant 64 : i32
      %add3A_367 = arith.addi %multiple_of3A_345, %add3A_366 : i32
      %swap3A_368 = arith.index_cast %scan3A_177 : i32 to index
      %swap3A_369 = arith.index_cast %add3A_367 : i32 to index
      %swap3A_370 = tpu.vector_load %arg9[%swap3A_368, %swap3A_369] {strides = array<i32>} : memref<16x2048xi32, #tpu.memory_space<vmem>>, vector<16xi32>,
      tpu.vector_store %arg9[%swap3A_368, %swap3A_369], %broadcast_in_dim3A_1 {strides = array<i32>} : memref<16x2048xi32, #tpu.memory_space<vmem>>, vector<16xi32>,
      %add3A_371 = arith.constant 80 : i32
      %add3A_372 = arith.addi %multiple_of3A_345, %add3A_371 : i32
      %swap3A_373 = arith.index_cast %scan3A_177 : i32 to index
      %swap3A_374 = arith.index_cast %add3A_372 : i32 to index
      %swap3A_375 = tpu.vector_load %arg9[%swap3A_373, %swap3A_374] {strides = array<i32>} : memref<16x2048xi32, #tpu.memory_space<vmem>>, vector<16xi32>,
      tpu.vector_store %arg9[%swap3A_373, %swap3A_374], %broadcast_in_dim3A_1 {strides = array<i32>} : memref<16x2048xi32, #tpu.memory_space<vmem>>, vector<16xi32>,
      %add3A_376 = arith.constant 96 : i32
      %add3A_377 = arith.addi %multiple_of3A_345, %add3A_376 : i32
      %swap3A_378 = arith.index_cast %scan3A_177 : i32 to index
      %swap3A_379 = arith.index_cast %add3A_377 : i32 to index
      %swap3A_380 = tpu.vector_load %arg9[%swap3A_378, %swap3A_379] {strides = array<i32>} : memref<16x2048xi32, #tpu.memory_space<vmem>>, vector<16xi32>,
      tpu.vector_store %arg9[%swap3A_378, %swap3A_379], %broadcast_in_dim3A_1 {strides = array<i32>} : memref<16x2048xi32, #tpu.memory_space<vmem>>, vector<16xi32>,
      %add3A_381 = arith.constant 112 : i32
      %add3A_382 = arith.addi %multiple_of3A_345, %add3A_381 : i32
      %swap3A_383 = arith.index_cast %scan3A_177 : i32 to index
      %swap3A_384 = arith.index_cast %add3A_382 : i32 to index
      %swap3A_385 = tpu.vector_load %arg9[%swap3A_383, %swap3A_384] {strides = array<i32>} : memref<16x2048xi32, #tpu.memory_space<vmem>>, vector<16xi32>,
      tpu.vector_store %arg9[%swap3A_383, %swap3A_384], %broadcast_in_dim3A_1 {strides = array<i32>} : memref<16x2048xi32, #tpu.memory_space<vmem>>, vector<16xi32>,
      %multiple_of3A_386 = arith.constant 640 : i32
      %multiple_of3A_387 = tpu.assume_multiple %multiple_of3A_386, 128 : i32
      %add3A_388 = arith.constant 0 : i32
      %add3A_389 = arith.addi %multiple_of3A_387, %add3A_388 : i32
      %swap3A_390 = arith.index_cast %scan3A_177 : i32 to index
      %swap3A_391 = arith.index_cast %add3A_389 : i32 to index
      %swap3A_392 = tpu.vector_load %arg9[%swap3A_390, %swap3A_391] {strides = array<i32>} : memref<16x2048xi32, #tpu.memory_space<vmem>>, vector<16xi32>,
      tpu.vector_store %arg9[%swap3A_390, %swap3A_391], %broadcast_in_dim3A_1 {strides = array<i32>} : memref<16x2048xi32, #tpu.memory_space<vmem>>, vector<16xi32>,
      %add3A_393 = arith.constant 16 : i32
      %add3A_394 = arith.addi %multiple_of3A_387, %add3A_393 : i32
      %swap3A_395 = arith.index_cast %scan3A_177 : i32 to index
      %swap3A_396 = arith.index_cast %add3A_394 : i32 to index
      %swap3A_397 = tpu.vector_load %arg9[%swap3A_395, %swap3A_396] {strides = array<i32>} : memref<16x2048xi32, #tpu.memory_space<vmem>>, vector<16xi32>,
      tpu.vector_store %arg9[%swap3A_395, %swap3A_396], %broadcast_in_dim3A_1 {strides = array<i32>} : memref<16x2048xi32, #tpu.memory_space<vmem>>, vector<16xi32>,
      %add3A_398 = arith.constant 32 : i32
      %add3A_399 = arith.addi %multiple_of3A_387, %add3A_398 : i32
      %swap3A_400 = arith.index_cast %scan3A_177 : i32 to index
      %swap3A_401 = arith.index_cast %add3A_399 : i32 to index
      %swap3A_402 = tpu.vector_load %arg9[%swap3A_400, %swap3A_401] {strides = array<i32>} : memref<16x2048xi32, #tpu.memory_space<vmem>>, vector<16xi32>,
      tpu.vector_store %arg9[%swap3A_400, %swap3A_401], %broadcast_in_dim3A_1 {strides = array<i32>} : memref<16x2048xi32, #tpu.memory_space<vmem>>, vector<16xi32>,
      %add3A_403 = arith.constant 48 : i32
      %add3A_404 = arith.addi %multiple_of3A_387, %add3A_403 : i32
      %swap3A_405 = arith.index_cast %scan3A_177 : i32 to index
      %swap3A_406 = arith.index_cast %add3A_404 : i32 to index
      %swap3A_407 = tpu.vector_load %arg9[%swap3A_405, %swap3A_406] {strides = array<i32>} : memref<16x2048xi32, #tpu.memory_space<vmem>>, vector<16xi32>,
      tpu.vector_store %arg9[%swap3A_405, %swap3A_406], %broadcast_in_dim3A_1 {strides = array<i32>} : memref<16x2048xi32, #tpu.memory_space<vmem>>, vector<16xi32>,
      %add3A_408 = arith.constant 64 : i32
      %add3A_409 = arith.addi %multiple_of3A_387, %add3A_408 : i32
      %swap3A_410 = arith.index_cast %scan3A_177 : i32 to index
      %swap3A_411 = arith.index_cast %add3A_409 : i32 to index
      %swap3A_412 = tpu.vector_load %arg9[%swap3A_410, %swap3A_411] {strides = array<i32>} : memref<16x2048xi32, #tpu.memory_space<vmem>>, vector<16xi32>,
      tpu.vector_store %arg9[%swap3A_410, %swap3A_411], %broadcast_in_dim3A_1 {strides = array<i32>} : memref<16x2048xi32, #tpu.memory_space<vmem>>, vector<16xi32>,
      %add3A_413 = arith.constant 80 : i32
      %add3A_414 = arith.addi %multiple_of3A_387, %add3A_413 : i32
      %swap3A_415 = arith.index_cast %scan3A_177 : i32 to index
      %swap3A_416 = arith.index_cast %add3A_414 : i32 to index
      %swap3A_417 = tpu.vector_load %arg9[%swap3A_415, %swap3A_416] {strides = array<i32>} : memref<16x2048xi32, #tpu.memory_space<vmem>>, vector<16xi32>,
      tpu.vector_store %arg9[%swap3A_415, %swap3A_416], %broadcast_in_dim3A_1 {strides = array<i32>} : memref<16x2048xi32, #tpu.memory_space<vmem>>, vector<16xi32>,
      %add3A_418 = arith.constant 96 : i32
      %add3A_419 = arith.addi %multiple_of3A_387, %add3A_418 : i32
      %swap3A_420 = arith.index_cast %scan3A_177 : i32 to index
      %swap3A_421 = arith.index_cast %add3A_419 : i32 to index
      %swap3A_422 = tpu.vector_load %arg9[%swap3A_420, %swap3A_421] {strides = array<i32>} : memref<16x2048xi32, #tpu.memory_space<vmem>>, vector<16xi32>,
      tpu.vector_store %arg9[%swap3A_420, %swap3A_421], %broadcast_in_dim3A_1 {strides = array<i32>} : memref<16x2048xi32, #tpu.memory_space<vmem>>, vector<16xi32>,
      %add3A_423 = arith.constant 112 : i32
      %add3A_424 = arith.addi %multiple_of3A_387, %add3A_423 : i32
      %swap3A_425 = arith.index_cast %scan3A_177 : i32 to index
      %swap3A_426 = arith.index_cast %add3A_424 : i32 to index
      %swap3A_427 = tpu.vector_load %arg9[%swap3A_425, %swap3A_426] {strides = array<i32>} : memref<16x2048xi32, #tpu.memory_space<vmem>>, vector<16xi32>,
      tpu.vector_store %arg9[%swap3A_425, %swap3A_426], %broadcast_in_dim3A_1 {strides = array<i32>} : memref<16x2048xi32, #tpu.memory_space<vmem>>, vector<16xi32>,
      %multiple_of3A_428 = arith.constant 768 : i32
      %multiple_of3A_429 = tpu.assume_multiple %multiple_of3A_428, 128 : i32
      %add3A_430 = arith.constant 0 : i32
      %add3A_431 = arith.addi %multiple_of3A_429, %add3A_430 : i32
      %swap3A_432 = arith.index_cast %scan3A_177 : i32 to index
      %swap3A_433 = arith.index_cast %add3A_431 : i32 to index
      %swap3A_434 = tpu.vector_load %arg9[%swap3A_432, %swap3A_433] {strides = array<i32>} : memref<16x2048xi32, #tpu.memory_space<vmem>>, vector<16xi32>,
      tpu.vector_store %arg9[%swap3A_432, %swap3A_433], %broadcast_in_dim3A_1 {strides = array<i32>} : memref<16x2048xi32, #tpu.memory_space<vmem>>, vector<16xi32>,
      %add3A_435 = arith.constant 16 : i32
      %add3A_436 = arith.addi %multiple_of3A_429, %add3A_435 : i32
      %swap3A_437 = arith.index_cast %scan3A_177 : i32 to index
      %swap3A_438 = arith.index_cast %add3A_436 : i32 to index
      %swap3A_439 = tpu.vector_load %arg9[%swap3A_437, %swap3A_438] {strides = array<i32>} : memref<16x2048xi32, #tpu.memory_space<vmem>>, vector<16xi32>,
      tpu.vector_store %arg9[%swap3A_437, %swap3A_438], %broadcast_in_dim3A_1 {strides = array<i32>} : memref<16x2048xi32, #tpu.memory_space<vmem>>, vector<16xi32>,
      %add3A_440 = arith.constant 32 : i32
      %add3A_441 = arith.addi %multiple_of3A_429, %add3A_440 : i32
      %swap3A_442 = arith.index_cast %scan3A_177 : i32 to index
      %swap3A_443 = arith.index_cast %add3A_441 : i32 to index
      %swap3A_444 = tpu.vector_load %arg9[%swap3A_442, %swap3A_443] {strides = array<i32>} : memref<16x2048xi32, #tpu.memory_space<vmem>>, vector<16xi32>,
      tpu.vector_store %arg9[%swap3A_442, %swap3A_443], %broadcast_in_dim3A_1 {strides = array<i32>} : memref<16x2048xi32, #tpu.memory_space<vmem>>, vector<16xi32>,
      %add3A_445 = arith.constant 48 : i32
      %add3A_446 = arith.addi %multiple_of3A_429, %add3A_445 : i32
      %swap3A_447 = arith.index_cast %scan3A_177 : i32 to index
      %swap3A_448 = arith.index_cast %add3A_446 : i32 to index
      %swap3A_449 = tpu.vector_load %arg9[%swap3A_447, %swap3A_448] {strides = array<i32>} : memref<16x2048xi32, #tpu.memory_space<vmem>>, vector<16xi32>,
      tpu.vector_store %arg9[%swap3A_447, %swap3A_448], %broadcast_in_dim3A_1 {strides = array<i32>} : memref<16x2048xi32, #tpu.memory_space<vmem>>, vector<16xi32>,
      %add3A_450 = arith.constant 64 : i32
      %add3A_451 = arith.addi %multiple_of3A_429, %add3A_450 : i32
      %swap3A_452 = arith.index_cast %scan3A_177 : i32 to index
      %swap3A_453 = arith.index_cast %add3A_451 : i32 to index
      %swap3A_454 = tpu.vector_load %arg9[%swap3A_452, %swap3A_453] {strides = array<i32>} : memref<16x2048xi32, #tpu.memory_space<vmem>>, vector<16xi32>,
      tpu.vector_store %arg9[%swap3A_452, %swap3A_453], %broadcast_in_dim3A_1 {strides = array<i32>} : memref<16x2048xi32, #tpu.memory_space<vmem>>, vector<16xi32>,
      %add3A_455 = arith.constant 80 : i32
      %add3A_456 = arith.addi %multiple_of3A_429, %add3A_455 : i32
      %swap3A_457 = arith.index_cast %scan3A_177 : i32 to index
      %swap3A_458 = arith.index_cast %add3A_456 : i32 to index
      %swap3A_459 = tpu.vector_load %arg9[%swap3A_457, %swap3A_458] {strides = array<i32>} : memref<16x2048xi32, #tpu.memory_space<vmem>>, vector<16xi32>,
      tpu.vector_store %arg9[%swap3A_457, %swap3A_458], %broadcast_in_dim3A_1 {strides = array<i32>} : memref<16x2048xi32, #tpu.memory_space<vmem>>, vector<16xi32>,
      %add3A_460 = arith.constant 96 : i32
      %add3A_461 = arith.addi %multiple_of3A_429, %add3A_460 : i32
      %swap3A_462 = arith.index_cast %scan3A_177 : i32 to index
      %swap3A_463 = arith.index_cast %add3A_461 : i32 to index
      %swap3A_464 = tpu.vector_load %arg9[%swap3A_462, %swap3A_463] {strides = array<i32>} : memref<16x2048xi32, #tpu.memory_space<vmem>>, vector<16xi32>,
      tpu.vector_store %arg9[%swap3A_462, %swap3A_463], %broadcast_in_dim3A_1 {strides = array<i32>} : memref<16x2048xi32, #tpu.memory_space<vmem>>, vector<16xi32>,
      %add3A_465 = arith.constant 112 : i32
      %add3A_466 = arith.addi %multiple_of3A_429, %add3A_465 : i32
      %swap3A_467 = arith.index_cast %scan3A_177 : i32 to index
      %swap3A_468 = arith.index_cast %add3A_466 : i32 to index
      %swap3A_469 = tpu.vector_load %arg9[%swap3A_467, %swap3A_468] {strides = array<i32>} : memref<16x2048xi32, #tpu.memory_space<vmem>>, vector<16xi32>,
      tpu.vector_store %arg9[%swap3A_467, %swap3A_468], %broadcast_in_dim3A_1 {strides = array<i32>} : memref<16x2048xi32, #tpu.memory_space<vmem>>, vector<16xi32>,
      %multiple_of3A_470 = arith.constant 896 : i32
      %multiple_of3A_471 = tpu.assume_multiple %multiple_of3A_470, 128 : i32
      %add3A_472 = arith.constant 0 : i32
      %add3A_473 = arith.addi %multiple_of3A_471, %add3A_472 : i32
      %swap3A_474 = arith.index_cast %scan3A_177 : i32 to index
      %swap3A_475 = arith.index_cast %add3A_473 : i32 to index
      %swap3A_476 = tpu.vector_load %arg9[%swap3A_474, %swap3A_475] {strides = array<i32>} : memref<16x2048xi32, #tpu.memory_space<vmem>>, vector<16xi32>,
      tpu.vector_store %arg9[%swap3A_474, %swap3A_475], %broadcast_in_dim3A_1 {strides = array<i32>} : memref<16x2048xi32, #tpu.memory_space<vmem>>, vector<16xi32>,
      %add3A_477 = arith.constant 16 : i32
      %add3A_478 = arith.addi %multiple_of3A_471, %add3A_477 : i32
      %swap3A_479 = arith.index_cast %scan3A_177 : i32 to index
      %swap3A_480 = arith.index_cast %add3A_478 : i32 to index
      %swap3A_481 = tpu.vector_load %arg9[%swap3A_479, %swap3A_480] {strides = array<i32>} : memref<16x2048xi32, #tpu.memory_space<vmem>>, vector<16xi32>,
      tpu.vector_store %arg9[%swap3A_479, %swap3A_480], %broadcast_in_dim3A_1 {strides = array<i32>} : memref<16x2048xi32, #tpu.memory_space<vmem>>, vector<16xi32>,
      %add3A_482 = arith.constant 32 : i32
      %add3A_483 = arith.addi %multiple_of3A_471, %add3A_482 : i32
      %swap3A_484 = arith.index_cast %scan3A_177 : i32 to index
      %swap3A_485 = arith.index_cast %add3A_483 : i32 to index
      %swap3A_486 = tpu.vector_load %arg9[%swap3A_484, %swap3A_485] {strides = array<i32>} : memref<16x2048xi32, #tpu.memory_space<vmem>>, vector<16xi32>,
      tpu.vector_store %arg9[%swap3A_484, %swap3A_485], %broadcast_in_dim3A_1 {strides = array<i32>} : memref<16x2048xi32, #tpu.memory_space<vmem>>, vector<16xi32>,
      %add3A_487 = arith.constant 48 : i32
      %add3A_488 = arith.addi %multiple_of3A_471, %add3A_487 : i32
      %swap3A_489 = arith.index_cast %scan3A_177 : i32 to index
      %swap3A_490 = arith.index_cast %add3A_488 : i32 to index
      %swap3A_491 = tpu.vector_load %arg9[%swap3A_489, %swap3A_490] {strides = array<i32>} : memref<16x2048xi32, #tpu.memory_space<vmem>>, vector<16xi32>,
      tpu.vector_store %arg9[%swap3A_489, %swap3A_490], %broadcast_in_dim3A_1 {strides = array<i32>} : memref<16x2048xi32, #tpu.memory_space<vmem>>, vector<16xi32>,
      %add3A_492 = arith.constant 64 : i32
      %add3A_493 = arith.addi %multiple_of3A_471, %add3A_492 : i32
      %swap3A_494 = arith.index_cast %scan3A_177 : i32 to index
      %swap3A_495 = arith.index_cast %add3A_493 : i32 to index
      %swap3A_496 = tpu.vector_load %arg9[%swap3A_494, %swap3A_495] {strides = array<i32>} : memref<16x2048xi32, #tpu.memory_space<vmem>>, vector<16xi32>,
      tpu.vector_store %arg9[%swap3A_494, %swap3A_495], %broadcast_in_dim3A_1 {strides = array<i32>} : memref<16x2048xi32, #tpu.memory_space<vmem>>, vector<16xi32>,
      %add3A_497 = arith.constant 80 : i32
      %add3A_498 = arith.addi %multiple_of3A_471, %add3A_497 : i32
      %swap3A_499 = arith.index_cast %scan3A_177 : i32 to index
      %swap3A_500 = arith.index_cast %add3A_498 : i32 to index
      %swap3A_501 = tpu.vector_load %arg9[%swap3A_499, %swap3A_500] {strides = array<i32>} : memref<16x2048xi32, #tpu.memory_space<vmem>>, vector<16xi32>,
      tpu.vector_store %arg9[%swap3A_499, %swap3A_500], %broadcast_in_dim3A_1 {strides = array<i32>} : memref<16x2048xi32, #tpu.memory_space<vmem>>, vector<16xi32>,
      %add3A_502 = arith.constant 96 : i32
      %add3A_503 = arith.addi %multiple_of3A_471, %add3A_502 : i32
      %swap3A_504 = arith.index_cast %scan3A_177 : i32 to index
      %swap3A_505 = arith.index_cast %add3A_503 : i32 to index
      %swap3A_506 = tpu.vector_load %arg9[%swap3A_504, %swap3A_505] {strides = array<i32>} : memref<16x2048xi32, #tpu.memory_space<vmem>>, vector<16xi32>,
      tpu.vector_store %arg9[%swap3A_504, %swap3A_505], %broadcast_in_dim3A_1 {strides = array<i32>} : memref<16x2048xi32, #tpu.memory_space<vmem>>, vector<16xi32>,
      %add3A_507 = arith.constant 112 : i32
      %add3A_508 = arith.addi %multiple_of3A_471, %add3A_507 : i32
      %swap3A_509 = arith.index_cast %scan3A_177 : i32 to index
      %swap3A_510 = arith.index_cast %add3A_508 : i32 to index
      %swap3A_511 = tpu.vector_load %arg9[%swap3A_509, %swap3A_510] {strides = array<i32>} : memref<16x2048xi32, #tpu.memory_space<vmem>>, vector<16xi32>,
      tpu.vector_store %arg9[%swap3A_509, %swap3A_510], %broadcast_in_dim3A_1 {strides = array<i32>} : memref<16x2048xi32, #tpu.memory_space<vmem>>, vector<16xi32>,
      %multiple_of3A_512 = arith.constant 1024 : i32
      %multiple_of3A_513 = tpu.assume_multiple %multiple_of3A_512, 128 : i32
      %add3A_514 = arith.constant 0 : i32
      %add3A_515 = arith.addi %multiple_of3A_513, %add3A_514 : i32
      %swap3A_516 = arith.index_cast %scan3A_177 : i32 to index
      %swap3A_517 = arith.index_cast %add3A_515 : i32 to index
      %swap3A_518 = tpu.vector_load %arg9[%swap3A_516, %swap3A_517] {strides = array<i32>} : memref<16x2048xi32, #tpu.memory_space<vmem>>, vector<16xi32>,
      tpu.vector_store %arg9[%swap3A_516, %swap3A_517], %broadcast_in_dim3A_1 {strides = array<i32>} : memref<16x2048xi32, #tpu.memory_space<vmem>>, vector<16xi32>,
      %add3A_519 = arith.constant 16 : i32
      %add3A_520 = arith.addi %multiple_of3A_513, %add3A_519 : i32
      %swap3A_521 = arith.index_cast %scan3A_177 : i32 to index
      %swap3A_522 = arith.index_cast %add3A_520 : i32 to index
      %swap3A_523 = tpu.vector_load %arg9[%swap3A_521, %swap3A_522] {strides = array<i32>} : memref<16x2048xi32, #tpu.memory_space<vmem>>, vector<16xi32>,
      tpu.vector_store %arg9[%swap3A_521, %swap3A_522], %broadcast_in_dim3A_1 {strides = array<i32>} : memref<16x2048xi32, #tpu.memory_space<vmem>>, vector<16xi32>,
      %add3A_524 = arith.constant 32 : i32
      %add3A_525 = arith.addi %multiple_of3A_513, %add3A_524 : i32
      %swap3A_526 = arith.index_cast %scan3A_177 : i32 to index
      %swap3A_527 = arith.index_cast %add3A_525 : i32 to index
      %swap3A_528 = tpu.vector_load %arg9[%swap3A_526, %swap3A_527] {strides = array<i32>} : memref<16x2048xi32, #tpu.memory_space<vmem>>, vector<16xi32>,
      tpu.vector_store %arg9[%swap3A_526, %swap3A_527], %broadcast_in_dim3A_1 {strides = array<i32>} : memref<16x2048xi32, #tpu.memory_space<vmem>>, vector<16xi32>,
      %add3A_529 = arith.constant 48 : i32
      %add3A_530 = arith.addi %multiple_of3A_513, %add3A_529 : i32
      %swap3A_531 = arith.index_cast %scan3A_177 : i32 to index
      %swap3A_532 = arith.index_cast %add3A_530 : i32 to index
      %swap3A_533 = tpu.vector_load %arg9[%swap3A_531, %swap3A_532] {strides = array<i32>} : memref<16x2048xi32, #tpu.memory_space<vmem>>, vector<16xi32>,
      tpu.vector_store %arg9[%swap3A_531, %swap3A_532], %broadcast_in_dim3A_1 {strides = array<i32>} : memref<16x2048xi32, #tpu.memory_space<vmem>>, vector<16xi32>,
      %add3A_534 = arith.constant 64 : i32
      %add3A_535 = arith.addi %multiple_of3A_513, %add3A_534 : i32
      %swap3A_536 = arith.index_cast %scan3A_177 : i32 to index
      %swap3A_537 = arith.index_cast %add3A_535 : i32 to index
      %swap3A_538 = tpu.vector_load %arg9[%swap3A_536, %swap3A_537] {strides = array<i32>} : memref<16x2048xi32, #tpu.memory_space<vmem>>, vector<16xi32>,
      tpu.vector_store %arg9[%swap3A_536, %swap3A_537], %broadcast_in_dim3A_1 {strides = array<i32>} : memref<16x2048xi32, #tpu.memory_space<vmem>>, vector<16xi32>,
      %add3A_539 = arith.constant 80 : i32
      %add3A_540 = arith.addi %multiple_of3A_513, %add3A_539 : i32
      %swap3A_541 = arith.index_cast %scan3A_177 : i32 to index
      %swap3A_542 = arith.index_cast %add3A_540 : i32 to index
      %swap3A_543 = tpu.vector_load %arg9[%swap3A_541, %swap3A_542] {strides = array<i32>} : memref<16x2048xi32, #tpu.memory_space<vmem>>, vector<16xi32>,
      tpu.vector_store %arg9[%swap3A_541, %swap3A_542], %broadcast_in_dim3A_1 {strides = array<i32>} : memref<16x2048xi32, #tpu.memory_space<vmem>>, vector<16xi32>,
      %add3A_544 = arith.constant 96 : i32
      %add3A_545 = arith.addi %multiple_of3A_513, %add3A_544 : i32
      %swap3A_546 = arith.index_cast %scan3A_177 : i32 to index
      %swap3A_547 = arith.index_cast %add3A_545 : i32 to index
      %swap3A_548 = tpu.vector_load %arg9[%swap3A_546, %swap3A_547] {strides = array<i32>} : memref<16x2048xi32, #tpu.memory_space<vmem>>, vector<16xi32>,
      tpu.vector_store %arg9[%swap3A_546, %swap3A_547], %broadcast_in_dim3A_1 {strides = array<i32>} : memref<16x2048xi32, #tpu.memory_space<vmem>>, vector<16xi32>,
      %add3A_549 = arith.constant 112 : i32
      %add3A_550 = arith.addi %multiple_of3A_513, %add3A_549 : i32
      %swap3A_551 = arith.index_cast %scan3A_177 : i32 to index
      %swap3A_552 = arith.index_cast %add3A_550 : i32 to index
      %swap3A_553 = tpu.vector_load %arg9[%swap3A_551, %swap3A_552] {strides = array<i32>} : memref<16x2048xi32, #tpu.memory_space<vmem>>, vector<16xi32>,
      tpu.vector_store %arg9[%swap3A_551, %swap3A_552], %broadcast_in_dim3A_1 {strides = array<i32>} : memref<16x2048xi32, #tpu.memory_space<vmem>>, vector<16xi32>,
      %multiple_of3A_554 = arith.constant 1152 : i32
      %multiple_of3A_555 = tpu.assume_multiple %multiple_of3A_554, 128 : i32
      %add3A_556 = arith.constant 0 : i32
      %add3A_557 = arith.addi %multiple_of3A_555, %add3A_556 : i32
      %swap3A_558 = arith.index_cast %scan3A_177 : i32 to index
      %swap3A_559 = arith.index_cast %add3A_557 : i32 to index
      %swap3A_560 = tpu.vector_load %arg9[%swap3A_558, %swap3A_559] {strides = array<i32>} : memref<16x2048xi32, #tpu.memory_space<vmem>>, vector<16xi32>,
      tpu.vector_store %arg9[%swap3A_558, %swap3A_559], %broadcast_in_dim3A_1 {strides = array<i32>} : memref<16x2048xi32, #tpu.memory_space<vmem>>, vector<16xi32>,
      %add3A_561 = arith.constant 16 : i32
      %add3A_562 = arith.addi %multiple_of3A_555, %add3A_561 : i32
      %swap3A_563 = arith.index_cast %scan3A_177 : i32 to index
      %swap3A_564 = arith.index_cast %add3A_562 : i32 to index
      %swap3A_565 = tpu.vector_load %arg9[%swap3A_563, %swap3A_564] {strides = array<i32>} : memref<16x2048xi32, #tpu.memory_space<vmem>>, vector<16xi32>,
      tpu.vector_store %arg9[%swap3A_563, %swap3A_564], %broadcast_in_dim3A_1 {strides = array<i32>} : memref<16x2048xi32, #tpu.memory_space<vmem>>, vector<16xi32>,
      %add3A_566 = arith.constant 32 : i32
      %add3A_567 = arith.addi %multiple_of3A_555, %add3A_566 : i32
      %swap3A_568 = arith.index_cast %scan3A_177 : i32 to index
      %swap3A_569 = arith.index_cast %add3A_567 : i32 to index
      %swap3A_570 = tpu.vector_load %arg9[%swap3A_568, %swap3A_569] {strides = array<i32>} : memref<16x2048xi32, #tpu.memory_space<vmem>>, vector<16xi32>,
      tpu.vector_store %arg9[%swap3A_568, %swap3A_569], %broadcast_in_dim3A_1 {strides = array<i32>} : memref<16x2048xi32, #tpu.memory_space<vmem>>, vector<16xi32>,
      %add3A_571 = arith.constant 48 : i32
      %add3A_572 = arith.addi %multiple_of3A_555, %add3A_571 : i32
      %swap3A_573 = arith.index_cast %scan3A_177 : i32 to index
      %swap3A_574 = arith.index_cast %add3A_572 : i32 to index
      %swap3A_575 = tpu.vector_load %arg9[%swap3A_573, %swap3A_574] {strides = array<i32>} : memref<16x2048xi32, #tpu.memory_space<vmem>>, vector<16xi32>,
      tpu.vector_store %arg9[%swap3A_573, %swap3A_574], %broadcast_in_dim3A_1 {strides = array<i32>} : memref<16x2048xi32, #tpu.memory_space<vmem>>, vector<16xi32>,
      %add3A_576 = arith.constant 64 : i32
      %add3A_577 = arith.addi %multiple_of3A_555, %add3A_576 : i32
      %swap3A_578 = arith.index_cast %scan3A_177 : i32 to index
      %swap3A_579 = arith.index_cast %add3A_577 : i32 to index
      %swap3A_580 = tpu.vector_load %arg9[%swap3A_578, %swap3A_579] {strides = array<i32>} : memref<16x2048xi32, #tpu.memory_space<vmem>>, vector<16xi32>,
      tpu.vector_store %arg9[%swap3A_578, %swap3A_579], %broadcast_in_dim3A_1 {strides = array<i32>} : memref<16x2048xi32, #tpu.memory_space<vmem>>, vector<16xi32>,
      %add3A_581 = arith.constant 80 : i32
      %add3A_582 = arith.addi %multiple_of3A_555, %add3A_581 : i32
      %swap3A_583 = arith.index_cast %scan3A_177 : i32 to index
      %swap3A_584 = arith.index_cast %add3A_582 : i32 to index
      %swap3A_585 = tpu.vector_load %arg9[%swap3A_583, %swap3A_584] {strides = array<i32>} : memref<16x2048xi32, #tpu.memory_space<vmem>>, vector<16xi32>,
      tpu.vector_store %arg9[%swap3A_583, %swap3A_584], %broadcast_in_dim3A_1 {strides = array<i32>} : memref<16x2048xi32, #tpu.memory_space<vmem>>, vector<16xi32>,
      %add3A_586 = arith.constant 96 : i32
      %add3A_587 = arith.addi %multiple_of3A_555, %add3A_586 : i32
      %swap3A_588 = arith.index_cast %scan3A_177 : i32 to index
      %swap3A_589 = arith.index_cast %add3A_587 : i32 to index
      %swap3A_590 = tpu.vector_load %arg9[%swap3A_588, %swap3A_589] {strides = array<i32>} : memref<16x2048xi32, #tpu.memory_space<vmem>>, vector<16xi32>,
      tpu.vector_store %arg9[%swap3A_588, %swap3A_589], %broadcast_in_dim3A_1 {strides = array<i32>} : memref<16x2048xi32, #tpu.memory_space<vmem>>, vector<16xi32>,
      %add3A_591 = arith.constant 112 : i32
      %add3A_592 = arith.addi %multiple_of3A_555, %add3A_591 : i32
      %swap3A_593 = arith.index_cast %scan3A_177 : i32 to index
      %swap3A_594 = arith.index_cast %add3A_592 : i32 to index
      %swap3A_595 = tpu.vector_load %arg9[%swap3A_593, %swap3A_594] {strides = array<i32>} : memref<16x2048xi32, #tpu.memory_space<vmem>>, vector<16xi32>,
      tpu.vector_store %arg9[%swap3A_593, %swap3A_594], %broadcast_in_dim3A_1 {strides = array<i32>} : memref<16x2048xi32, #tpu.memory_space<vmem>>, vector<16xi32>,
      %multiple_of3A_596 = arith.constant 1280 : i32
      %multiple_of3A_597 = tpu.assume_multiple %multiple_of3A_596, 128 : i32
      %add3A_598 = arith.constant 0 : i32
      %add3A_599 = arith.addi %multiple_of3A_597, %add3A_598 : i32
      %swap3A_600 = arith.index_cast %scan3A_177 : i32 to index
      %swap3A_601 = arith.index_cast %add3A_599 : i32 to index
      %swap3A_602 = tpu.vector_load %arg9[%swap3A_600, %swap3A_601] {strides = array<i32>} : memref<16x2048xi32, #tpu.memory_space<vmem>>, vector<16xi32>,
      tpu.vector_store %arg9[%swap3A_600, %swap3A_601], %broadcast_in_dim3A_1 {strides = array<i32>} : memref<16x2048xi32, #tpu.memory_space<vmem>>, vector<16xi32>,
      %add3A_603 = arith.constant 16 : i32
      %add3A_604 = arith.addi %multiple_of3A_597, %add3A_603 : i32
      %swap3A_605 = arith.index_cast %scan3A_177 : i32 to index
      %swap3A_606 = arith.index_cast %add3A_604 : i32 to index
      %swap3A_607 = tpu.vector_load %arg9[%swap3A_605, %swap3A_606] {strides = array<i32>} : memref<16x2048xi32, #tpu.memory_space<vmem>>, vector<16xi32>,
      tpu.vector_store %arg9[%swap3A_605, %swap3A_606], %broadcast_in_dim3A_1 {strides = array<i32>} : memref<16x2048xi32, #tpu.memory_space<vmem>>, vector<16xi32>,
      %add3A_608 = arith.constant 32 : i32
      %add3A_609 = arith.addi %multiple_of3A_597, %add3A_608 : i32
      %swap3A_610 = arith.index_cast %scan3A_177 : i32 to index
      %swap3A_611 = arith.index_cast %add3A_609 : i32 to index
      %swap3A_612 = tpu.vector_load %arg9[%swap3A_610, %swap3A_611] {strides = array<i32>} : memref<16x2048xi32, #tpu.memory_space<vmem>>, vector<16xi32>,
      tpu.vector_store %arg9[%swap3A_610, %swap3A_611], %broadcast_in_dim3A_1 {strides = array<i32>} : memref<16x2048xi32, #tpu.memory_space<vmem>>, vector<16xi32>,
      %add3A_613 = arith.constant 48 : i32
      %add3A_614 = arith.addi %multiple_of3A_597, %add3A_613 : i32
      %swap3A_615 = arith.index_cast %scan3A_177 : i32 to index
      %swap3A_616 = arith.index_cast %add3A_614 : i32 to index
      %swap3A_617 = tpu.vector_load %arg9[%swap3A_615, %swap3A_616] {strides = array<i32>} : memref<16x2048xi32, #tpu.memory_space<vmem>>, vector<16xi32>,
      tpu.vector_store %arg9[%swap3A_615, %swap3A_616], %broadcast_in_dim3A_1 {strides = array<i32>} : memref<16x2048xi32, #tpu.memory_space<vmem>>, vector<16xi32>,
      %add3A_618 = arith.constant 64 : i32
      %add3A_619 = arith.addi %multiple_of3A_597, %add3A_618 : i32
      %swap3A_620 = arith.index_cast %scan3A_177 : i32 to index
      %swap3A_621 = arith.index_cast %add3A_619 : i32 to index
      %swap3A_622 = tpu.vector_load %arg9[%swap3A_620, %swap3A_621] {strides = array<i32>} : memref<16x2048xi32, #tpu.memory_space<vmem>>, vector<16xi32>,
      tpu.vector_store %arg9[%swap3A_620, %swap3A_621], %broadcast_in_dim3A_1 {strides = array<i32>} : memref<16x2048xi32, #tpu.memory_space<vmem>>, vector<16xi32>,
      %add3A_623 = arith.constant 80 : i32
      %add3A_624 = arith.addi %multiple_of3A_597, %add3A_623 : i32
      %swap3A_625 = arith.index_cast %scan3A_177 : i32 to index
      %swap3A_626 = arith.index_cast %add3A_624 : i32 to index
      %swap3A_627 = tpu.vector_load %arg9[%swap3A_625, %swap3A_626] {strides = array<i32>} : memref<16x2048xi32, #tpu.memory_space<vmem>>, vector<16xi32>,
      tpu.vector_store %arg9[%swap3A_625, %swap3A_626], %broadcast_in_dim3A_1 {strides = array<i32>} : memref<16x2048xi32, #tpu.memory_space<vmem>>, vector<16xi32>,
      %add3A_628 = arith.constant 96 : i32
      %add3A_629 = arith.addi %multiple_of3A_597, %add3A_628 : i32
      %swap3A_630 = arith.index_cast %scan3A_177 : i32 to index
      %swap3A_631 = arith.index_cast %add3A_629 : i32 to index
      %swap3A_632 = tpu.vector_load %arg9[%swap3A_630, %swap3A_631] {strides = array<i32>} : memref<16x2048xi32, #tpu.memory_space<vmem>>, vector<16xi32>,
      tpu.vector_store %arg9[%swap3A_630, %swap3A_631], %broadcast_in_dim3A_1 {strides = array<i32>} : memref<16x2048xi32, #tpu.memory_space<vmem>>, vector<16xi32>,
      %add3A_633 = arith.constant 112 : i32
      %add3A_634 = arith.addi %multiple_of3A_597, %add3A_633 : i32
      %swap3A_635 = arith.index_cast %scan3A_177 : i32 to index
      %swap3A_636 = arith.index_cast %add3A_634 : i32 to index
      %swap3A_637 = tpu.vector_load %arg9[%swap3A_635, %swap3A_636] {strides = array<i32>} : memref<16x2048xi32, #tpu.memory_space<vmem>>, vector<16xi32>,
      tpu.vector_store %arg9[%swap3A_635, %swap3A_636], %broadcast_in_dim3A_1 {strides = array<i32>} : memref<16x2048xi32, #tpu.memory_space<vmem>>, vector<16xi32>,
      %multiple_of3A_638 = arith.constant 1408 : i32
      %multiple_of3A_639 = tpu.assume_multiple %multiple_of3A_638, 128 : i32
      %add3A_640 = arith.constant 0 : i32
      %add3A_641 = arith.addi %multiple_of3A_639, %add3A_640 : i32
      %swap3A_642 = arith.index_cast %scan3A_177 : i32 to index
      %swap3A_643 = arith.index_cast %add3A_641 : i32 to index
      %swap3A_644 = tpu.vector_load %arg9[%swap3A_642, %swap3A_643] {strides = array<i32>} : memref<16x2048xi32, #tpu.memory_space<vmem>>, vector<16xi32>,
      tpu.vector_store %arg9[%swap3A_642, %swap3A_643], %broadcast_in_dim3A_1 {strides = array<i32>} : memref<16x2048xi32, #tpu.memory_space<vmem>>, vector<16xi32>,
      %add3A_645 = arith.constant 16 : i32
      %add3A_646 = arith.addi %multiple_of3A_639, %add3A_645 : i32
      %swap3A_647 = arith.index_cast %scan3A_177 : i32 to index
      %swap3A_648 = arith.index_cast %add3A_646 : i32 to index
      %swap3A_649 = tpu.vector_load %arg9[%swap3A_647, %swap3A_648] {strides = array<i32>} : memref<16x2048xi32, #tpu.memory_space<vmem>>, vector<16xi32>,
      tpu.vector_store %arg9[%swap3A_647, %swap3A_648], %broadcast_in_dim3A_1 {strides = array<i32>} : memref<16x2048xi32, #tpu.memory_space<vmem>>, vector<16xi32>,
      %add3A_650 = arith.constant 32 : i32
      %add3A_651 = arith.addi %multiple_of3A_639, %add3A_650 : i32
      %swap3A_652 = arith.index_cast %scan3A_177 : i32 to index
      %swap3A_653 = arith.index_cast %add3A_651 : i32 to index
      %swap3A_654 = tpu.vector_load %arg9[%swap3A_652, %swap3A_653] {strides = array<i32>} : memref<16x2048xi32, #tpu.memory_space<vmem>>, vector<16xi32>,
      tpu.vector_store %arg9[%swap3A_652, %swap3A_653], %broadcast_in_dim3A_1 {strides = array<i32>} : memref<16x2048xi32, #tpu.memory_space<vmem>>, vector<16xi32>,
      %add3A_655 = arith.constant 48 : i32
      %add3A_656 = arith.addi %multiple_of3A_639, %add3A_655 : i32
      %swap3A_657 = arith.index_cast %scan3A_177 : i32 to index
      %swap3A_658 = arith.index_cast %add3A_656 : i32 to index
      %swap3A_659 = tpu.vector_load %arg9[%swap3A_657, %swap3A_658] {strides = array<i32>} : memref<16x2048xi32, #tpu.memory_space<vmem>>, vector<16xi32>,
      tpu.vector_store %arg9[%swap3A_657, %swap3A_658], %broadcast_in_dim3A_1 {strides = array<i32>} : memref<16x2048xi32, #tpu.memory_space<vmem>>, vector<16xi32>,
      %add3A_660 = arith.constant 64 : i32
      %add3A_661 = arith.addi %multiple_of3A_639, %add3A_660 : i32
      %swap3A_662 = arith.index_cast %scan3A_177 : i32 to index
      %swap3A_663 = arith.index_cast %add3A_661 : i32 to index
      %swap3A_664 = tpu.vector_load %arg9[%swap3A_662, %swap3A_663] {strides = array<i32>} : memref<16x2048xi32, #tpu.memory_space<vmem>>, vector<16xi32>,
      tpu.vector_store %arg9[%swap3A_662, %swap3A_663], %broadcast_in_dim3A_1 {strides = array<i32>} : memref<16x2048xi32, #tpu.memory_space<vmem>>, vector<16xi32>,
      %add3A_665 = arith.constant 80 : i32
      %add3A_666 = arith.addi %multiple_of3A_639, %add3A_665 : i32
      %swap3A_667 = arith.index_cast %scan3A_177 : i32 to index
      %swap3A_668 = arith.index_cast %add3A_666 : i32 to index
      %swap3A_669 = tpu.vector_load %arg9[%swap3A_667, %swap3A_668] {strides = array<i32>} : memref<16x2048xi32, #tpu.memory_space<vmem>>, vector<16xi32>,
      tpu.vector_store %arg9[%swap3A_667, %swap3A_668], %broadcast_in_dim3A_1 {strides = array<i32>} : memref<16x2048xi32, #tpu.memory_space<vmem>>, vector<16xi32>,
      %add3A_670 = arith.constant 96 : i32
      %add3A_671 = arith.addi %multiple_of3A_639, %add3A_670 : i32
      %swap3A_672 = arith.index_cast %scan3A_177 : i32 to index
      %swap3A_673 = arith.index_cast %add3A_671 : i32 to index
      %swap3A_674 = tpu.vector_load %arg9[%swap3A_672, %swap3A_673] {strides = array<i32>} : memref<16x2048xi32, #tpu.memory_space<vmem>>, vector<16xi32>,
      tpu.vector_store %arg9[%swap3A_672, %swap3A_673], %broadcast_in_dim3A_1 {strides = array<i32>} : memref<16x2048xi32, #tpu.memory_space<vmem>>, vector<16xi32>,
      %add3A_675 = arith.constant 112 : i32
      %add3A_676 = arith.addi %multiple_of3A_639, %add3A_675 : i32
      %swap3A_677 = arith.index_cast %scan3A_177 : i32 to index
      %swap3A_678 = arith.index_cast %add3A_676 : i32 to index
      %swap3A_679 = tpu.vector_load %arg9[%swap3A_677, %swap3A_678] {strides = array<i32>} : memref<16x2048xi32, #tpu.memory_space<vmem>>, vector<16xi32>,
      tpu.vector_store %arg9[%swap3A_677, %swap3A_678], %broadcast_in_dim3A_1 {strides = array<i32>} : memref<16x2048xi32, #tpu.memory_space<vmem>>, vector<16xi32>,
      %multiple_of3A_680 = arith.constant 1536 : i32
      %multiple_of3A_681 = tpu.assume_multiple %multiple_of3A_680, 128 : i32
      %add3A_682 = arith.constant 0 : i32
      %add3A_683 = arith.addi %multiple_of3A_681, %add3A_682 : i32
      %swap3A_684 = arith.index_cast %scan3A_177 : i32 to index
      %swap3A_685 = arith.index_cast %add3A_683 : i32 to index
      %swap3A_686 = tpu.vector_load %arg9[%swap3A_684, %swap3A_685] {strides = array<i32>} : memref<16x2048xi32, #tpu.memory_space<vmem>>, vector<16xi32>,
      tpu.vector_store %arg9[%swap3A_684, %swap3A_685], %broadcast_in_dim3A_1 {strides = array<i32>} : memref<16x2048xi32, #tpu.memory_space<vmem>>, vector<16xi32>,
      %add3A_687 = arith.constant 16 : i32
      %add3A_688 = arith.addi %multiple_of3A_681, %add3A_687 : i32
      %swap3A_689 = arith.index_cast %scan3A_177 : i32 to index
      %swap3A_690 = arith.index_cast %add3A_688 : i32 to index
      %swap3A_691 = tpu.vector_load %arg9[%swap3A_689, %swap3A_690] {strides = array<i32>} : memref<16x2048xi32, #tpu.memory_space<vmem>>, vector<16xi32>,
      tpu.vector_store %arg9[%swap3A_689, %swap3A_690], %broadcast_in_dim3A_1 {strides = array<i32>} : memref<16x2048xi32, #tpu.memory_space<vmem>>, vector<16xi32>,
      %add3A_692 = arith.constant 32 : i32
      %add3A_693 = arith.addi %multiple_of3A_681, %add3A_692 : i32
      %swap3A_694 = arith.index_cast %scan3A_177 : i32 to index
      %swap3A_695 = arith.index_cast %add3A_693 : i32 to index
      %swap3A_696 = tpu.vector_load %arg9[%swap3A_694, %swap3A_695] {strides = array<i32>} : memref<16x2048xi32, #tpu.memory_space<vmem>>, vector<16xi32>,
      tpu.vector_store %arg9[%swap3A_694, %swap3A_695], %broadcast_in_dim3A_1 {strides = array<i32>} : memref<16x2048xi32, #tpu.memory_space<vmem>>, vector<16xi32>,
      %add3A_697 = arith.constant 48 : i32
      %add3A_698 = arith.addi %multiple_of3A_681, %add3A_697 : i32
      %swap3A_699 = arith.index_cast %scan3A_177 : i32 to index
      %swap3A_700 = arith.index_cast %add3A_698 : i32 to index
      %swap3A_701 = tpu.vector_load %arg9[%swap3A_699, %swap3A_700] {strides = array<i32>} : memref<16x2048xi32, #tpu.memory_space<vmem>>, vector<16xi32>,
      tpu.vector_store %arg9[%swap3A_699, %swap3A_700], %broadcast_in_dim3A_1 {strides = array<i32>} : memref<16x2048xi32, #tpu.memory_space<vmem>>, vector<16xi32>,
      %add3A_702 = arith.constant 64 : i32
      %add3A_703 = arith.addi %multiple_of3A_681, %add3A_702 : i32
      %swap3A_704 = arith.index_cast %scan3A_177 : i32 to index
      %swap3A_705 = arith.index_cast %add3A_703 : i32 to index
      %swap3A_706 = tpu.vector_load %arg9[%swap3A_704, %swap3A_705] {strides = array<i32>} : memref<16x2048xi32, #tpu.memory_space<vmem>>, vector<16xi32>,
      tpu.vector_store %arg9[%swap3A_704, %swap3A_705], %broadcast_in_dim3A_1 {strides = array<i32>} : memref<16x2048xi32, #tpu.memory_space<vmem>>, vector<16xi32>,
      %add3A_707 = arith.constant 80 : i32
      %add3A_708 = arith.addi %multiple_of3A_681, %add3A_707 : i32
      %swap3A_709 = arith.index_cast %scan3A_177 : i32 to index
      %swap3A_710 = arith.index_cast %add3A_708 : i32 to index
      %swap3A_711 = tpu.vector_load %arg9[%swap3A_709, %swap3A_710] {strides = array<i32>} : memref<16x2048xi32, #tpu.memory_space<vmem>>, vector<16xi32>,
      tpu.vector_store %arg9[%swap3A_709, %swap3A_710], %broadcast_in_dim3A_1 {strides = array<i32>} : memref<16x2048xi32, #tpu.memory_space<vmem>>, vector<16xi32>,
      %add3A_712 = arith.constant 96 : i32
      %add3A_713 = arith.addi %multiple_of3A_681, %add3A_712 : i32
      %swap3A_714 = arith.index_cast %scan3A_177 : i32 to index
      %swap3A_715 = arith.index_cast %add3A_713 : i32 to index
      %swap3A_716 = tpu.vector_load %arg9[%swap3A_714, %swap3A_715] {strides = array<i32>} : memref<16x2048xi32, #tpu.memory_space<vmem>>, vector<16xi32>,
      tpu.vector_store %arg9[%swap3A_714, %swap3A_715], %broadcast_in_dim3A_1 {strides = array<i32>} : memref<16x2048xi32, #tpu.memory_space<vmem>>, vector<16xi32>,
      %add3A_717 = arith.constant 112 : i32
      %add3A_718 = arith.addi %multiple_of3A_681, %add3A_717 : i32
      %swap3A_719 = arith.index_cast %scan3A_177 : i32 to index
      %swap3A_720 = arith.index_cast %add3A_718 : i32 to index
      %swap3A_721 = tpu.vector_load %arg9[%swap3A_719, %swap3A_720] {strides = array<i32>} : memref<16x2048xi32, #tpu.memory_space<vmem>>, vector<16xi32>,
      tpu.vector_store %arg9[%swap3A_719, %swap3A_720], %broadcast_in_dim3A_1 {strides = array<i32>} : memref<16x2048xi32, #tpu.memory_space<vmem>>, vector<16xi32>,
      %multiple_of3A_722 = arith.constant 1664 : i32
      %multiple_of3A_723 = tpu.assume_multiple %multiple_of3A_722, 128 : i32
      %add3A_724 = arith.constant 0 : i32
      %add3A_725 = arith.addi %multiple_of3A_723, %add3A_724 : i32
      %swap3A_726 = arith.index_cast %scan3A_177 : i32 to index
      %swap3A_727 = arith.index_cast %add3A_725 : i32 to index
      %swap3A_728 = tpu.vector_load %arg9[%swap3A_726, %swap3A_727] {strides = array<i32>} : memref<16x2048xi32, #tpu.memory_space<vmem>>, vector<16xi32>,
      tpu.vector_store %arg9[%swap3A_726, %swap3A_727], %broadcast_in_dim3A_1 {strides = array<i32>} : memref<16x2048xi32, #tpu.memory_space<vmem>>, vector<16xi32>,
      %add3A_729 = arith.constant 16 : i32
      %add3A_730 = arith.addi %multiple_of3A_723, %add3A_729 : i32
      %swap3A_731 = arith.index_cast %scan3A_177 : i32 to index
      %swap3A_732 = arith.index_cast %add3A_730 : i32 to index
      %swap3A_733 = tpu.vector_load %arg9[%swap3A_731, %swap3A_732] {strides = array<i32>} : memref<16x2048xi32, #tpu.memory_space<vmem>>, vector<16xi32>,
      tpu.vector_store %arg9[%swap3A_731, %swap3A_732], %broadcast_in_dim3A_1 {strides = array<i32>} : memref<16x2048xi32, #tpu.memory_space<vmem>>, vector<16xi32>,
      %add3A_734 = arith.constant 32 : i32
      %add3A_735 = arith.addi %multiple_of3A_723, %add3A_734 : i32
      %swap3A_736 = arith.index_cast %scan3A_177 : i32 to index
      %swap3A_737 = arith.index_cast %add3A_735 : i32 to index
      %swap3A_738 = tpu.vector_load %arg9[%swap3A_736, %swap3A_737] {strides = array<i32>} : memref<16x2048xi32, #tpu.memory_space<vmem>>, vector<16xi32>,
      tpu.vector_store %arg9[%swap3A_736, %swap3A_737], %broadcast_in_dim3A_1 {strides = array<i32>} : memref<16x2048xi32, #tpu.memory_space<vmem>>, vector<16xi32>,
      %add3A_739 = arith.constant 48 : i32
      %add3A_740 = arith.addi %multiple_of3A_723, %add3A_739 : i32
      %swap3A_741 = arith.index_cast %scan3A_177 : i32 to index
      %swap3A_742 = arith.index_cast %add3A_740 : i32 to index
      %swap3A_743 = tpu.vector_load %arg9[%swap3A_741, %swap3A_742] {strides = array<i32>} : memref<16x2048xi32, #tpu.memory_space<vmem>>, vector<16xi32>,
      tpu.vector_store %arg9[%swap3A_741, %swap3A_742], %broadcast_in_dim3A_1 {strides = array<i32>} : memref<16x2048xi32, #tpu.memory_space<vmem>>, vector<16xi32>,
      %add3A_744 = arith.constant 64 : i32
      %add3A_745 = arith.addi %multiple_of3A_723, %add3A_744 : i32
      %swap3A_746 = arith.index_cast %scan3A_177 : i32 to index
      %swap3A_747 = arith.index_cast %add3A_745 : i32 to index
      %swap3A_748 = tpu.vector_load %arg9[%swap3A_746, %swap3A_747] {strides = array<i32>} : memref<16x2048xi32, #tpu.memory_space<vmem>>, vector<16xi32>,
      tpu.vector_store %arg9[%swap3A_746, %swap3A_747], %broadcast_in_dim3A_1 {strides = array<i32>} : memref<16x2048xi32, #tpu.memory_space<vmem>>, vector<16xi32>,
      %add3A_749 = arith.constant 80 : i32
      %add3A_750 = arith.addi %multiple_of3A_723, %add3A_749 : i32
      %swap3A_751 = arith.index_cast %scan3A_177 : i32 to index
      %swap3A_752 = arith.index_cast %add3A_750 : i32 to index
      %swap3A_753 = tpu.vector_load %arg9[%swap3A_751, %swap3A_752] {strides = array<i32>} : memref<16x2048xi32, #tpu.memory_space<vmem>>, vector<16xi32>,
      tpu.vector_store %arg9[%swap3A_751, %swap3A_752], %broadcast_in_dim3A_1 {strides = array<i32>} : memref<16x2048xi32, #tpu.memory_space<vmem>>, vector<16xi32>,
      %add3A_754 = arith.constant 96 : i32
      %add3A_755 = arith.addi %multiple_of3A_723, %add3A_754 : i32
      %swap3A_756 = arith.index_cast %scan3A_177 : i32 to index
      %swap3A_757 = arith.index_cast %add3A_755 : i32 to index
      %swap3A_758 = tpu.vector_load %arg9[%swap3A_756, %swap3A_757] {strides = array<i32>} : memref<16x2048xi32, #tpu.memory_space<vmem>>, vector<16xi32>,
      tpu.vector_store %arg9[%swap3A_756, %swap3A_757], %broadcast_in_dim3A_1 {strides = array<i32>} : memref<16x2048xi32, #tpu.memory_space<vmem>>, vector<16xi32>,
      %add3A_759 = arith.constant 112 : i32
      %add3A_760 = arith.addi %multiple_of3A_723, %add3A_759 : i32
      %swap3A_761 = arith.index_cast %scan3A_177 : i32 to index
      %swap3A_762 = arith.index_cast %add3A_760 : i32 to index
      %swap3A_763 = tpu.vector_load %arg9[%swap3A_761, %swap3A_762] {strides = array<i32>} : memref<16x2048xi32, #tpu.memory_space<vmem>>, vector<16xi32>,
      tpu.vector_store %arg9[%swap3A_761, %swap3A_762], %broadcast_in_dim3A_1 {strides = array<i32>} : memref<16x2048xi32, #tpu.memory_space<vmem>>, vector<16xi32>,
      %multiple_of3A_764 = arith.constant 1792 : i32
      %multiple_of3A_765 = tpu.assume_multiple %multiple_of3A_764, 128 : i32
      %add3A_766 = arith.constant 0 : i32
      %add3A_767 = arith.addi %multiple_of3A_765, %add3A_766 : i32
      %swap3A_768 = arith.index_cast %scan3A_177 : i32 to index
      %swap3A_769 = arith.index_cast %add3A_767 : i32 to index
      %swap3A_770 = tpu.vector_load %arg9[%swap3A_768, %swap3A_769] {strides = array<i32>} : memref<16x2048xi32, #tpu.memory_space<vmem>>, vector<16xi32>,
      tpu.vector_store %arg9[%swap3A_768, %swap3A_769], %broadcast_in_dim3A_1 {strides = array<i32>} : memref<16x2048xi32, #tpu.memory_space<vmem>>, vector<16xi32>,
      %add3A_771 = arith.constant 16 : i32
      %add3A_772 = arith.addi %multiple_of3A_765, %add3A_771 : i32
      %swap3A_773 = arith.index_cast %scan3A_177 : i32 to index
      %swap3A_774 = arith.index_cast %add3A_772 : i32 to index
      %swap3A_775 = tpu.vector_load %arg9[%swap3A_773, %swap3A_774] {strides = array<i32>} : memref<16x2048xi32, #tpu.memory_space<vmem>>, vector<16xi32>,
      tpu.vector_store %arg9[%swap3A_773, %swap3A_774], %broadcast_in_dim3A_1 {strides = array<i32>} : memref<16x2048xi32, #tpu.memory_space<vmem>>, vector<16xi32>,
      %add3A_776 = arith.constant 32 : i32
      %add3A_777 = arith.addi %multiple_of3A_765, %add3A_776 : i32
      %swap3A_778 = arith.index_cast %scan3A_177 : i32 to index
      %swap3A_779 = arith.index_cast %add3A_777 : i32 to index
      %swap3A_780 = tpu.vector_load %arg9[%swap3A_778, %swap3A_779] {strides = array<i32>} : memref<16x2048xi32, #tpu.memory_space<vmem>>, vector<16xi32>,
      tpu.vector_store %arg9[%swap3A_778, %swap3A_779], %broadcast_in_dim3A_1 {strides = array<i32>} : memref<16x2048xi32, #tpu.memory_space<vmem>>, vector<16xi32>,
      %add3A_781 = arith.constant 48 : i32
      %add3A_782 = arith.addi %multiple_of3A_765, %add3A_781 : i32
      %swap3A_783 = arith.index_cast %scan3A_177 : i32 to index
      %swap3A_784 = arith.index_cast %add3A_782 : i32 to index
      %swap3A_785 = tpu.vector_load %arg9[%swap3A_783, %swap3A_784] {strides = array<i32>} : memref<16x2048xi32, #tpu.memory_space<vmem>>, vector<16xi32>,
      tpu.vector_store %arg9[%swap3A_783, %swap3A_784], %broadcast_in_dim3A_1 {strides = array<i32>} : memref<16x2048xi32, #tpu.memory_space<vmem>>, vector<16xi32>,
      %add3A_786 = arith.constant 64 : i32
      %add3A_787 = arith.addi %multiple_of3A_765, %add3A_786 : i32
      %swap3A_788 = arith.index_cast %scan3A_177 : i32 to index
      %swap3A_789 = arith.index_cast %add3A_787 : i32 to index
      %swap3A_790 = tpu.vector_load %arg9[%swap3A_788, %swap3A_789] {strides = array<i32>} : memref<16x2048xi32, #tpu.memory_space<vmem>>, vector<16xi32>,
      tpu.vector_store %arg9[%swap3A_788, %swap3A_789], %broadcast_in_dim3A_1 {strides = array<i32>} : memref<16x2048xi32, #tpu.memory_space<vmem>>, vector<16xi32>,
      %add3A_791 = arith.constant 80 : i32
      %add3A_792 = arith.addi %multiple_of3A_765, %add3A_791 : i32
      %swap3A_793 = arith.index_cast %scan3A_177 : i32 to index
      %swap3A_794 = arith.index_cast %add3A_792 : i32 to index
      %swap3A_795 = tpu.vector_load %arg9[%swap3A_793, %swap3A_794] {strides = array<i32>} : memref<16x2048xi32, #tpu.memory_space<vmem>>, vector<16xi32>,
      tpu.vector_store %arg9[%swap3A_793, %swap3A_794], %broadcast_in_dim3A_1 {strides = array<i32>} : memref<16x2048xi32, #tpu.memory_space<vmem>>, vector<16xi32>,
      %add3A_796 = arith.constant 96 : i32
      %add3A_797 = arith.addi %multiple_of3A_765, %add3A_796 : i32
      %swap3A_798 = arith.index_cast %scan3A_177 : i32 to index
      %swap3A_799 = arith.index_cast %add3A_797 : i32 to index
      %swap3A_800 = tpu.vector_load %arg9[%swap3A_798, %swap3A_799] {strides = array<i32>} : memref<16x2048xi32, #tpu.memory_space<vmem>>, vector<16xi32>,
      tpu.vector_store %arg9[%swap3A_798, %swap3A_799], %broadcast_in_dim3A_1 {strides = array<i32>} : memref<16x2048xi32, #tpu.memory_space<vmem>>, vector<16xi32>,
      %add3A_801 = arith.constant 112 : i32
      %add3A_802 = arith.addi %multiple_of3A_765, %add3A_801 : i32
      %swap3A_803 = arith.index_cast %scan3A_177 : i32 to index
      %swap3A_804 = arith.index_cast %add3A_802 : i32 to index
      %swap3A_805 = tpu.vector_load %arg9[%swap3A_803, %swap3A_804] {strides = array<i32>} : memref<16x2048xi32, #tpu.memory_space<vmem>>, vector<16xi32>,
      tpu.vector_store %arg9[%swap3A_803, %swap3A_804], %broadcast_in_dim3A_1 {strides = array<i32>} : memref<16x2048xi32, #tpu.memory_space<vmem>>, vector<16xi32>,
      %multiple_of3A_806 = arith.constant 1920 : i32
      %multiple_of3A_807 = tpu.assume_multiple %multiple_of3A_806, 128 : i32
      %add3A_808 = arith.constant 0 : i32
      %add3A_809 = arith.addi %multiple_of3A_807, %add3A_808 : i32
      %swap3A_810 = arith.index_cast %scan3A_177 : i32 to index
      %swap3A_811 = arith.index_cast %add3A_809 : i32 to index
      %swap3A_812 = tpu.vector_load %arg9[%swap3A_810, %swap3A_811] {strides = array<i32>} : memref<16x2048xi32, #tpu.memory_space<vmem>>, vector<16xi32>,
      tpu.vector_store %arg9[%swap3A_810, %swap3A_811], %broadcast_in_dim3A_1 {strides = array<i32>} : memref<16x2048xi32, #tpu.memory_space<vmem>>, vector<16xi32>,
      %add3A_813 = arith.constant 16 : i32
      %add3A_814 = arith.addi %multiple_of3A_807, %add3A_813 : i32
      %swap3A_815 = arith.index_cast %scan3A_177 : i32 to index
      %swap3A_816 = arith.index_cast %add3A_814 : i32 to index
      %swap3A_817 = tpu.vector_load %arg9[%swap3A_815, %swap3A_816] {strides = array<i32>} : memref<16x2048xi32, #tpu.memory_space<vmem>>, vector<16xi32>,
      tpu.vector_store %arg9[%swap3A_815, %swap3A_816], %broadcast_in_dim3A_1 {strides = array<i32>} : memref<16x2048xi32, #tpu.memory_space<vmem>>, vector<16xi32>,
      %add3A_818 = arith.constant 32 : i32
      %add3A_819 = arith.addi %multiple_of3A_807, %add3A_818 : i32
      %swap3A_820 = arith.index_cast %scan3A_177 : i32 to index
      %swap3A_821 = arith.index_cast %add3A_819 : i32 to index
      %swap3A_822 = tpu.vector_load %arg9[%swap3A_820, %swap3A_821] {strides = array<i32>} : memref<16x2048xi32, #tpu.memory_space<vmem>>, vector<16xi32>,
      tpu.vector_store %arg9[%swap3A_820, %swap3A_821], %broadcast_in_dim3A_1 {strides = array<i32>} : memref<16x2048xi32, #tpu.memory_space<vmem>>, vector<16xi32>,
      %add3A_823 = arith.constant 48 : i32
      %add3A_824 = arith.addi %multiple_of3A_807, %add3A_823 : i32
      %swap3A_825 = arith.index_cast %scan3A_177 : i32 to index
      %swap3A_826 = arith.index_cast %add3A_824 : i32 to index
      %swap3A_827 = tpu.vector_load %arg9[%swap3A_825, %swap3A_826] {strides = array<i32>} : memref<16x2048xi32, #tpu.memory_space<vmem>>, vector<16xi32>,
      tpu.vector_store %arg9[%swap3A_825, %swap3A_826], %broadcast_in_dim3A_1 {strides = array<i32>} : memref<16x2048xi32, #tpu.memory_space<vmem>>, vector<16xi32>,
      %add3A_828 = arith.constant 64 : i32
      %add3A_829 = arith.addi %multiple_of3A_807, %add3A_828 : i32
      %swap3A_830 = arith.index_cast %scan3A_177 : i32 to index
      %swap3A_831 = arith.index_cast %add3A_829 : i32 to index
      %swap3A_832 = tpu.vector_load %arg9[%swap3A_830, %swap3A_831] {strides = array<i32>} : memref<16x2048xi32, #tpu.memory_space<vmem>>, vector<16xi32>,
      tpu.vector_store %arg9[%swap3A_830, %swap3A_831], %broadcast_in_dim3A_1 {strides = array<i32>} : memref<16x2048xi32, #tpu.memory_space<vmem>>, vector<16xi32>,
      %add3A_833 = arith.constant 80 : i32
      %add3A_834 = arith.addi %multiple_of3A_807, %add3A_833 : i32
      %swap3A_835 = arith.index_cast %scan3A_177 : i32 to index
      %swap3A_836 = arith.index_cast %add3A_834 : i32 to index
      %swap3A_837 = tpu.vector_load %arg9[%swap3A_835, %swap3A_836] {strides = array<i32>} : memref<16x2048xi32, #tpu.memory_space<vmem>>, vector<16xi32>,
      tpu.vector_store %arg9[%swap3A_835, %swap3A_836], %broadcast_in_dim3A_1 {strides = array<i32>} : memref<16x2048xi32, #tpu.memory_space<vmem>>, vector<16xi32>,
      %add3A_838 = arith.constant 96 : i32
      %add3A_839 = arith.addi %multiple_of3A_807, %add3A_838 : i32
      %swap3A_840 = arith.index_cast %scan3A_177 : i32 to index
      %swap3A_841 = arith.index_cast %add3A_839 : i32 to index
      %swap3A_842 = tpu.vector_load %arg9[%swap3A_840, %swap3A_841] {strides = array<i32>} : memref<16x2048xi32, #tpu.memory_space<vmem>>, vector<16xi32>,
      tpu.vector_store %arg9[%swap3A_840, %swap3A_841], %broadcast_in_dim3A_1 {strides = array<i32>} : memref<16x2048xi32, #tpu.memory_space<vmem>>, vector<16xi32>,
      %add3A_843 = arith.constant 112 : i32
      %add3A_844 = arith.addi %multiple_of3A_807, %add3A_843 : i32
      %swap3A_845 = arith.index_cast %scan3A_177 : i32 to index
      %swap3A_846 = arith.index_cast %add3A_844 : i32 to index
      %swap3A_847 = tpu.vector_load %arg9[%swap3A_845, %swap3A_846] {strides = array<i32>} : memref<16x2048xi32, #tpu.memory_space<vmem>>, vector<16xi32>,
      tpu.vector_store %arg9[%swap3A_845, %swap3A_846], %broadcast_in_dim3A_1 {strides = array<i32>} : memref<16x2048xi32, #tpu.memory_space<vmem>>, vector<16xi32>,
    }
    %scan3A_23 = arith.constant 16 : i32
    %add3A_24 = arith.constant 0 : i32
    %add3A_25 = arith.addi %mul3A_3, %add3A_24 : i32
    %mul3A_26 = arith.constant 128 : i32
    %mul3A_27 = arith.muli %add3A_25, %mul3A_26 : i32
    %dma_wait3A = tpu.memref_slice %arg3[%mul3A_27] : memref<262144xi32, #tpu.memory_space<hbm>> -> memref<4096xi32, #tpu.memory_space<hbm>>
    %dma_wait3A_28 = tpu.memref_slice %arg3[%mul3A_27] : memref<262144xi32, #tpu.memory_space<hbm>> -> memref<4096xi32, #tpu.memory_space<hbm>>
    tpu.wait_dma2 semaphore(%arg11 : memref<!tpu.dma_semaphore, #tpu.memory_space<semaphore_mem>>) src(%dma_wait3A_28 : memref<4096xi32, #tpu.memory_space<hbm>>) dst(%arg5 : memref<4096xi32, #tpu.memory_space<vmem>>)
    %dma_wait3A_29 = tpu.memref_slice %arg2[%mul3A_27] : memref<262144xf32, #tpu.memory_space<hbm>> -> memref<4096xf32, #tpu.memory_space<hbm>>
    %dma_wait3A_30 = tpu.memref_slice %arg2[%mul3A_27] : memref<262144xf32, #tpu.memory_space<hbm>> -> memref<4096xf32, #tpu.memory_space<hbm>>
    tpu.wait_dma2 semaphore(%arg11 : memref<!tpu.dma_semaphore, #tpu.memory_space<semaphore_mem>>) src(%dma_wait3A_30 : memref<4096xf32, #tpu.memory_space<hbm>>) dst(%arg7 : memref<4096xf32, #tpu.memory_space<vmem>>)
    %mul3A_31 = arith.constant 32 : i32
    %mul3A_32 = arith.muli %add3A, %mul3A_31 : i32
    %add3A_33 = arith.constant 0 : i32
    %add3A_34 = arith.addi %mul3A_32, %add3A_33 : i32
    %scan3A_35 = arith.constant 0 : i32
    %scan3A_36 = arith.constant 0 : i32
    %scan3A_37 = arith.constant 32 : i32
    %scan3A_38 = arith.addi %scan3A_36, %scan3A_37 : i32
    %scan3A_39 = arith.constant 1 : i32
    scf.for %scan3A_177 = %scan3A_36 to %scan3A_38 step %scan3A_39  : i32 {
      %mul3A_178 = arith.constant 4 : i32
      %mul3A_179 = arith.muli %mul3A_178, %scan3A_177 : i32
      %add3A_180 = arith.constant 0 : i32
      %add3A_181 = arith.addi %mul3A_179, %add3A_180 : i32
      %mul3A_182 = arith.constant 16 : i32
      %mul3A_183 = arith.muli %add3A_181, %mul3A_182 : i32
      %multiple_of3A = tpu.assume_multiple %mul3A_183, 16 : i32
      %get3A = arith.index_cast %multiple_of3A : i32 to index
      %get3A_184 = tpu.vector_load %arg5[%get3A] {strides = array<i32>} : memref<4096xi32, #tpu.memory_space<vmem>>, vector<16xi32>,
      %get3A_185 = arith.index_cast %multiple_of3A : i32 to index
      %get3A_186 = tpu.vector_load %arg7[%get3A_185] {strides = array<i32>} : memref<4096xf32, #tpu.memory_space<vmem>>, vector<16xf32>,
      %bitcast3A = vector.bitcast %get3A_186 : vector<16xf32> to vector<16xi32>
      %shift_right_logical3A = arith.constant 16 : i32
      %shift_right_logical3A_187 = vector.broadcast %shift_right_logical3A : i32 to vector<16xi32>
      %shift_right_logical3A_188 = arith.shrui %bitcast3A, %shift_right_logical3A_187 : vector<16xi32>
      %and3A = arith.constant 1 : i32
      %and3A_189 = vector.broadcast %and3A : i32 to vector<16xi32>
      %and3A_190 = arith.andi %shift_right_logical3A_188, %and3A_189 : vector<16xi32>
      %add3A_191 = arith.constant 32767 : i32
      %add3A_192 = vector.broadcast %add3A_191 : i32 to vector<16xi32>
      %add3A_193 = arith.addi %bitcast3A, %add3A_192 : vector<16xi32>
      %add3A_194 = arith.addi %add3A_193, %and3A_190 : vector<16xi32>
      %shift_right_logical3A_195 = arith.constant 16 : i32
      %shift_right_logical3A_196 = vector.broadcast %shift_right_logical3A_195 : i32 to vector<16xi32>
      %shift_right_logical3A_197 = arith.shrui %add3A_194, %shift_right_logical3A_196 : vector<16xi32>
      %jit3A = arith.constant 8 : i32
      %div3A = arith.divsi %add3A_181, %jit3A : i32
      %sign3A = arith.constant 0 : i32
      %sign3A_198 = arith.cmpi sgt, %add3A_181, %sign3A : i32
      %sign3A_199 = arith.extui %sign3A_198 : i1 to i32
      %sign3A_200 = arith.constant 0 : i32
      %sign3A_201 = arith.cmpi slt, %add3A_181, %sign3A_200 : i32
      %sign3A_202 = arith.extui %sign3A_201 : i1 to i32
      %sign3A_203 = arith.subi %sign3A_199, %sign3A_202 : i32
      %sign3A_204 = arith.constant 0 : i32
      %sign3A_205 = arith.cmpi sgt, %jit3A, %sign3A_204 : i32
      %sign3A_206 = arith.extui %sign3A_205 : i1 to i32
      %sign3A_207 = arith.constant 0 : i32
      %sign3A_208 = arith.cmpi slt, %jit3A, %sign3A_207 : i32
      %sign3A_209 = arith.extui %sign3A_208 : i1 to i32
      %sign3A_210 = arith.subi %sign3A_206, %sign3A_209 : i32
      %ne3A = arith.cmpi ne, %sign3A_203, %sign3A_210 : i32
      %rem3A = arith.remsi %add3A_181, %jit3A : i32
      %ne3A_211 = arith.constant 0 : i32
      %ne3A_212 = arith.cmpi ne, %rem3A, %ne3A_211 : i32
      %and3A_213 = arith.andi %ne3A, %ne3A_212 : i1
      %sub3A = arith.constant 1 : i32
      %sub3A_214 = arith.subi %div3A, %sub3A : i32
      %select_n3A = arith.select %and3A_213, %sub3A_214, %div3A : i32
      %and3A_215 = arith.constant 1 : i32
      %and3A_216 = arith.andi %select_n3A, %and3A_215 : i32
      %mul3A_217 = arith.constant 16 : i32
      %mul3A_218 = arith.muli %and3A_216, %mul3A_217 : i32
      %shift_left3A = vector.broadcast %mul3A_218 : i32 to vector<16xi32>
      %shift_left3A_219 = arith.shli %shift_right_logical3A_197, %shift_left3A : vector<16xi32>
      %bitcast3A_220 = vector.bitcast %shift_left3A_219 : vector<16xi32> to vector<16xi32>
      %jit3A_221 = arith.constant 16 : i32
      %div3A_222 = arith.divsi %add3A_181, %jit3A_221 : i32
      %sign3A_223 = arith.constant 0 : i32
      %sign3A_224 = arith.cmpi sgt, %add3A_181, %sign3A_223 : i32
      %sign3A_225 = arith.extui %sign3A_224 : i1 to i32
      %sign3A_226 = arith.constant 0 : i32
      %sign3A_227 = arith.cmpi slt, %add3A_181, %sign3A_226 : i32
      %sign3A_228 = arith.extui %sign3A_227 : i1 to i32
      %sign3A_229 = arith.subi %sign3A_225, %sign3A_228 : i32
      %sign3A_230 = arith.constant 0 : i32
      %sign3A_231 = arith.cmpi sgt, %jit3A_221, %sign3A_230 : i32
      %sign3A_232 = arith.extui %sign3A_231 : i1 to i32
      %sign3A_233 = arith.constant 0 : i32
      %sign3A_234 = arith.cmpi slt, %jit3A_221, %sign3A_233 : i32
      %sign3A_235 = arith.extui %sign3A_234 : i1 to i32
      %sign3A_236 = arith.subi %sign3A_232, %sign3A_235 : i32
      %ne3A_237 = arith.cmpi ne, %sign3A_229, %sign3A_236 : i32
      %rem3A_238 = arith.remsi %add3A_181, %jit3A_221 : i32
      %ne3A_239 = arith.constant 0 : i32
      %ne3A_240 = arith.cmpi ne, %rem3A_238, %ne3A_239 : i32
      %and3A_241 = arith.andi %ne3A_237, %ne3A_240 : i1
      %sub3A_242 = arith.constant 1 : i32
      %sub3A_243 = arith.subi %div3A_222, %sub3A_242 : i32
      %select_n3A_244 = arith.select %and3A_241, %sub3A_243, %div3A_222 : i32
      %broadcast_in_dim3A_245 = vector.broadcast %select_n3A_244 : i32 to vector<16xi32>
      tpu.vector_store_idx %arg9[%broadcast_in_dim3A_245, %get3A_184], %bitcast3A_220 {add = true} : memref<16x2048xi32, #tpu.memory_space<vmem>>[vector<16xi32>, vector<16xi32>], vector<16xi32>,
      %mul3A_246 = arith.constant 4 : i32
      %mul3A_247 = arith.muli %mul3A_246, %scan3A_177 : i32
      %add3A_248 = arith.constant 1 : i32
      %add3A_249 = arith.addi %mul3A_247, %add3A_248 : i32
      %mul3A_250 = arith.constant 16 : i32
      %mul3A_251 = arith.muli %add3A_249, %mul3A_250 : i32
      %multiple_of3A_252 = tpu.assume_multiple %mul3A_251, 16 : i32
      %get3A_253 = arith.index_cast %multiple_of3A_252 : i32 to index
      %get3A_254 = tpu.vector_load %arg5[%get3A_253] {strides = array<i32>} : memref<4096xi32, #tpu.memory_space<vmem>>, vector<16xi32>,
      %get3A_255 = arith.index_cast %multiple_of3A_252 : i32 to index
      %get3A_256 = tpu.vector_load %arg7[%get3A_255] {strides = array<i32>} : memref<4096xf32, #tpu.memory_space<vmem>>, vector<16xf32>,
      %bitcast3A_257 = vector.bitcast %get3A_256 : vector<16xf32> to vector<16xi32>
      %shift_right_logical3A_258 = arith.constant 16 : i32
      %shift_right_logical3A_259 = vector.broadcast %shift_right_logical3A_258 : i32 to vector<16xi32>
      %shift_right_logical3A_260 = arith.shrui %bitcast3A_257, %shift_right_logical3A_259 : vector<16xi32>
      %and3A_261 = arith.constant 1 : i32
      %and3A_262 = vector.broadcast %and3A_261 : i32 to vector<16xi32>
      %and3A_263 = arith.andi %shift_right_logical3A_260, %and3A_262 : vector<16xi32>
      %add3A_264 = arith.constant 32767 : i32
      %add3A_265 = vector.broadcast %add3A_264 : i32 to vector<16xi32>
      %add3A_266 = arith.addi %bitcast3A_257, %add3A_265 : vector<16xi32>
      %add3A_267 = arith.addi %add3A_266, %and3A_263 : vector<16xi32>
      %shift_right_logical3A_268 = arith.constant 16 : i32
      %shift_right_logical3A_269 = vector.broadcast %shift_right_logical3A_268 : i32 to vector<16xi32>
      %shift_right_logical3A_270 = arith.shrui %add3A_267, %shift_right_logical3A_269 : vector<16xi32>
      %jit3A_271 = arith.constant 8 : i32
      %div3A_272 = arith.divsi %add3A_249, %jit3A_271 : i32
      %sign3A_273 = arith.constant 0 : i32
      %sign3A_274 = arith.cmpi sgt, %add3A_249, %sign3A_273 : i32
      %sign3A_275 = arith.extui %sign3A_274 : i1 to i32
      %sign3A_276 = arith.constant 0 : i32
      %sign3A_277 = arith.cmpi slt, %add3A_249, %sign3A_276 : i32
      %sign3A_278 = arith.extui %sign3A_277 : i1 to i32
      %sign3A_279 = arith.subi %sign3A_275, %sign3A_278 : i32
      %sign3A_280 = arith.constant 0 : i32
      %sign3A_281 = arith.cmpi sgt, %jit3A_271, %sign3A_280 : i32
      %sign3A_282 = arith.extui %sign3A_281 : i1 to i32
      %sign3A_283 = arith.constant 0 : i32
      %sign3A_284 = arith.cmpi slt, %jit3A_271, %sign3A_283 : i32
      %sign3A_285 = arith.extui %sign3A_284 : i1 to i32
      %sign3A_286 = arith.subi %sign3A_282, %sign3A_285 : i32
      %ne3A_287 = arith.cmpi ne, %sign3A_279, %sign3A_286 : i32
      %rem3A_288 = arith.remsi %add3A_249, %jit3A_271 : i32
      %ne3A_289 = arith.constant 0 : i32
      %ne3A_290 = arith.cmpi ne, %rem3A_288, %ne3A_289 : i32
      %and3A_291 = arith.andi %ne3A_287, %ne3A_290 : i1
      %sub3A_292 = arith.constant 1 : i32
      %sub3A_293 = arith.subi %div3A_272, %sub3A_292 : i32
      %select_n3A_294 = arith.select %and3A_291, %sub3A_293, %div3A_272 : i32
      %and3A_295 = arith.constant 1 : i32
      %and3A_296 = arith.andi %select_n3A_294, %and3A_295 : i32
      %mul3A_297 = arith.constant 16 : i32
      %mul3A_298 = arith.muli %and3A_296, %mul3A_297 : i32
      %shift_left3A_299 = vector.broadcast %mul3A_298 : i32 to vector<16xi32>
      %shift_left3A_300 = arith.shli %shift_right_logical3A_270, %shift_left3A_299 : vector<16xi32>
      %bitcast3A_301 = vector.bitcast %shift_left3A_300 : vector<16xi32> to vector<16xi32>
      %jit3A_302 = arith.constant 16 : i32
      %div3A_303 = arith.divsi %add3A_249, %jit3A_302 : i32
      %sign3A_304 = arith.constant 0 : i32
      %sign3A_305 = arith.cmpi sgt, %add3A_249, %sign3A_304 : i32
      %sign3A_306 = arith.extui %sign3A_305 : i1 to i32
      %sign3A_307 = arith.constant 0 : i32
      %sign3A_308 = arith.cmpi slt, %add3A_249, %sign3A_307 : i32
      %sign3A_309 = arith.extui %sign3A_308 : i1 to i32
      %sign3A_310 = arith.subi %sign3A_306, %sign3A_309 : i32
      %sign3A_311 = arith.constant 0 : i32
      %sign3A_312 = arith.cmpi sgt, %jit3A_302, %sign3A_311 : i32
      %sign3A_313 = arith.extui %sign3A_312 : i1 to i32
      %sign3A_314 = arith.constant 0 : i32
      %sign3A_315 = arith.cmpi slt, %jit3A_302, %sign3A_314 : i32
      %sign3A_316 = arith.extui %sign3A_315 : i1 to i32
      %sign3A_317 = arith.subi %sign3A_313, %sign3A_316 : i32
      %ne3A_318 = arith.cmpi ne, %sign3A_310, %sign3A_317 : i32
      %rem3A_319 = arith.remsi %add3A_249, %jit3A_302 : i32
      %ne3A_320 = arith.constant 0 : i32
      %ne3A_321 = arith.cmpi ne, %rem3A_319, %ne3A_320 : i32
      %and3A_322 = arith.andi %ne3A_318, %ne3A_321 : i1
      %sub3A_323 = arith.constant 1 : i32
      %sub3A_324 = arith.subi %div3A_303, %sub3A_323 : i32
      %select_n3A_325 = arith.select %and3A_322, %sub3A_324, %div3A_303 : i32
      %broadcast_in_dim3A_326 = vector.broadcast %select_n3A_325 : i32 to vector<16xi32>
      tpu.vector_store_idx %arg9[%broadcast_in_dim3A_326, %get3A_254], %bitcast3A_301 {add = true} : memref<16x2048xi32, #tpu.memory_space<vmem>>[vector<16xi32>, vector<16xi32>], vector<16xi32>,
      %mul3A_327 = arith.constant 4 : i32
      %mul3A_328 = arith.muli %mul3A_327, %scan3A_177 : i32
      %add3A_329 = arith.constant 2 : i32
      %add3A_330 = arith.addi %mul3A_328, %add3A_329 : i32
      %mul3A_331 = arith.constant 16 : i32
      %mul3A_332 = arith.muli %add3A_330, %mul3A_331 : i32
      %multiple_of3A_333 = tpu.assume_multiple %mul3A_332, 16 : i32
      %get3A_334 = arith.index_cast %multiple_of3A_333 : i32 to index
      %get3A_335 = tpu.vector_load %arg5[%get3A_334] {strides = array<i32>} : memref<4096xi32, #tpu.memory_space<vmem>>, vector<16xi32>,
      %get3A_336 = arith.index_cast %multiple_of3A_333 : i32 to index
      %get3A_337 = tpu.vector_load %arg7[%get3A_336] {strides = array<i32>} : memref<4096xf32, #tpu.memory_space<vmem>>, vector<16xf32>,
      %bitcast3A_338 = vector.bitcast %get3A_337 : vector<16xf32> to vector<16xi32>
      %shift_right_logical3A_339 = arith.constant 16 : i32
      %shift_right_logical3A_340 = vector.broadcast %shift_right_logical3A_339 : i32 to vector<16xi32>
      %shift_right_logical3A_341 = arith.shrui %bitcast3A_338, %shift_right_logical3A_340 : vector<16xi32>
      %and3A_342 = arith.constant 1 : i32
      %and3A_343 = vector.broadcast %and3A_342 : i32 to vector<16xi32>
      %and3A_344 = arith.andi %shift_right_logical3A_341, %and3A_343 : vector<16xi32>
      %add3A_345 = arith.constant 32767 : i32
      %add3A_346 = vector.broadcast %add3A_345 : i32 to vector<16xi32>
      %add3A_347 = arith.addi %bitcast3A_338, %add3A_346 : vector<16xi32>
      %add3A_348 = arith.addi %add3A_347, %and3A_344 : vector<16xi32>
      %shift_right_logical3A_349 = arith.constant 16 : i32
      %shift_right_logical3A_350 = vector.broadcast %shift_right_logical3A_349 : i32 to vector<16xi32>
      %shift_right_logical3A_351 = arith.shrui %add3A_348, %shift_right_logical3A_350 : vector<16xi32>
      %jit3A_352 = arith.constant 8 : i32
      %div3A_353 = arith.divsi %add3A_330, %jit3A_352 : i32
      %sign3A_354 = arith.constant 0 : i32
      %sign3A_355 = arith.cmpi sgt, %add3A_330, %sign3A_354 : i32
      %sign3A_356 = arith.extui %sign3A_355 : i1 to i32
      %sign3A_357 = arith.constant 0 : i32
      %sign3A_358 = arith.cmpi slt, %add3A_330, %sign3A_357 : i32
      %sign3A_359 = arith.extui %sign3A_358 : i1 to i32
      %sign3A_360 = arith.subi %sign3A_356, %sign3A_359 : i32
      %sign3A_361 = arith.constant 0 : i32
      %sign3A_362 = arith.cmpi sgt, %jit3A_352, %sign3A_361 : i32
      %sign3A_363 = arith.extui %sign3A_362 : i1 to i32
      %sign3A_364 = arith.constant 0 : i32
      %sign3A_365 = arith.cmpi slt, %jit3A_352, %sign3A_364 : i32
      %sign3A_366 = arith.extui %sign3A_365 : i1 to i32
      %sign3A_367 = arith.subi %sign3A_363, %sign3A_366 : i32
      %ne3A_368 = arith.cmpi ne, %sign3A_360, %sign3A_367 : i32
      %rem3A_369 = arith.remsi %add3A_330, %jit3A_352 : i32
      %ne3A_370 = arith.constant 0 : i32
      %ne3A_371 = arith.cmpi ne, %rem3A_369, %ne3A_370 : i32
      %and3A_372 = arith.andi %ne3A_368, %ne3A_371 : i1
      %sub3A_373 = arith.constant 1 : i32
      %sub3A_374 = arith.subi %div3A_353, %sub3A_373 : i32
      %select_n3A_375 = arith.select %and3A_372, %sub3A_374, %div3A_353 : i32
      %and3A_376 = arith.constant 1 : i32
      %and3A_377 = arith.andi %select_n3A_375, %and3A_376 : i32
      %mul3A_378 = arith.constant 16 : i32
      %mul3A_379 = arith.muli %and3A_377, %mul3A_378 : i32
      %shift_left3A_380 = vector.broadcast %mul3A_379 : i32 to vector<16xi32>
      %shift_left3A_381 = arith.shli %shift_right_logical3A_351, %shift_left3A_380 : vector<16xi32>
      %bitcast3A_382 = vector.bitcast %shift_left3A_381 : vector<16xi32> to vector<16xi32>
      %jit3A_383 = arith.constant 16 : i32
      %div3A_384 = arith.divsi %add3A_330, %jit3A_383 : i32
      %sign3A_385 = arith.constant 0 : i32
      %sign3A_386 = arith.cmpi sgt, %add3A_330, %sign3A_385 : i32
      %sign3A_387 = arith.extui %sign3A_386 : i1 to i32
      %sign3A_388 = arith.constant 0 : i32
      %sign3A_389 = arith.cmpi slt, %add3A_330, %sign3A_388 : i32
      %sign3A_390 = arith.extui %sign3A_389 : i1 to i32
      %sign3A_391 = arith.subi %sign3A_387, %sign3A_390 : i32
      %sign3A_392 = arith.constant 0 : i32
      %sign3A_393 = arith.cmpi sgt, %jit3A_383, %sign3A_392 : i32
      %sign3A_394 = arith.extui %sign3A_393 : i1 to i32
      %sign3A_395 = arith.constant 0 : i32
      %sign3A_396 = arith.cmpi slt, %jit3A_383, %sign3A_395 : i32
      %sign3A_397 = arith.extui %sign3A_396 : i1 to i32
      %sign3A_398 = arith.subi %sign3A_394, %sign3A_397 : i32
      %ne3A_399 = arith.cmpi ne, %sign3A_391, %sign3A_398 : i32
      %rem3A_400 = arith.remsi %add3A_330, %jit3A_383 : i32
      %ne3A_401 = arith.constant 0 : i32
      %ne3A_402 = arith.cmpi ne, %rem3A_400, %ne3A_401 : i32
      %and3A_403 = arith.andi %ne3A_399, %ne3A_402 : i1
      %sub3A_404 = arith.constant 1 : i32
      %sub3A_405 = arith.subi %div3A_384, %sub3A_404 : i32
      %select_n3A_406 = arith.select %and3A_403, %sub3A_405, %div3A_384 : i32
      %broadcast_in_dim3A_407 = vector.broadcast %select_n3A_406 : i32 to vector<16xi32>
      tpu.vector_store_idx %arg9[%broadcast_in_dim3A_407, %get3A_335], %bitcast3A_382 {add = true} : memref<16x2048xi32, #tpu.memory_space<vmem>>[vector<16xi32>, vector<16xi32>], vector<16xi32>,
      %mul3A_408 = arith.constant 4 : i32
      %mul3A_409 = arith.muli %mul3A_408, %scan3A_177 : i32
      %add3A_410 = arith.constant 3 : i32
      %add3A_411 = arith.addi %mul3A_409, %add3A_410 : i32
      %mul3A_412 = arith.constant 16 : i32
      %mul3A_413 = arith.muli %add3A_411, %mul3A_412 : i32
      %multiple_of3A_414 = tpu.assume_multiple %mul3A_413, 16 : i32
      %get3A_415 = arith.index_cast %multiple_of3A_414 : i32 to index
      %get3A_416 = tpu.vector_load %arg5[%get3A_415] {strides = array<i32>} : memref<4096xi32, #tpu.memory_space<vmem>>, vector<16xi32>,
      %get3A_417 = arith.index_cast %multiple_of3A_414 : i32 to index
      %get3A_418 = tpu.vector_load %arg7[%get3A_417] {strides = array<i32>} : memref<4096xf32, #tpu.memory_space<vmem>>, vector<16xf32>,
      %bitcast3A_419 = vector.bitcast %get3A_418 : vector<16xf32> to vector<16xi32>
      %shift_right_logical3A_420 = arith.constant 16 : i32
      %shift_right_logical3A_421 = vector.broadcast %shift_right_logical3A_420 : i32 to vector<16xi32>
      %shift_right_logical3A_422 = arith.shrui %bitcast3A_419, %shift_right_logical3A_421 : vector<16xi32>
      %and3A_423 = arith.constant 1 : i32
      %and3A_424 = vector.broadcast %and3A_423 : i32 to vector<16xi32>
      %and3A_425 = arith.andi %shift_right_logical3A_422, %and3A_424 : vector<16xi32>
      %add3A_426 = arith.constant 32767 : i32
      %add3A_427 = vector.broadcast %add3A_426 : i32 to vector<16xi32>
      %add3A_428 = arith.addi %bitcast3A_419, %add3A_427 : vector<16xi32>
      %add3A_429 = arith.addi %add3A_428, %and3A_425 : vector<16xi32>
      %shift_right_logical3A_430 = arith.constant 16 : i32
      %shift_right_logical3A_431 = vector.broadcast %shift_right_logical3A_430 : i32 to vector<16xi32>
      %shift_right_logical3A_432 = arith.shrui %add3A_429, %shift_right_logical3A_431 : vector<16xi32>
      %jit3A_433 = arith.constant 8 : i32
      %div3A_434 = arith.divsi %add3A_411, %jit3A_433 : i32
      %sign3A_435 = arith.constant 0 : i32
      %sign3A_436 = arith.cmpi sgt, %add3A_411, %sign3A_435 : i32
      %sign3A_437 = arith.extui %sign3A_436 : i1 to i32
      %sign3A_438 = arith.constant 0 : i32
      %sign3A_439 = arith.cmpi slt, %add3A_411, %sign3A_438 : i32
      %sign3A_440 = arith.extui %sign3A_439 : i1 to i32
      %sign3A_441 = arith.subi %sign3A_437, %sign3A_440 : i32
      %sign3A_442 = arith.constant 0 : i32
      %sign3A_443 = arith.cmpi sgt, %jit3A_433, %sign3A_442 : i32
      %sign3A_444 = arith.extui %sign3A_443 : i1 to i32
      %sign3A_445 = arith.constant 0 : i32
      %sign3A_446 = arith.cmpi slt, %jit3A_433, %sign3A_445 : i32
      %sign3A_447 = arith.extui %sign3A_446 : i1 to i32
      %sign3A_448 = arith.subi %sign3A_444, %sign3A_447 : i32
      %ne3A_449 = arith.cmpi ne, %sign3A_441, %sign3A_448 : i32
      %rem3A_450 = arith.remsi %add3A_411, %jit3A_433 : i32
      %ne3A_451 = arith.constant 0 : i32
      %ne3A_452 = arith.cmpi ne, %rem3A_450, %ne3A_451 : i32
      %and3A_453 = arith.andi %ne3A_449, %ne3A_452 : i1
      %sub3A_454 = arith.constant 1 : i32
      %sub3A_455 = arith.subi %div3A_434, %sub3A_454 : i32
      %select_n3A_456 = arith.select %and3A_453, %sub3A_455, %div3A_434 : i32
      %and3A_457 = arith.constant 1 : i32
      %and3A_458 = arith.andi %select_n3A_456, %and3A_457 : i32
      %mul3A_459 = arith.constant 16 : i32
      %mul3A_460 = arith.muli %and3A_458, %mul3A_459 : i32
      %shift_left3A_461 = vector.broadcast %mul3A_460 : i32 to vector<16xi32>
      %shift_left3A_462 = arith.shli %shift_right_logical3A_432, %shift_left3A_461 : vector<16xi32>
      %bitcast3A_463 = vector.bitcast %shift_left3A_462 : vector<16xi32> to vector<16xi32>
      %jit3A_464 = arith.constant 16 : i32
      %div3A_465 = arith.divsi %add3A_411, %jit3A_464 : i32
      %sign3A_466 = arith.constant 0 : i32
      %sign3A_467 = arith.cmpi sgt, %add3A_411, %sign3A_466 : i32
      %sign3A_468 = arith.extui %sign3A_467 : i1 to i32
      %sign3A_469 = arith.constant 0 : i32
      %sign3A_470 = arith.cmpi slt, %add3A_411, %sign3A_469 : i32
      %sign3A_471 = arith.extui %sign3A_470 : i1 to i32
      %sign3A_472 = arith.subi %sign3A_468, %sign3A_471 : i32
      %sign3A_473 = arith.constant 0 : i32
      %sign3A_474 = arith.cmpi sgt, %jit3A_464, %sign3A_473 : i32
      %sign3A_475 = arith.extui %sign3A_474 : i1 to i32
      %sign3A_476 = arith.constant 0 : i32
      %sign3A_477 = arith.cmpi slt, %jit3A_464, %sign3A_476 : i32
      %sign3A_478 = arith.extui %sign3A_477 : i1 to i32
      %sign3A_479 = arith.subi %sign3A_475, %sign3A_478 : i32
      %ne3A_480 = arith.cmpi ne, %sign3A_472, %sign3A_479 : i32
      %rem3A_481 = arith.remsi %add3A_411, %jit3A_464 : i32
      %ne3A_482 = arith.constant 0 : i32
      %ne3A_483 = arith.cmpi ne, %rem3A_481, %ne3A_482 : i32
      %and3A_484 = arith.andi %ne3A_480, %ne3A_483 : i1
      %sub3A_485 = arith.constant 1 : i32
      %sub3A_486 = arith.subi %div3A_465, %sub3A_485 : i32
      %select_n3A_487 = arith.select %and3A_484, %sub3A_486, %div3A_465 : i32
      %broadcast_in_dim3A_488 = vector.broadcast %select_n3A_487 : i32 to vector<16xi32>
      tpu.vector_store_idx %arg9[%broadcast_in_dim3A_488, %get3A_416], %bitcast3A_463 {add = true} : memref<16x2048xi32, #tpu.memory_space<vmem>>[vector<16xi32>, vector<16xi32>], vector<16xi32>,
    }
    %scan3A_40 = arith.constant 32 : i32
    %dma_start3A_41 = arith.constant 0 : i32
    %dma_start3A_42 = arith.constant 0 : i32
    %dma_start3A_43 = tpu.memref_slice %arg9[%dma_start3A_41, %dma_start3A_42] : memref<16x2048xi32, #tpu.memory_space<vmem>> -> memref<8x2048xi32, #tpu.memory_space<vmem>>
    %dma_start3A_44 = arith.constant 0 : i32
    %dma_start3A_45 = tpu.memref_slice %arg4[%add3A_34, %dma_start3A_44] : memref<1024x2048xi32, #tpu.memory_space<hbm>> -> memref<8x2048xi32, #tpu.memory_space<hbm>>
    %dma_start3A_46 = arith.constant 0 : i32
    %dma_start3A_47 = tpu.memref_slice %arg4[%add3A_34, %dma_start3A_46] : memref<1024x2048xi32, #tpu.memory_space<hbm>> -> memref<8x2048xi32, #tpu.memory_space<hbm>>
    %dma_start3A_48 = arith.constant 0 : i32
    %dma_start3A_49 = arith.constant 0 : i32
    %dma_start3A_50 = tpu.memref_slice %arg9[%dma_start3A_48, %dma_start3A_49] : memref<16x2048xi32, #tpu.memory_space<vmem>> -> memref<8x2048xi32, #tpu.memory_space<vmem>>
    tpu.enqueue_dma source(%dma_start3A_50 : memref<8x2048xi32, #tpu.memory_space<vmem>>) target(%dma_start3A_47 : memref<8x2048xi32, #tpu.memory_space<hbm>>) target_semaphore(%arg13 : memref<!tpu.dma_semaphore, #tpu.memory_space<semaphore_mem>>)
    %scan3A_51 = arith.constant 0 : i32
    %scan3A_52 = arith.constant 32 : i32
    %scan3A_53 = arith.constant 32 : i32
    %scan3A_54 = arith.addi %scan3A_52, %scan3A_53 : i32
    %scan3A_55 = arith.constant 1 : i32
    scf.for %scan3A_177 = %scan3A_52 to %scan3A_54 step %scan3A_55  : i32 {
      %mul3A_178 = arith.constant 4 : i32
      %mul3A_179 = arith.muli %mul3A_178, %scan3A_177 : i32
      %add3A_180 = arith.constant 0 : i32
      %add3A_181 = arith.addi %mul3A_179, %add3A_180 : i32
      %mul3A_182 = arith.constant 16 : i32
      %mul3A_183 = arith.muli %add3A_181, %mul3A_182 : i32
      %multiple_of3A = tpu.assume_multiple %mul3A_183, 16 : i32
      %get3A = arith.index_cast %multiple_of3A : i32 to index
      %get3A_184 = tpu.vector_load %arg5[%get3A] {strides = array<i32>} : memref<4096xi32, #tpu.memory_space<vmem>>, vector<16xi32>,
      %get3A_185 = arith.index_cast %multiple_of3A : i32 to index
      %get3A_186 = tpu.vector_load %arg7[%get3A_185] {strides = array<i32>} : memref<4096xf32, #tpu.memory_space<vmem>>, vector<16xf32>,
      %bitcast3A = vector.bitcast %get3A_186 : vector<16xf32> to vector<16xi32>
      %shift_right_logical3A = arith.constant 16 : i32
      %shift_right_logical3A_187 = vector.broadcast %shift_right_logical3A : i32 to vector<16xi32>
      %shift_right_logical3A_188 = arith.shrui %bitcast3A, %shift_right_logical3A_187 : vector<16xi32>
      %and3A = arith.constant 1 : i32
      %and3A_189 = vector.broadcast %and3A : i32 to vector<16xi32>
      %and3A_190 = arith.andi %shift_right_logical3A_188, %and3A_189 : vector<16xi32>
      %add3A_191 = arith.constant 32767 : i32
      %add3A_192 = vector.broadcast %add3A_191 : i32 to vector<16xi32>
      %add3A_193 = arith.addi %bitcast3A, %add3A_192 : vector<16xi32>
      %add3A_194 = arith.addi %add3A_193, %and3A_190 : vector<16xi32>
      %shift_right_logical3A_195 = arith.constant 16 : i32
      %shift_right_logical3A_196 = vector.broadcast %shift_right_logical3A_195 : i32 to vector<16xi32>
      %shift_right_logical3A_197 = arith.shrui %add3A_194, %shift_right_logical3A_196 : vector<16xi32>
      %jit3A = arith.constant 8 : i32
      %div3A = arith.divsi %add3A_181, %jit3A : i32
      %sign3A = arith.constant 0 : i32
      %sign3A_198 = arith.cmpi sgt, %add3A_181, %sign3A : i32
      %sign3A_199 = arith.extui %sign3A_198 : i1 to i32
      %sign3A_200 = arith.constant 0 : i32
      %sign3A_201 = arith.cmpi slt, %add3A_181, %sign3A_200 : i32
      %sign3A_202 = arith.extui %sign3A_201 : i1 to i32
      %sign3A_203 = arith.subi %sign3A_199, %sign3A_202 : i32
      %sign3A_204 = arith.constant 0 : i32
      %sign3A_205 = arith.cmpi sgt, %jit3A, %sign3A_204 : i32
      %sign3A_206 = arith.extui %sign3A_205 : i1 to i32
      %sign3A_207 = arith.constant 0 : i32
      %sign3A_208 = arith.cmpi slt, %jit3A, %sign3A_207 : i32
      %sign3A_209 = arith.extui %sign3A_208 : i1 to i32
      %sign3A_210 = arith.subi %sign3A_206, %sign3A_209 : i32
      %ne3A = arith.cmpi ne, %sign3A_203, %sign3A_210 : i32
      %rem3A = arith.remsi %add3A_181, %jit3A : i32
      %ne3A_211 = arith.constant 0 : i32
      %ne3A_212 = arith.cmpi ne, %rem3A, %ne3A_211 : i32
      %and3A_213 = arith.andi %ne3A, %ne3A_212 : i1
      %sub3A = arith.constant 1 : i32
      %sub3A_214 = arith.subi %div3A, %sub3A : i32
      %select_n3A = arith.select %and3A_213, %sub3A_214, %div3A : i32
      %and3A_215 = arith.constant 1 : i32
      %and3A_216 = arith.andi %select_n3A, %and3A_215 : i32
      %mul3A_217 = arith.constant 16 : i32
      %mul3A_218 = arith.muli %and3A_216, %mul3A_217 : i32
      %shift_left3A = vector.broadcast %mul3A_218 : i32 to vector<16xi32>
      %shift_left3A_219 = arith.shli %shift_right_logical3A_197, %shift_left3A : vector<16xi32>
      %bitcast3A_220 = vector.bitcast %shift_left3A_219 : vector<16xi32> to vector<16xi32>
      %jit3A_221 = arith.constant 16 : i32
      %div3A_222 = arith.divsi %add3A_181, %jit3A_221 : i32
      %sign3A_223 = arith.constant 0 : i32
      %sign3A_224 = arith.cmpi sgt, %add3A_181, %sign3A_223 : i32
      %sign3A_225 = arith.extui %sign3A_224 : i1 to i32
      %sign3A_226 = arith.constant 0 : i32
      %sign3A_227 = arith.cmpi slt, %add3A_181, %sign3A_226 : i32
      %sign3A_228 = arith.extui %sign3A_227 : i1 to i32
      %sign3A_229 = arith.subi %sign3A_225, %sign3A_228 : i32
      %sign3A_230 = arith.constant 0 : i32
      %sign3A_231 = arith.cmpi sgt, %jit3A_221, %sign3A_230 : i32
      %sign3A_232 = arith.extui %sign3A_231 : i1 to i32
      %sign3A_233 = arith.constant 0 : i32
      %sign3A_234 = arith.cmpi slt, %jit3A_221, %sign3A_233 : i32
      %sign3A_235 = arith.extui %sign3A_234 : i1 to i32
      %sign3A_236 = arith.subi %sign3A_232, %sign3A_235 : i32
      %ne3A_237 = arith.cmpi ne, %sign3A_229, %sign3A_236 : i32
      %rem3A_238 = arith.remsi %add3A_181, %jit3A_221 : i32
      %ne3A_239 = arith.constant 0 : i32
      %ne3A_240 = arith.cmpi ne, %rem3A_238, %ne3A_239 : i32
      %and3A_241 = arith.andi %ne3A_237, %ne3A_240 : i1
      %sub3A_242 = arith.constant 1 : i32
      %sub3A_243 = arith.subi %div3A_222, %sub3A_242 : i32
      %select_n3A_244 = arith.select %and3A_241, %sub3A_243, %div3A_222 : i32
      %broadcast_in_dim3A_245 = vector.broadcast %select_n3A_244 : i32 to vector<16xi32>
      tpu.vector_store_idx %arg9[%broadcast_in_dim3A_245, %get3A_184], %bitcast3A_220 {add = true} : memref<16x2048xi32, #tpu.memory_space<vmem>>[vector<16xi32>, vector<16xi32>], vector<16xi32>,
      %mul3A_246 = arith.constant 4 : i32
      %mul3A_247 = arith.muli %mul3A_246, %scan3A_177 : i32
      %add3A_248 = arith.constant 1 : i32
      %add3A_249 = arith.addi %mul3A_247, %add3A_248 : i32
      %mul3A_250 = arith.constant 16 : i32
      %mul3A_251 = arith.muli %add3A_249, %mul3A_250 : i32
      %multiple_of3A_252 = tpu.assume_multiple %mul3A_251, 16 : i32
      %get3A_253 = arith.index_cast %multiple_of3A_252 : i32 to index
      %get3A_254 = tpu.vector_load %arg5[%get3A_253] {strides = array<i32>} : memref<4096xi32, #tpu.memory_space<vmem>>, vector<16xi32>,
      %get3A_255 = arith.index_cast %multiple_of3A_252 : i32 to index
      %get3A_256 = tpu.vector_load %arg7[%get3A_255] {strides = array<i32>} : memref<4096xf32, #tpu.memory_space<vmem>>, vector<16xf32>,
      %bitcast3A_257 = vector.bitcast %get3A_256 : vector<16xf32> to vector<16xi32>
      %shift_right_logical3A_258 = arith.constant 16 : i32
      %shift_right_logical3A_259 = vector.broadcast %shift_right_logical3A_258 : i32 to vector<16xi32>
      %shift_right_logical3A_260 = arith.shrui %bitcast3A_257, %shift_right_logical3A_259 : vector<16xi32>
      %and3A_261 = arith.constant 1 : i32
      %and3A_262 = vector.broadcast %and3A_261 : i32 to vector<16xi32>
      %and3A_263 = arith.andi %shift_right_logical3A_260, %and3A_262 : vector<16xi32>
      %add3A_264 = arith.constant 32767 : i32
      %add3A_265 = vector.broadcast %add3A_264 : i32 to vector<16xi32>
      %add3A_266 = arith.addi %bitcast3A_257, %add3A_265 : vector<16xi32>
      %add3A_267 = arith.addi %add3A_266, %and3A_263 : vector<16xi32>
      %shift_right_logical3A_268 = arith.constant 16 : i32
      %shift_right_logical3A_269 = vector.broadcast %shift_right_logical3A_268 : i32 to vector<16xi32>
      %shift_right_logical3A_270 = arith.shrui %add3A_267, %shift_right_logical3A_269 : vector<16xi32>
      %jit3A_271 = arith.constant 8 : i32
      %div3A_272 = arith.divsi %add3A_249, %jit3A_271 : i32
      %sign3A_273 = arith.constant 0 : i32
      %sign3A_274 = arith.cmpi sgt, %add3A_249, %sign3A_273 : i32
      %sign3A_275 = arith.extui %sign3A_274 : i1 to i32
      %sign3A_276 = arith.constant 0 : i32
      %sign3A_277 = arith.cmpi slt, %add3A_249, %sign3A_276 : i32
      %sign3A_278 = arith.extui %sign3A_277 : i1 to i32
      %sign3A_279 = arith.subi %sign3A_275, %sign3A_278 : i32
      %sign3A_280 = arith.constant 0 : i32
      %sign3A_281 = arith.cmpi sgt, %jit3A_271, %sign3A_280 : i32
      %sign3A_282 = arith.extui %sign3A_281 : i1 to i32
      %sign3A_283 = arith.constant 0 : i32
      %sign3A_284 = arith.cmpi slt, %jit3A_271, %sign3A_283 : i32
      %sign3A_285 = arith.extui %sign3A_284 : i1 to i32
      %sign3A_286 = arith.subi %sign3A_282, %sign3A_285 : i32
      %ne3A_287 = arith.cmpi ne, %sign3A_279, %sign3A_286 : i32
      %rem3A_288 = arith.remsi %add3A_249, %jit3A_271 : i32
      %ne3A_289 = arith.constant 0 : i32
      %ne3A_290 = arith.cmpi ne, %rem3A_288, %ne3A_289 : i32
      %and3A_291 = arith.andi %ne3A_287, %ne3A_290 : i1
      %sub3A_292 = arith.constant 1 : i32
      %sub3A_293 = arith.subi %div3A_272, %sub3A_292 : i32
      %select_n3A_294 = arith.select %and3A_291, %sub3A_293, %div3A_272 : i32
      %and3A_295 = arith.constant 1 : i32
      %and3A_296 = arith.andi %select_n3A_294, %and3A_295 : i32
      %mul3A_297 = arith.constant 16 : i32
      %mul3A_298 = arith.muli %and3A_296, %mul3A_297 : i32
      %shift_left3A_299 = vector.broadcast %mul3A_298 : i32 to vector<16xi32>
      %shift_left3A_300 = arith.shli %shift_right_logical3A_270, %shift_left3A_299 : vector<16xi32>
      %bitcast3A_301 = vector.bitcast %shift_left3A_300 : vector<16xi32> to vector<16xi32>
      %jit3A_302 = arith.constant 16 : i32
      %div3A_303 = arith.divsi %add3A_249, %jit3A_302 : i32
      %sign3A_304 = arith.constant 0 : i32
      %sign3A_305 = arith.cmpi sgt, %add3A_249, %sign3A_304 : i32
      %sign3A_306 = arith.extui %sign3A_305 : i1 to i32
      %sign3A_307 = arith.constant 0 : i32
      %sign3A_308 = arith.cmpi slt, %add3A_249, %sign3A_307 : i32
      %sign3A_309 = arith.extui %sign3A_308 : i1 to i32
      %sign3A_310 = arith.subi %sign3A_306, %sign3A_309 : i32
      %sign3A_311 = arith.constant 0 : i32
      %sign3A_312 = arith.cmpi sgt, %jit3A_302, %sign3A_311 : i32
      %sign3A_313 = arith.extui %sign3A_312 : i1 to i32
      %sign3A_314 = arith.constant 0 : i32
      %sign3A_315 = arith.cmpi slt, %jit3A_302, %sign3A_314 : i32
      %sign3A_316 = arith.extui %sign3A_315 : i1 to i32
      %sign3A_317 = arith.subi %sign3A_313, %sign3A_316 : i32
      %ne3A_318 = arith.cmpi ne, %sign3A_310, %sign3A_317 : i32
      %rem3A_319 = arith.remsi %add3A_249, %jit3A_302 : i32
      %ne3A_320 = arith.constant 0 : i32
      %ne3A_321 = arith.cmpi ne, %rem3A_319, %ne3A_320 : i32
      %and3A_322 = arith.andi %ne3A_318, %ne3A_321 : i1
      %sub3A_323 = arith.constant 1 : i32
      %sub3A_324 = arith.subi %div3A_303, %sub3A_323 : i32
      %select_n3A_325 = arith.select %and3A_322, %sub3A_324, %div3A_303 : i32
      %broadcast_in_dim3A_326 = vector.broadcast %select_n3A_325 : i32 to vector<16xi32>
      tpu.vector_store_idx %arg9[%broadcast_in_dim3A_326, %get3A_254], %bitcast3A_301 {add = true} : memref<16x2048xi32, #tpu.memory_space<vmem>>[vector<16xi32>, vector<16xi32>], vector<16xi32>,
      %mul3A_327 = arith.constant 4 : i32
      %mul3A_328 = arith.muli %mul3A_327, %scan3A_177 : i32
      %add3A_329 = arith.constant 2 : i32
      %add3A_330 = arith.addi %mul3A_328, %add3A_329 : i32
      %mul3A_331 = arith.constant 16 : i32
      %mul3A_332 = arith.muli %add3A_330, %mul3A_331 : i32
      %multiple_of3A_333 = tpu.assume_multiple %mul3A_332, 16 : i32
      %get3A_334 = arith.index_cast %multiple_of3A_333 : i32 to index
      %get3A_335 = tpu.vector_load %arg5[%get3A_334] {strides = array<i32>} : memref<4096xi32, #tpu.memory_space<vmem>>, vector<16xi32>,
      %get3A_336 = arith.index_cast %multiple_of3A_333 : i32 to index
      %get3A_337 = tpu.vector_load %arg7[%get3A_336] {strides = array<i32>} : memref<4096xf32, #tpu.memory_space<vmem>>, vector<16xf32>,
      %bitcast3A_338 = vector.bitcast %get3A_337 : vector<16xf32> to vector<16xi32>
      %shift_right_logical3A_339 = arith.constant 16 : i32
      %shift_right_logical3A_340 = vector.broadcast %shift_right_logical3A_339 : i32 to vector<16xi32>
      %shift_right_logical3A_341 = arith.shrui %bitcast3A_338, %shift_right_logical3A_340 : vector<16xi32>
      %and3A_342 = arith.constant 1 : i32
      %and3A_343 = vector.broadcast %and3A_342 : i32 to vector<16xi32>
      %and3A_344 = arith.andi %shift_right_logical3A_341, %and3A_343 : vector<16xi32>
      %add3A_345 = arith.constant 32767 : i32
      %add3A_346 = vector.broadcast %add3A_345 : i32 to vector<16xi32>
      %add3A_347 = arith.addi %bitcast3A_338, %add3A_346 : vector<16xi32>
      %add3A_348 = arith.addi %add3A_347, %and3A_344 : vector<16xi32>
      %shift_right_logical3A_349 = arith.constant 16 : i32
      %shift_right_logical3A_350 = vector.broadcast %shift_right_logical3A_349 : i32 to vector<16xi32>
      %shift_right_logical3A_351 = arith.shrui %add3A_348, %shift_right_logical3A_350 : vector<16xi32>
      %jit3A_352 = arith.constant 8 : i32
      %div3A_353 = arith.divsi %add3A_330, %jit3A_352 : i32
      %sign3A_354 = arith.constant 0 : i32
      %sign3A_355 = arith.cmpi sgt, %add3A_330, %sign3A_354 : i32
      %sign3A_356 = arith.extui %sign3A_355 : i1 to i32
      %sign3A_357 = arith.constant 0 : i32
      %sign3A_358 = arith.cmpi slt, %add3A_330, %sign3A_357 : i32
      %sign3A_359 = arith.extui %sign3A_358 : i1 to i32
      %sign3A_360 = arith.subi %sign3A_356, %sign3A_359 : i32
      %sign3A_361 = arith.constant 0 : i32
      %sign3A_362 = arith.cmpi sgt, %jit3A_352, %sign3A_361 : i32
      %sign3A_363 = arith.extui %sign3A_362 : i1 to i32
      %sign3A_364 = arith.constant 0 : i32
      %sign3A_365 = arith.cmpi slt, %jit3A_352, %sign3A_364 : i32
      %sign3A_366 = arith.extui %sign3A_365 : i1 to i32
      %sign3A_367 = arith.subi %sign3A_363, %sign3A_366 : i32
      %ne3A_368 = arith.cmpi ne, %sign3A_360, %sign3A_367 : i32
      %rem3A_369 = arith.remsi %add3A_330, %jit3A_352 : i32
      %ne3A_370 = arith.constant 0 : i32
      %ne3A_371 = arith.cmpi ne, %rem3A_369, %ne3A_370 : i32
      %and3A_372 = arith.andi %ne3A_368, %ne3A_371 : i1
      %sub3A_373 = arith.constant 1 : i32
      %sub3A_374 = arith.subi %div3A_353, %sub3A_373 : i32
      %select_n3A_375 = arith.select %and3A_372, %sub3A_374, %div3A_353 : i32
      %and3A_376 = arith.constant 1 : i32
      %and3A_377 = arith.andi %select_n3A_375, %and3A_376 : i32
      %mul3A_378 = arith.constant 16 : i32
      %mul3A_379 = arith.muli %and3A_377, %mul3A_378 : i32
      %shift_left3A_380 = vector.broadcast %mul3A_379 : i32 to vector<16xi32>
      %shift_left3A_381 = arith.shli %shift_right_logical3A_351, %shift_left3A_380 : vector<16xi32>
      %bitcast3A_382 = vector.bitcast %shift_left3A_381 : vector<16xi32> to vector<16xi32>
      %jit3A_383 = arith.constant 16 : i32
      %div3A_384 = arith.divsi %add3A_330, %jit3A_383 : i32
      %sign3A_385 = arith.constant 0 : i32
      %sign3A_386 = arith.cmpi sgt, %add3A_330, %sign3A_385 : i32
      %sign3A_387 = arith.extui %sign3A_386 : i1 to i32
      %sign3A_388 = arith.constant 0 : i32
      %sign3A_389 = arith.cmpi slt, %add3A_330, %sign3A_388 : i32
      %sign3A_390 = arith.extui %sign3A_389 : i1 to i32
      %sign3A_391 = arith.subi %sign3A_387, %sign3A_390 : i32
      %sign3A_392 = arith.constant 0 : i32
      %sign3A_393 = arith.cmpi sgt, %jit3A_383, %sign3A_392 : i32
      %sign3A_394 = arith.extui %sign3A_393 : i1 to i32
      %sign3A_395 = arith.constant 0 : i32
      %sign3A_396 = arith.cmpi slt, %jit3A_383, %sign3A_395 : i32
      %sign3A_397 = arith.extui %sign3A_396 : i1 to i32
      %sign3A_398 = arith.subi %sign3A_394, %sign3A_397 : i32
      %ne3A_399 = arith.cmpi ne, %sign3A_391, %sign3A_398 : i32
      %rem3A_400 = arith.remsi %add3A_330, %jit3A_383 : i32
      %ne3A_401 = arith.constant 0 : i32
      %ne3A_402 = arith.cmpi ne, %rem3A_400, %ne3A_401 : i32
      %and3A_403 = arith.andi %ne3A_399, %ne3A_402 : i1
      %sub3A_404 = arith.constant 1 : i32
      %sub3A_405 = arith.subi %div3A_384, %sub3A_404 : i32
      %select_n3A_406 = arith.select %and3A_403, %sub3A_405, %div3A_384 : i32
      %broadcast_in_dim3A_407 = vector.broadcast %select_n3A_406 : i32 to vector<16xi32>
      tpu.vector_store_idx %arg9[%broadcast_in_dim3A_407, %get3A_335], %bitcast3A_382 {add = true} : memref<16x2048xi32, #tpu.memory_space<vmem>>[vector<16xi32>, vector<16xi32>], vector<16xi32>,
      %mul3A_408 = arith.constant 4 : i32
      %mul3A_409 = arith.muli %mul3A_408, %scan3A_177 : i32
      %add3A_410 = arith.constant 3 : i32
      %add3A_411 = arith.addi %mul3A_409, %add3A_410 : i32
      %mul3A_412 = arith.constant 16 : i32
      %mul3A_413 = arith.muli %add3A_411, %mul3A_412 : i32
      %multiple_of3A_414 = tpu.assume_multiple %mul3A_413, 16 : i32
      %get3A_415 = arith.index_cast %multiple_of3A_414 : i32 to index
      %get3A_416 = tpu.vector_load %arg5[%get3A_415] {strides = array<i32>} : memref<4096xi32, #tpu.memory_space<vmem>>, vector<16xi32>,
      %get3A_417 = arith.index_cast %multiple_of3A_414 : i32 to index
      %get3A_418 = tpu.vector_load %arg7[%get3A_417] {strides = array<i32>} : memref<4096xf32, #tpu.memory_space<vmem>>, vector<16xf32>,
      %bitcast3A_419 = vector.bitcast %get3A_418 : vector<16xf32> to vector<16xi32>
      %shift_right_logical3A_420 = arith.constant 16 : i32
      %shift_right_logical3A_421 = vector.broadcast %shift_right_logical3A_420 : i32 to vector<16xi32>
      %shift_right_logical3A_422 = arith.shrui %bitcast3A_419, %shift_right_logical3A_421 : vector<16xi32>
      %and3A_423 = arith.constant 1 : i32
      %and3A_424 = vector.broadcast %and3A_423 : i32 to vector<16xi32>
      %and3A_425 = arith.andi %shift_right_logical3A_422, %and3A_424 : vector<16xi32>
      %add3A_426 = arith.constant 32767 : i32
      %add3A_427 = vector.broadcast %add3A_426 : i32 to vector<16xi32>
      %add3A_428 = arith.addi %bitcast3A_419, %add3A_427 : vector<16xi32>
      %add3A_429 = arith.addi %add3A_428, %and3A_425 : vector<16xi32>
      %shift_right_logical3A_430 = arith.constant 16 : i32
      %shift_right_logical3A_431 = vector.broadcast %shift_right_logical3A_430 : i32 to vector<16xi32>
      %shift_right_logical3A_432 = arith.shrui %add3A_429, %shift_right_logical3A_431 : vector<16xi32>
      %jit3A_433 = arith.constant 8 : i32
      %div3A_434 = arith.divsi %add3A_411, %jit3A_433 : i32
      %sign3A_435 = arith.constant 0 : i32
      %sign3A_436 = arith.cmpi sgt, %add3A_411, %sign3A_435 : i32
      %sign3A_437 = arith.extui %sign3A_436 : i1 to i32
      %sign3A_438 = arith.constant 0 : i32
      %sign3A_439 = arith.cmpi slt, %add3A_411, %sign3A_438 : i32
      %sign3A_440 = arith.extui %sign3A_439 : i1 to i32
      %sign3A_441 = arith.subi %sign3A_437, %sign3A_440 : i32
      %sign3A_442 = arith.constant 0 : i32
      %sign3A_443 = arith.cmpi sgt, %jit3A_433, %sign3A_442 : i32
      %sign3A_444 = arith.extui %sign3A_443 : i1 to i32
      %sign3A_445 = arith.constant 0 : i32
      %sign3A_446 = arith.cmpi slt, %jit3A_433, %sign3A_445 : i32
      %sign3A_447 = arith.extui %sign3A_446 : i1 to i32
      %sign3A_448 = arith.subi %sign3A_444, %sign3A_447 : i32
      %ne3A_449 = arith.cmpi ne, %sign3A_441, %sign3A_448 : i32
      %rem3A_450 = arith.remsi %add3A_411, %jit3A_433 : i32
      %ne3A_451 = arith.constant 0 : i32
      %ne3A_452 = arith.cmpi ne, %rem3A_450, %ne3A_451 : i32
      %and3A_453 = arith.andi %ne3A_449, %ne3A_452 : i1
      %sub3A_454 = arith.constant 1 : i32
      %sub3A_455 = arith.subi %div3A_434, %sub3A_454 : i32
      %select_n3A_456 = arith.select %and3A_453, %sub3A_455, %div3A_434 : i32
      %and3A_457 = arith.constant 1 : i32
      %and3A_458 = arith.andi %select_n3A_456, %and3A_457 : i32
      %mul3A_459 = arith.constant 16 : i32
      %mul3A_460 = arith.muli %and3A_458, %mul3A_459 : i32
      %shift_left3A_461 = vector.broadcast %mul3A_460 : i32 to vector<16xi32>
      %shift_left3A_462 = arith.shli %shift_right_logical3A_432, %shift_left3A_461 : vector<16xi32>
      %bitcast3A_463 = vector.bitcast %shift_left3A_462 : vector<16xi32> to vector<16xi32>
      %jit3A_464 = arith.constant 16 : i32
      %div3A_465 = arith.divsi %add3A_411, %jit3A_464 : i32
      %sign3A_466 = arith.constant 0 : i32
      %sign3A_467 = arith.cmpi sgt, %add3A_411, %sign3A_466 : i32
      %sign3A_468 = arith.extui %sign3A_467 : i1 to i32
      %sign3A_469 = arith.constant 0 : i32
      %sign3A_470 = arith.cmpi slt, %add3A_411, %sign3A_469 : i32
      %sign3A_471 = arith.extui %sign3A_470 : i1 to i32
      %sign3A_472 = arith.subi %sign3A_468, %sign3A_471 : i32
      %sign3A_473 = arith.constant 0 : i32
      %sign3A_474 = arith.cmpi sgt, %jit3A_464, %sign3A_473 : i32
      %sign3A_475 = arith.extui %sign3A_474 : i1 to i32
      %sign3A_476 = arith.constant 0 : i32
      %sign3A_477 = arith.cmpi slt, %jit3A_464, %sign3A_476 : i32
      %sign3A_478 = arith.extui %sign3A_477 : i1 to i32
      %sign3A_479 = arith.subi %sign3A_475, %sign3A_478 : i32
      %ne3A_480 = arith.cmpi ne, %sign3A_472, %sign3A_479 : i32
      %rem3A_481 = arith.remsi %add3A_411, %jit3A_464 : i32
      %ne3A_482 = arith.constant 0 : i32
      %ne3A_483 = arith.cmpi ne, %rem3A_481, %ne3A_482 : i32
      %and3A_484 = arith.andi %ne3A_480, %ne3A_483 : i1
      %sub3A_485 = arith.constant 1 : i32
      %sub3A_486 = arith.subi %div3A_465, %sub3A_485 : i32
      %select_n3A_487 = arith.select %and3A_484, %sub3A_486, %div3A_465 : i32
      %broadcast_in_dim3A_488 = vector.broadcast %select_n3A_487 : i32 to vector<16xi32>
      tpu.vector_store_idx %arg9[%broadcast_in_dim3A_488, %get3A_416], %bitcast3A_463 {add = true} : memref<16x2048xi32, #tpu.memory_space<vmem>>[vector<16xi32>, vector<16xi32>], vector<16xi32>,
    }
    %scan3A_56 = arith.constant 32 : i32
    %add3A_57 = arith.constant 8 : i32
    %add3A_58 = arith.addi %add3A_34, %add3A_57 : i32
    %dma_start3A_59 = arith.constant 8 : i32
    %dma_start3A_60 = arith.constant 0 : i32
    %dma_start3A_61 = tpu.memref_slice %arg9[%dma_start3A_59, %dma_start3A_60] : memref<16x2048xi32, #tpu.memory_space<vmem>> -> memref<8x2048xi32, #tpu.memory_space<vmem>>
    %dma_start3A_62 = arith.constant 0 : i32
    %dma_start3A_63 = tpu.memref_slice %arg4[%add3A_58, %dma_start3A_62] : memref<1024x2048xi32, #tpu.memory_space<hbm>> -> memref<8x2048xi32, #tpu.memory_space<hbm>>
    %dma_start3A_64 = arith.constant 0 : i32
    %dma_start3A_65 = tpu.memref_slice %arg4[%add3A_58, %dma_start3A_64] : memref<1024x2048xi32, #tpu.memory_space<hbm>> -> memref<8x2048xi32, #tpu.memory_space<hbm>>
    %dma_start3A_66 = arith.constant 8 : i32
    %dma_start3A_67 = arith.constant 0 : i32
    %dma_start3A_68 = tpu.memref_slice %arg9[%dma_start3A_66, %dma_start3A_67] : memref<16x2048xi32, #tpu.memory_space<vmem>> -> memref<8x2048xi32, #tpu.memory_space<vmem>>
    tpu.enqueue_dma source(%dma_start3A_68 : memref<8x2048xi32, #tpu.memory_space<vmem>>) target(%dma_start3A_65 : memref<8x2048xi32, #tpu.memory_space<hbm>>) target_semaphore(%arg13 : memref<!tpu.dma_semaphore, #tpu.memory_space<semaphore_mem>>)
    %scan3A_69 = arith.constant 0 : i32
    %scan3A_70 = arith.constant 0 : i32
    %scan3A_71 = arith.constant 16 : i32
    %scan3A_72 = arith.addi %scan3A_70, %scan3A_71 : i32
    %scan3A_73 = arith.constant 1 : i32
    scf.for %scan3A_177 = %scan3A_70 to %scan3A_72 step %scan3A_73  : i32 {
      %multiple_of3A = arith.constant 0 : i32
      %multiple_of3A_178 = tpu.assume_multiple %multiple_of3A, 128 : i32
      %add3A_179 = arith.constant 0 : i32
      %add3A_180 = arith.addi %multiple_of3A_178, %add3A_179 : i32
      %swap3A = arith.index_cast %scan3A_177 : i32 to index
      %swap3A_181 = arith.index_cast %add3A_180 : i32 to index
      %swap3A_182 = tpu.vector_load %arg10[%swap3A, %swap3A_181] {strides = array<i32>} : memref<16x2048xi32, #tpu.memory_space<vmem>>, vector<16xi32>,
      tpu.vector_store %arg10[%swap3A, %swap3A_181], %broadcast_in_dim3A_1 {strides = array<i32>} : memref<16x2048xi32, #tpu.memory_space<vmem>>, vector<16xi32>,
      %add3A_183 = arith.constant 16 : i32
      %add3A_184 = arith.addi %multiple_of3A_178, %add3A_183 : i32
      %swap3A_185 = arith.index_cast %scan3A_177 : i32 to index
      %swap3A_186 = arith.index_cast %add3A_184 : i32 to index
      %swap3A_187 = tpu.vector_load %arg10[%swap3A_185, %swap3A_186] {strides = array<i32>} : memref<16x2048xi32, #tpu.memory_space<vmem>>, vector<16xi32>,
      tpu.vector_store %arg10[%swap3A_185, %swap3A_186], %broadcast_in_dim3A_1 {strides = array<i32>} : memref<16x2048xi32, #tpu.memory_space<vmem>>, vector<16xi32>,
      %add3A_188 = arith.constant 32 : i32
      %add3A_189 = arith.addi %multiple_of3A_178, %add3A_188 : i32
      %swap3A_190 = arith.index_cast %scan3A_177 : i32 to index
      %swap3A_191 = arith.index_cast %add3A_189 : i32 to index
      %swap3A_192 = tpu.vector_load %arg10[%swap3A_190, %swap3A_191] {strides = array<i32>} : memref<16x2048xi32, #tpu.memory_space<vmem>>, vector<16xi32>,
      tpu.vector_store %arg10[%swap3A_190, %swap3A_191], %broadcast_in_dim3A_1 {strides = array<i32>} : memref<16x2048xi32, #tpu.memory_space<vmem>>, vector<16xi32>,
      %add3A_193 = arith.constant 48 : i32
      %add3A_194 = arith.addi %multiple_of3A_178, %add3A_193 : i32
      %swap3A_195 = arith.index_cast %scan3A_177 : i32 to index
      %swap3A_196 = arith.index_cast %add3A_194 : i32 to index
      %swap3A_197 = tpu.vector_load %arg10[%swap3A_195, %swap3A_196] {strides = array<i32>} : memref<16x2048xi32, #tpu.memory_space<vmem>>, vector<16xi32>,
      tpu.vector_store %arg10[%swap3A_195, %swap3A_196], %broadcast_in_dim3A_1 {strides = array<i32>} : memref<16x2048xi32, #tpu.memory_space<vmem>>, vector<16xi32>,
      %add3A_198 = arith.constant 64 : i32
      %add3A_199 = arith.addi %multiple_of3A_178, %add3A_198 : i32
      %swap3A_200 = arith.index_cast %scan3A_177 : i32 to index
      %swap3A_201 = arith.index_cast %add3A_199 : i32 to index
      %swap3A_202 = tpu.vector_load %arg10[%swap3A_200, %swap3A_201] {strides = array<i32>} : memref<16x2048xi32, #tpu.memory_space<vmem>>, vector<16xi32>,
      tpu.vector_store %arg10[%swap3A_200, %swap3A_201], %broadcast_in_dim3A_1 {strides = array<i32>} : memref<16x2048xi32, #tpu.memory_space<vmem>>, vector<16xi32>,
      %add3A_203 = arith.constant 80 : i32
      %add3A_204 = arith.addi %multiple_of3A_178, %add3A_203 : i32
      %swap3A_205 = arith.index_cast %scan3A_177 : i32 to index
      %swap3A_206 = arith.index_cast %add3A_204 : i32 to index
      %swap3A_207 = tpu.vector_load %arg10[%swap3A_205, %swap3A_206] {strides = array<i32>} : memref<16x2048xi32, #tpu.memory_space<vmem>>, vector<16xi32>,
      tpu.vector_store %arg10[%swap3A_205, %swap3A_206], %broadcast_in_dim3A_1 {strides = array<i32>} : memref<16x2048xi32, #tpu.memory_space<vmem>>, vector<16xi32>,
      %add3A_208 = arith.constant 96 : i32
      %add3A_209 = arith.addi %multiple_of3A_178, %add3A_208 : i32
      %swap3A_210 = arith.index_cast %scan3A_177 : i32 to index
      %swap3A_211 = arith.index_cast %add3A_209 : i32 to index
      %swap3A_212 = tpu.vector_load %arg10[%swap3A_210, %swap3A_211] {strides = array<i32>} : memref<16x2048xi32, #tpu.memory_space<vmem>>, vector<16xi32>,
      tpu.vector_store %arg10[%swap3A_210, %swap3A_211], %broadcast_in_dim3A_1 {strides = array<i32>} : memref<16x2048xi32, #tpu.memory_space<vmem>>, vector<16xi32>,
      %add3A_213 = arith.constant 112 : i32
      %add3A_214 = arith.addi %multiple_of3A_178, %add3A_213 : i32
      %swap3A_215 = arith.index_cast %scan3A_177 : i32 to index
      %swap3A_216 = arith.index_cast %add3A_214 : i32 to index
      %swap3A_217 = tpu.vector_load %arg10[%swap3A_215, %swap3A_216] {strides = array<i32>} : memref<16x2048xi32, #tpu.memory_space<vmem>>, vector<16xi32>,
      tpu.vector_store %arg10[%swap3A_215, %swap3A_216], %broadcast_in_dim3A_1 {strides = array<i32>} : memref<16x2048xi32, #tpu.memory_space<vmem>>, vector<16xi32>,
      %multiple_of3A_218 = arith.constant 128 : i32
      %multiple_of3A_219 = tpu.assume_multiple %multiple_of3A_218, 128 : i32
      %add3A_220 = arith.constant 0 : i32
      %add3A_221 = arith.addi %multiple_of3A_219, %add3A_220 : i32
      %swap3A_222 = arith.index_cast %scan3A_177 : i32 to index
      %swap3A_223 = arith.index_cast %add3A_221 : i32 to index
      %swap3A_224 = tpu.vector_load %arg10[%swap3A_222, %swap3A_223] {strides = array<i32>} : memref<16x2048xi32, #tpu.memory_space<vmem>>, vector<16xi32>,
      tpu.vector_store %arg10[%swap3A_222, %swap3A_223], %broadcast_in_dim3A_1 {strides = array<i32>} : memref<16x2048xi32, #tpu.memory_space<vmem>>, vector<16xi32>,
      %add3A_225 = arith.constant 16 : i32
      %add3A_226 = arith.addi %multiple_of3A_219, %add3A_225 : i32
      %swap3A_227 = arith.index_cast %scan3A_177 : i32 to index
      %swap3A_228 = arith.index_cast %add3A_226 : i32 to index
      %swap3A_229 = tpu.vector_load %arg10[%swap3A_227, %swap3A_228] {strides = array<i32>} : memref<16x2048xi32, #tpu.memory_space<vmem>>, vector<16xi32>,
      tpu.vector_store %arg10[%swap3A_227, %swap3A_228], %broadcast_in_dim3A_1 {strides = array<i32>} : memref<16x2048xi32, #tpu.memory_space<vmem>>, vector<16xi32>,
      %add3A_230 = arith.constant 32 : i32
      %add3A_231 = arith.addi %multiple_of3A_219, %add3A_230 : i32
      %swap3A_232 = arith.index_cast %scan3A_177 : i32 to index
      %swap3A_233 = arith.index_cast %add3A_231 : i32 to index
      %swap3A_234 = tpu.vector_load %arg10[%swap3A_232, %swap3A_233] {strides = array<i32>} : memref<16x2048xi32, #tpu.memory_space<vmem>>, vector<16xi32>,
      tpu.vector_store %arg10[%swap3A_232, %swap3A_233], %broadcast_in_dim3A_1 {strides = array<i32>} : memref<16x2048xi32, #tpu.memory_space<vmem>>, vector<16xi32>,
      %add3A_235 = arith.constant 48 : i32
      %add3A_236 = arith.addi %multiple_of3A_219, %add3A_235 : i32
      %swap3A_237 = arith.index_cast %scan3A_177 : i32 to index
      %swap3A_238 = arith.index_cast %add3A_236 : i32 to index
      %swap3A_239 = tpu.vector_load %arg10[%swap3A_237, %swap3A_238] {strides = array<i32>} : memref<16x2048xi32, #tpu.memory_space<vmem>>, vector<16xi32>,
      tpu.vector_store %arg10[%swap3A_237, %swap3A_238], %broadcast_in_dim3A_1 {strides = array<i32>} : memref<16x2048xi32, #tpu.memory_space<vmem>>, vector<16xi32>,
      %add3A_240 = arith.constant 64 : i32
      %add3A_241 = arith.addi %multiple_of3A_219, %add3A_240 : i32
      %swap3A_242 = arith.index_cast %scan3A_177 : i32 to index
      %swap3A_243 = arith.index_cast %add3A_241 : i32 to index
      %swap3A_244 = tpu.vector_load %arg10[%swap3A_242, %swap3A_243] {strides = array<i32>} : memref<16x2048xi32, #tpu.memory_space<vmem>>, vector<16xi32>,
      tpu.vector_store %arg10[%swap3A_242, %swap3A_243], %broadcast_in_dim3A_1 {strides = array<i32>} : memref<16x2048xi32, #tpu.memory_space<vmem>>, vector<16xi32>,
      %add3A_245 = arith.constant 80 : i32
      %add3A_246 = arith.addi %multiple_of3A_219, %add3A_245 : i32
      %swap3A_247 = arith.index_cast %scan3A_177 : i32 to index
      %swap3A_248 = arith.index_cast %add3A_246 : i32 to index
      %swap3A_249 = tpu.vector_load %arg10[%swap3A_247, %swap3A_248] {strides = array<i32>} : memref<16x2048xi32, #tpu.memory_space<vmem>>, vector<16xi32>,
      tpu.vector_store %arg10[%swap3A_247, %swap3A_248], %broadcast_in_dim3A_1 {strides = array<i32>} : memref<16x2048xi32, #tpu.memory_space<vmem>>, vector<16xi32>,
      %add3A_250 = arith.constant 96 : i32
      %add3A_251 = arith.addi %multiple_of3A_219, %add3A_250 : i32
      %swap3A_252 = arith.index_cast %scan3A_177 : i32 to index
      %swap3A_253 = arith.index_cast %add3A_251 : i32 to index
      %swap3A_254 = tpu.vector_load %arg10[%swap3A_252, %swap3A_253] {strides = array<i32>} : memref<16x2048xi32, #tpu.memory_space<vmem>>, vector<16xi32>,
      tpu.vector_store %arg10[%swap3A_252, %swap3A_253], %broadcast_in_dim3A_1 {strides = array<i32>} : memref<16x2048xi32, #tpu.memory_space<vmem>>, vector<16xi32>,
      %add3A_255 = arith.constant 112 : i32
      %add3A_256 = arith.addi %multiple_of3A_219, %add3A_255 : i32
      %swap3A_257 = arith.index_cast %scan3A_177 : i32 to index
      %swap3A_258 = arith.index_cast %add3A_256 : i32 to index
      %swap3A_259 = tpu.vector_load %arg10[%swap3A_257, %swap3A_258] {strides = array<i32>} : memref<16x2048xi32, #tpu.memory_space<vmem>>, vector<16xi32>,
      tpu.vector_store %arg10[%swap3A_257, %swap3A_258], %broadcast_in_dim3A_1 {strides = array<i32>} : memref<16x2048xi32, #tpu.memory_space<vmem>>, vector<16xi32>,
      %multiple_of3A_260 = arith.constant 256 : i32
      %multiple_of3A_261 = tpu.assume_multiple %multiple_of3A_260, 128 : i32
      %add3A_262 = arith.constant 0 : i32
      %add3A_263 = arith.addi %multiple_of3A_261, %add3A_262 : i32
      %swap3A_264 = arith.index_cast %scan3A_177 : i32 to index
      %swap3A_265 = arith.index_cast %add3A_263 : i32 to index
      %swap3A_266 = tpu.vector_load %arg10[%swap3A_264, %swap3A_265] {strides = array<i32>} : memref<16x2048xi32, #tpu.memory_space<vmem>>, vector<16xi32>,
      tpu.vector_store %arg10[%swap3A_264, %swap3A_265], %broadcast_in_dim3A_1 {strides = array<i32>} : memref<16x2048xi32, #tpu.memory_space<vmem>>, vector<16xi32>,
      %add3A_267 = arith.constant 16 : i32
      %add3A_268 = arith.addi %multiple_of3A_261, %add3A_267 : i32
      %swap3A_269 = arith.index_cast %scan3A_177 : i32 to index
      %swap3A_270 = arith.index_cast %add3A_268 : i32 to index
      %swap3A_271 = tpu.vector_load %arg10[%swap3A_269, %swap3A_270] {strides = array<i32>} : memref<16x2048xi32, #tpu.memory_space<vmem>>, vector<16xi32>,
      tpu.vector_store %arg10[%swap3A_269, %swap3A_270], %broadcast_in_dim3A_1 {strides = array<i32>} : memref<16x2048xi32, #tpu.memory_space<vmem>>, vector<16xi32>,
      %add3A_272 = arith.constant 32 : i32
      %add3A_273 = arith.addi %multiple_of3A_261, %add3A_272 : i32
      %swap3A_274 = arith.index_cast %scan3A_177 : i32 to index
      %swap3A_275 = arith.index_cast %add3A_273 : i32 to index
      %swap3A_276 = tpu.vector_load %arg10[%swap3A_274, %swap3A_275] {strides = array<i32>} : memref<16x2048xi32, #tpu.memory_space<vmem>>, vector<16xi32>,
      tpu.vector_store %arg10[%swap3A_274, %swap3A_275], %broadcast_in_dim3A_1 {strides = array<i32>} : memref<16x2048xi32, #tpu.memory_space<vmem>>, vector<16xi32>,
      %add3A_277 = arith.constant 48 : i32
      %add3A_278 = arith.addi %multiple_of3A_261, %add3A_277 : i32
      %swap3A_279 = arith.index_cast %scan3A_177 : i32 to index
      %swap3A_280 = arith.index_cast %add3A_278 : i32 to index
      %swap3A_281 = tpu.vector_load %arg10[%swap3A_279, %swap3A_280] {strides = array<i32>} : memref<16x2048xi32, #tpu.memory_space<vmem>>, vector<16xi32>,
      tpu.vector_store %arg10[%swap3A_279, %swap3A_280], %broadcast_in_dim3A_1 {strides = array<i32>} : memref<16x2048xi32, #tpu.memory_space<vmem>>, vector<16xi32>,
      %add3A_282 = arith.constant 64 : i32
      %add3A_283 = arith.addi %multiple_of3A_261, %add3A_282 : i32
      %swap3A_284 = arith.index_cast %scan3A_177 : i32 to index
      %swap3A_285 = arith.index_cast %add3A_283 : i32 to index
      %swap3A_286 = tpu.vector_load %arg10[%swap3A_284, %swap3A_285] {strides = array<i32>} : memref<16x2048xi32, #tpu.memory_space<vmem>>, vector<16xi32>,
      tpu.vector_store %arg10[%swap3A_284, %swap3A_285], %broadcast_in_dim3A_1 {strides = array<i32>} : memref<16x2048xi32, #tpu.memory_space<vmem>>, vector<16xi32>,
      %add3A_287 = arith.constant 80 : i32
      %add3A_288 = arith.addi %multiple_of3A_261, %add3A_287 : i32
      %swap3A_289 = arith.index_cast %scan3A_177 : i32 to index
      %swap3A_290 = arith.index_cast %add3A_288 : i32 to index
      %swap3A_291 = tpu.vector_load %arg10[%swap3A_289, %swap3A_290] {strides = array<i32>} : memref<16x2048xi32, #tpu.memory_space<vmem>>, vector<16xi32>,
      tpu.vector_store %arg10[%swap3A_289, %swap3A_290], %broadcast_in_dim3A_1 {strides = array<i32>} : memref<16x2048xi32, #tpu.memory_space<vmem>>, vector<16xi32>,
      %add3A_292 = arith.constant 96 : i32
      %add3A_293 = arith.addi %multiple_of3A_261, %add3A_292 : i32
      %swap3A_294 = arith.index_cast %scan3A_177 : i32 to index
      %swap3A_295 = arith.index_cast %add3A_293 : i32 to index
      %swap3A_296 = tpu.vector_load %arg10[%swap3A_294, %swap3A_295] {strides = array<i32>} : memref<16x2048xi32, #tpu.memory_space<vmem>>, vector<16xi32>,
      tpu.vector_store %arg10[%swap3A_294, %swap3A_295], %broadcast_in_dim3A_1 {strides = array<i32>} : memref<16x2048xi32, #tpu.memory_space<vmem>>, vector<16xi32>,
      %add3A_297 = arith.constant 112 : i32
      %add3A_298 = arith.addi %multiple_of3A_261, %add3A_297 : i32
      %swap3A_299 = arith.index_cast %scan3A_177 : i32 to index
      %swap3A_300 = arith.index_cast %add3A_298 : i32 to index
      %swap3A_301 = tpu.vector_load %arg10[%swap3A_299, %swap3A_300] {strides = array<i32>} : memref<16x2048xi32, #tpu.memory_space<vmem>>, vector<16xi32>,
      tpu.vector_store %arg10[%swap3A_299, %swap3A_300], %broadcast_in_dim3A_1 {strides = array<i32>} : memref<16x2048xi32, #tpu.memory_space<vmem>>, vector<16xi32>,
      %multiple_of3A_302 = arith.constant 384 : i32
      %multiple_of3A_303 = tpu.assume_multiple %multiple_of3A_302, 128 : i32
      %add3A_304 = arith.constant 0 : i32
      %add3A_305 = arith.addi %multiple_of3A_303, %add3A_304 : i32
      %swap3A_306 = arith.index_cast %scan3A_177 : i32 to index
      %swap3A_307 = arith.index_cast %add3A_305 : i32 to index
      %swap3A_308 = tpu.vector_load %arg10[%swap3A_306, %swap3A_307] {strides = array<i32>} : memref<16x2048xi32, #tpu.memory_space<vmem>>, vector<16xi32>,
      tpu.vector_store %arg10[%swap3A_306, %swap3A_307], %broadcast_in_dim3A_1 {strides = array<i32>} : memref<16x2048xi32, #tpu.memory_space<vmem>>, vector<16xi32>,
      %add3A_309 = arith.constant 16 : i32
      %add3A_310 = arith.addi %multiple_of3A_303, %add3A_309 : i32
      %swap3A_311 = arith.index_cast %scan3A_177 : i32 to index
      %swap3A_312 = arith.index_cast %add3A_310 : i32 to index
      %swap3A_313 = tpu.vector_load %arg10[%swap3A_311, %swap3A_312] {strides = array<i32>} : memref<16x2048xi32, #tpu.memory_space<vmem>>, vector<16xi32>,
      tpu.vector_store %arg10[%swap3A_311, %swap3A_312], %broadcast_in_dim3A_1 {strides = array<i32>} : memref<16x2048xi32, #tpu.memory_space<vmem>>, vector<16xi32>,
      %add3A_314 = arith.constant 32 : i32
      %add3A_315 = arith.addi %multiple_of3A_303, %add3A_314 : i32
      %swap3A_316 = arith.index_cast %scan3A_177 : i32 to index
      %swap3A_317 = arith.index_cast %add3A_315 : i32 to index
      %swap3A_318 = tpu.vector_load %arg10[%swap3A_316, %swap3A_317] {strides = array<i32>} : memref<16x2048xi32, #tpu.memory_space<vmem>>, vector<16xi32>,
      tpu.vector_store %arg10[%swap3A_316, %swap3A_317], %broadcast_in_dim3A_1 {strides = array<i32>} : memref<16x2048xi32, #tpu.memory_space<vmem>>, vector<16xi32>,
      %add3A_319 = arith.constant 48 : i32
      %add3A_320 = arith.addi %multiple_of3A_303, %add3A_319 : i32
      %swap3A_321 = arith.index_cast %scan3A_177 : i32 to index
      %swap3A_322 = arith.index_cast %add3A_320 : i32 to index
      %swap3A_323 = tpu.vector_load %arg10[%swap3A_321, %swap3A_322] {strides = array<i32>} : memref<16x2048xi32, #tpu.memory_space<vmem>>, vector<16xi32>,
      tpu.vector_store %arg10[%swap3A_321, %swap3A_322], %broadcast_in_dim3A_1 {strides = array<i32>} : memref<16x2048xi32, #tpu.memory_space<vmem>>, vector<16xi32>,
      %add3A_324 = arith.constant 64 : i32
      %add3A_325 = arith.addi %multiple_of3A_303, %add3A_324 : i32
      %swap3A_326 = arith.index_cast %scan3A_177 : i32 to index
      %swap3A_327 = arith.index_cast %add3A_325 : i32 to index
      %swap3A_328 = tpu.vector_load %arg10[%swap3A_326, %swap3A_327] {strides = array<i32>} : memref<16x2048xi32, #tpu.memory_space<vmem>>, vector<16xi32>,
      tpu.vector_store %arg10[%swap3A_326, %swap3A_327], %broadcast_in_dim3A_1 {strides = array<i32>} : memref<16x2048xi32, #tpu.memory_space<vmem>>, vector<16xi32>,
      %add3A_329 = arith.constant 80 : i32
      %add3A_330 = arith.addi %multiple_of3A_303, %add3A_329 : i32
      %swap3A_331 = arith.index_cast %scan3A_177 : i32 to index
      %swap3A_332 = arith.index_cast %add3A_330 : i32 to index
      %swap3A_333 = tpu.vector_load %arg10[%swap3A_331, %swap3A_332] {strides = array<i32>} : memref<16x2048xi32, #tpu.memory_space<vmem>>, vector<16xi32>,
      tpu.vector_store %arg10[%swap3A_331, %swap3A_332], %broadcast_in_dim3A_1 {strides = array<i32>} : memref<16x2048xi32, #tpu.memory_space<vmem>>, vector<16xi32>,
      %add3A_334 = arith.constant 96 : i32
      %add3A_335 = arith.addi %multiple_of3A_303, %add3A_334 : i32
      %swap3A_336 = arith.index_cast %scan3A_177 : i32 to index
      %swap3A_337 = arith.index_cast %add3A_335 : i32 to index
      %swap3A_338 = tpu.vector_load %arg10[%swap3A_336, %swap3A_337] {strides = array<i32>} : memref<16x2048xi32, #tpu.memory_space<vmem>>, vector<16xi32>,
      tpu.vector_store %arg10[%swap3A_336, %swap3A_337], %broadcast_in_dim3A_1 {strides = array<i32>} : memref<16x2048xi32, #tpu.memory_space<vmem>>, vector<16xi32>,
      %add3A_339 = arith.constant 112 : i32
      %add3A_340 = arith.addi %multiple_of3A_303, %add3A_339 : i32
      %swap3A_341 = arith.index_cast %scan3A_177 : i32 to index
      %swap3A_342 = arith.index_cast %add3A_340 : i32 to index
      %swap3A_343 = tpu.vector_load %arg10[%swap3A_341, %swap3A_342] {strides = array<i32>} : memref<16x2048xi32, #tpu.memory_space<vmem>>, vector<16xi32>,
      tpu.vector_store %arg10[%swap3A_341, %swap3A_342], %broadcast_in_dim3A_1 {strides = array<i32>} : memref<16x2048xi32, #tpu.memory_space<vmem>>, vector<16xi32>,
      %multiple_of3A_344 = arith.constant 512 : i32
      %multiple_of3A_345 = tpu.assume_multiple %multiple_of3A_344, 128 : i32
      %add3A_346 = arith.constant 0 : i32
      %add3A_347 = arith.addi %multiple_of3A_345, %add3A_346 : i32
      %swap3A_348 = arith.index_cast %scan3A_177 : i32 to index
      %swap3A_349 = arith.index_cast %add3A_347 : i32 to index
      %swap3A_350 = tpu.vector_load %arg10[%swap3A_348, %swap3A_349] {strides = array<i32>} : memref<16x2048xi32, #tpu.memory_space<vmem>>, vector<16xi32>,
      tpu.vector_store %arg10[%swap3A_348, %swap3A_349], %broadcast_in_dim3A_1 {strides = array<i32>} : memref<16x2048xi32, #tpu.memory_space<vmem>>, vector<16xi32>,
      %add3A_351 = arith.constant 16 : i32
      %add3A_352 = arith.addi %multiple_of3A_345, %add3A_351 : i32
      %swap3A_353 = arith.index_cast %scan3A_177 : i32 to index
      %swap3A_354 = arith.index_cast %add3A_352 : i32 to index
      %swap3A_355 = tpu.vector_load %arg10[%swap3A_353, %swap3A_354] {strides = array<i32>} : memref<16x2048xi32, #tpu.memory_space<vmem>>, vector<16xi32>,
      tpu.vector_store %arg10[%swap3A_353, %swap3A_354], %broadcast_in_dim3A_1 {strides = array<i32>} : memref<16x2048xi32, #tpu.memory_space<vmem>>, vector<16xi32>,
      %add3A_356 = arith.constant 32 : i32
      %add3A_357 = arith.addi %multiple_of3A_345, %add3A_356 : i32
      %swap3A_358 = arith.index_cast %scan3A_177 : i32 to index
      %swap3A_359 = arith.index_cast %add3A_357 : i32 to index
      %swap3A_360 = tpu.vector_load %arg10[%swap3A_358, %swap3A_359] {strides = array<i32>} : memref<16x2048xi32, #tpu.memory_space<vmem>>, vector<16xi32>,
      tpu.vector_store %arg10[%swap3A_358, %swap3A_359], %broadcast_in_dim3A_1 {strides = array<i32>} : memref<16x2048xi32, #tpu.memory_space<vmem>>, vector<16xi32>,
      %add3A_361 = arith.constant 48 : i32
      %add3A_362 = arith.addi %multiple_of3A_345, %add3A_361 : i32
      %swap3A_363 = arith.index_cast %scan3A_177 : i32 to index
      %swap3A_364 = arith.index_cast %add3A_362 : i32 to index
      %swap3A_365 = tpu.vector_load %arg10[%swap3A_363, %swap3A_364] {strides = array<i32>} : memref<16x2048xi32, #tpu.memory_space<vmem>>, vector<16xi32>,
      tpu.vector_store %arg10[%swap3A_363, %swap3A_364], %broadcast_in_dim3A_1 {strides = array<i32>} : memref<16x2048xi32, #tpu.memory_space<vmem>>, vector<16xi32>,
      %add3A_366 = arith.constant 64 : i32
      %add3A_367 = arith.addi %multiple_of3A_345, %add3A_366 : i32
      %swap3A_368 = arith.index_cast %scan3A_177 : i32 to index
      %swap3A_369 = arith.index_cast %add3A_367 : i32 to index
      %swap3A_370 = tpu.vector_load %arg10[%swap3A_368, %swap3A_369] {strides = array<i32>} : memref<16x2048xi32, #tpu.memory_space<vmem>>, vector<16xi32>,
      tpu.vector_store %arg10[%swap3A_368, %swap3A_369], %broadcast_in_dim3A_1 {strides = array<i32>} : memref<16x2048xi32, #tpu.memory_space<vmem>>, vector<16xi32>,
      %add3A_371 = arith.constant 80 : i32
      %add3A_372 = arith.addi %multiple_of3A_345, %add3A_371 : i32
      %swap3A_373 = arith.index_cast %scan3A_177 : i32 to index
      %swap3A_374 = arith.index_cast %add3A_372 : i32 to index
      %swap3A_375 = tpu.vector_load %arg10[%swap3A_373, %swap3A_374] {strides = array<i32>} : memref<16x2048xi32, #tpu.memory_space<vmem>>, vector<16xi32>,
      tpu.vector_store %arg10[%swap3A_373, %swap3A_374], %broadcast_in_dim3A_1 {strides = array<i32>} : memref<16x2048xi32, #tpu.memory_space<vmem>>, vector<16xi32>,
      %add3A_376 = arith.constant 96 : i32
      %add3A_377 = arith.addi %multiple_of3A_345, %add3A_376 : i32
      %swap3A_378 = arith.index_cast %scan3A_177 : i32 to index
      %swap3A_379 = arith.index_cast %add3A_377 : i32 to index
      %swap3A_380 = tpu.vector_load %arg10[%swap3A_378, %swap3A_379] {strides = array<i32>} : memref<16x2048xi32, #tpu.memory_space<vmem>>, vector<16xi32>,
      tpu.vector_store %arg10[%swap3A_378, %swap3A_379], %broadcast_in_dim3A_1 {strides = array<i32>} : memref<16x2048xi32, #tpu.memory_space<vmem>>, vector<16xi32>,
      %add3A_381 = arith.constant 112 : i32
      %add3A_382 = arith.addi %multiple_of3A_345, %add3A_381 : i32
      %swap3A_383 = arith.index_cast %scan3A_177 : i32 to index
      %swap3A_384 = arith.index_cast %add3A_382 : i32 to index
      %swap3A_385 = tpu.vector_load %arg10[%swap3A_383, %swap3A_384] {strides = array<i32>} : memref<16x2048xi32, #tpu.memory_space<vmem>>, vector<16xi32>,
      tpu.vector_store %arg10[%swap3A_383, %swap3A_384], %broadcast_in_dim3A_1 {strides = array<i32>} : memref<16x2048xi32, #tpu.memory_space<vmem>>, vector<16xi32>,
      %multiple_of3A_386 = arith.constant 640 : i32
      %multiple_of3A_387 = tpu.assume_multiple %multiple_of3A_386, 128 : i32
      %add3A_388 = arith.constant 0 : i32
      %add3A_389 = arith.addi %multiple_of3A_387, %add3A_388 : i32
      %swap3A_390 = arith.index_cast %scan3A_177 : i32 to index
      %swap3A_391 = arith.index_cast %add3A_389 : i32 to index
      %swap3A_392 = tpu.vector_load %arg10[%swap3A_390, %swap3A_391] {strides = array<i32>} : memref<16x2048xi32, #tpu.memory_space<vmem>>, vector<16xi32>,
      tpu.vector_store %arg10[%swap3A_390, %swap3A_391], %broadcast_in_dim3A_1 {strides = array<i32>} : memref<16x2048xi32, #tpu.memory_space<vmem>>, vector<16xi32>,
      %add3A_393 = arith.constant 16 : i32
      %add3A_394 = arith.addi %multiple_of3A_387, %add3A_393 : i32
      %swap3A_395 = arith.index_cast %scan3A_177 : i32 to index
      %swap3A_396 = arith.index_cast %add3A_394 : i32 to index
      %swap3A_397 = tpu.vector_load %arg10[%swap3A_395, %swap3A_396] {strides = array<i32>} : memref<16x2048xi32, #tpu.memory_space<vmem>>, vector<16xi32>,
      tpu.vector_store %arg10[%swap3A_395, %swap3A_396], %broadcast_in_dim3A_1 {strides = array<i32>} : memref<16x2048xi32, #tpu.memory_space<vmem>>, vector<16xi32>,
      %add3A_398 = arith.constant 32 : i32
      %add3A_399 = arith.addi %multiple_of3A_387, %add3A_398 : i32
      %swap3A_400 = arith.index_cast %scan3A_177 : i32 to index
      %swap3A_401 = arith.index_cast %add3A_399 : i32 to index
      %swap3A_402 = tpu.vector_load %arg10[%swap3A_400, %swap3A_401] {strides = array<i32>} : memref<16x2048xi32, #tpu.memory_space<vmem>>, vector<16xi32>,
      tpu.vector_store %arg10[%swap3A_400, %swap3A_401], %broadcast_in_dim3A_1 {strides = array<i32>} : memref<16x2048xi32, #tpu.memory_space<vmem>>, vector<16xi32>,
      %add3A_403 = arith.constant 48 : i32
      %add3A_404 = arith.addi %multiple_of3A_387, %add3A_403 : i32
      %swap3A_405 = arith.index_cast %scan3A_177 : i32 to index
      %swap3A_406 = arith.index_cast %add3A_404 : i32 to index
      %swap3A_407 = tpu.vector_load %arg10[%swap3A_405, %swap3A_406] {strides = array<i32>} : memref<16x2048xi32, #tpu.memory_space<vmem>>, vector<16xi32>,
      tpu.vector_store %arg10[%swap3A_405, %swap3A_406], %broadcast_in_dim3A_1 {strides = array<i32>} : memref<16x2048xi32, #tpu.memory_space<vmem>>, vector<16xi32>,
      %add3A_408 = arith.constant 64 : i32
      %add3A_409 = arith.addi %multiple_of3A_387, %add3A_408 : i32
      %swap3A_410 = arith.index_cast %scan3A_177 : i32 to index
      %swap3A_411 = arith.index_cast %add3A_409 : i32 to index
      %swap3A_412 = tpu.vector_load %arg10[%swap3A_410, %swap3A_411] {strides = array<i32>} : memref<16x2048xi32, #tpu.memory_space<vmem>>, vector<16xi32>,
      tpu.vector_store %arg10[%swap3A_410, %swap3A_411], %broadcast_in_dim3A_1 {strides = array<i32>} : memref<16x2048xi32, #tpu.memory_space<vmem>>, vector<16xi32>,
      %add3A_413 = arith.constant 80 : i32
      %add3A_414 = arith.addi %multiple_of3A_387, %add3A_413 : i32
      %swap3A_415 = arith.index_cast %scan3A_177 : i32 to index
      %swap3A_416 = arith.index_cast %add3A_414 : i32 to index
      %swap3A_417 = tpu.vector_load %arg10[%swap3A_415, %swap3A_416] {strides = array<i32>} : memref<16x2048xi32, #tpu.memory_space<vmem>>, vector<16xi32>,
      tpu.vector_store %arg10[%swap3A_415, %swap3A_416], %broadcast_in_dim3A_1 {strides = array<i32>} : memref<16x2048xi32, #tpu.memory_space<vmem>>, vector<16xi32>,
      %add3A_418 = arith.constant 96 : i32
      %add3A_419 = arith.addi %multiple_of3A_387, %add3A_418 : i32
      %swap3A_420 = arith.index_cast %scan3A_177 : i32 to index
      %swap3A_421 = arith.index_cast %add3A_419 : i32 to index
      %swap3A_422 = tpu.vector_load %arg10[%swap3A_420, %swap3A_421] {strides = array<i32>} : memref<16x2048xi32, #tpu.memory_space<vmem>>, vector<16xi32>,
      tpu.vector_store %arg10[%swap3A_420, %swap3A_421], %broadcast_in_dim3A_1 {strides = array<i32>} : memref<16x2048xi32, #tpu.memory_space<vmem>>, vector<16xi32>,
      %add3A_423 = arith.constant 112 : i32
      %add3A_424 = arith.addi %multiple_of3A_387, %add3A_423 : i32
      %swap3A_425 = arith.index_cast %scan3A_177 : i32 to index
      %swap3A_426 = arith.index_cast %add3A_424 : i32 to index
      %swap3A_427 = tpu.vector_load %arg10[%swap3A_425, %swap3A_426] {strides = array<i32>} : memref<16x2048xi32, #tpu.memory_space<vmem>>, vector<16xi32>,
      tpu.vector_store %arg10[%swap3A_425, %swap3A_426], %broadcast_in_dim3A_1 {strides = array<i32>} : memref<16x2048xi32, #tpu.memory_space<vmem>>, vector<16xi32>,
      %multiple_of3A_428 = arith.constant 768 : i32
      %multiple_of3A_429 = tpu.assume_multiple %multiple_of3A_428, 128 : i32
      %add3A_430 = arith.constant 0 : i32
      %add3A_431 = arith.addi %multiple_of3A_429, %add3A_430 : i32
      %swap3A_432 = arith.index_cast %scan3A_177 : i32 to index
      %swap3A_433 = arith.index_cast %add3A_431 : i32 to index
      %swap3A_434 = tpu.vector_load %arg10[%swap3A_432, %swap3A_433] {strides = array<i32>} : memref<16x2048xi32, #tpu.memory_space<vmem>>, vector<16xi32>,
      tpu.vector_store %arg10[%swap3A_432, %swap3A_433], %broadcast_in_dim3A_1 {strides = array<i32>} : memref<16x2048xi32, #tpu.memory_space<vmem>>, vector<16xi32>,
      %add3A_435 = arith.constant 16 : i32
      %add3A_436 = arith.addi %multiple_of3A_429, %add3A_435 : i32
      %swap3A_437 = arith.index_cast %scan3A_177 : i32 to index
      %swap3A_438 = arith.index_cast %add3A_436 : i32 to index
      %swap3A_439 = tpu.vector_load %arg10[%swap3A_437, %swap3A_438] {strides = array<i32>} : memref<16x2048xi32, #tpu.memory_space<vmem>>, vector<16xi32>,
      tpu.vector_store %arg10[%swap3A_437, %swap3A_438], %broadcast_in_dim3A_1 {strides = array<i32>} : memref<16x2048xi32, #tpu.memory_space<vmem>>, vector<16xi32>,
      %add3A_440 = arith.constant 32 : i32
      %add3A_441 = arith.addi %multiple_of3A_429, %add3A_440 : i32
      %swap3A_442 = arith.index_cast %scan3A_177 : i32 to index
      %swap3A_443 = arith.index_cast %add3A_441 : i32 to index
      %swap3A_444 = tpu.vector_load %arg10[%swap3A_442, %swap3A_443] {strides = array<i32>} : memref<16x2048xi32, #tpu.memory_space<vmem>>, vector<16xi32>,
      tpu.vector_store %arg10[%swap3A_442, %swap3A_443], %broadcast_in_dim3A_1 {strides = array<i32>} : memref<16x2048xi32, #tpu.memory_space<vmem>>, vector<16xi32>,
      %add3A_445 = arith.constant 48 : i32
      %add3A_446 = arith.addi %multiple_of3A_429, %add3A_445 : i32
      %swap3A_447 = arith.index_cast %scan3A_177 : i32 to index
      %swap3A_448 = arith.index_cast %add3A_446 : i32 to index
      %swap3A_449 = tpu.vector_load %arg10[%swap3A_447, %swap3A_448] {strides = array<i32>} : memref<16x2048xi32, #tpu.memory_space<vmem>>, vector<16xi32>,
      tpu.vector_store %arg10[%swap3A_447, %swap3A_448], %broadcast_in_dim3A_1 {strides = array<i32>} : memref<16x2048xi32, #tpu.memory_space<vmem>>, vector<16xi32>,
      %add3A_450 = arith.constant 64 : i32
      %add3A_451 = arith.addi %multiple_of3A_429, %add3A_450 : i32
      %swap3A_452 = arith.index_cast %scan3A_177 : i32 to index
      %swap3A_453 = arith.index_cast %add3A_451 : i32 to index
      %swap3A_454 = tpu.vector_load %arg10[%swap3A_452, %swap3A_453] {strides = array<i32>} : memref<16x2048xi32, #tpu.memory_space<vmem>>, vector<16xi32>,
      tpu.vector_store %arg10[%swap3A_452, %swap3A_453], %broadcast_in_dim3A_1 {strides = array<i32>} : memref<16x2048xi32, #tpu.memory_space<vmem>>, vector<16xi32>,
      %add3A_455 = arith.constant 80 : i32
      %add3A_456 = arith.addi %multiple_of3A_429, %add3A_455 : i32
      %swap3A_457 = arith.index_cast %scan3A_177 : i32 to index
      %swap3A_458 = arith.index_cast %add3A_456 : i32 to index
      %swap3A_459 = tpu.vector_load %arg10[%swap3A_457, %swap3A_458] {strides = array<i32>} : memref<16x2048xi32, #tpu.memory_space<vmem>>, vector<16xi32>,
      tpu.vector_store %arg10[%swap3A_457, %swap3A_458], %broadcast_in_dim3A_1 {strides = array<i32>} : memref<16x2048xi32, #tpu.memory_space<vmem>>, vector<16xi32>,
      %add3A_460 = arith.constant 96 : i32
      %add3A_461 = arith.addi %multiple_of3A_429, %add3A_460 : i32
      %swap3A_462 = arith.index_cast %scan3A_177 : i32 to index
      %swap3A_463 = arith.index_cast %add3A_461 : i32 to index
      %swap3A_464 = tpu.vector_load %arg10[%swap3A_462, %swap3A_463] {strides = array<i32>} : memref<16x2048xi32, #tpu.memory_space<vmem>>, vector<16xi32>,
      tpu.vector_store %arg10[%swap3A_462, %swap3A_463], %broadcast_in_dim3A_1 {strides = array<i32>} : memref<16x2048xi32, #tpu.memory_space<vmem>>, vector<16xi32>,
      %add3A_465 = arith.constant 112 : i32
      %add3A_466 = arith.addi %multiple_of3A_429, %add3A_465 : i32
      %swap3A_467 = arith.index_cast %scan3A_177 : i32 to index
      %swap3A_468 = arith.index_cast %add3A_466 : i32 to index
      %swap3A_469 = tpu.vector_load %arg10[%swap3A_467, %swap3A_468] {strides = array<i32>} : memref<16x2048xi32, #tpu.memory_space<vmem>>, vector<16xi32>,
      tpu.vector_store %arg10[%swap3A_467, %swap3A_468], %broadcast_in_dim3A_1 {strides = array<i32>} : memref<16x2048xi32, #tpu.memory_space<vmem>>, vector<16xi32>,
      %multiple_of3A_470 = arith.constant 896 : i32
      %multiple_of3A_471 = tpu.assume_multiple %multiple_of3A_470, 128 : i32
      %add3A_472 = arith.constant 0 : i32
      %add3A_473 = arith.addi %multiple_of3A_471, %add3A_472 : i32
      %swap3A_474 = arith.index_cast %scan3A_177 : i32 to index
      %swap3A_475 = arith.index_cast %add3A_473 : i32 to index
      %swap3A_476 = tpu.vector_load %arg10[%swap3A_474, %swap3A_475] {strides = array<i32>} : memref<16x2048xi32, #tpu.memory_space<vmem>>, vector<16xi32>,
      tpu.vector_store %arg10[%swap3A_474, %swap3A_475], %broadcast_in_dim3A_1 {strides = array<i32>} : memref<16x2048xi32, #tpu.memory_space<vmem>>, vector<16xi32>,
      %add3A_477 = arith.constant 16 : i32
      %add3A_478 = arith.addi %multiple_of3A_471, %add3A_477 : i32
      %swap3A_479 = arith.index_cast %scan3A_177 : i32 to index
      %swap3A_480 = arith.index_cast %add3A_478 : i32 to index
      %swap3A_481 = tpu.vector_load %arg10[%swap3A_479, %swap3A_480] {strides = array<i32>} : memref<16x2048xi32, #tpu.memory_space<vmem>>, vector<16xi32>,
      tpu.vector_store %arg10[%swap3A_479, %swap3A_480], %broadcast_in_dim3A_1 {strides = array<i32>} : memref<16x2048xi32, #tpu.memory_space<vmem>>, vector<16xi32>,
      %add3A_482 = arith.constant 32 : i32
      %add3A_483 = arith.addi %multiple_of3A_471, %add3A_482 : i32
      %swap3A_484 = arith.index_cast %scan3A_177 : i32 to index
      %swap3A_485 = arith.index_cast %add3A_483 : i32 to index
      %swap3A_486 = tpu.vector_load %arg10[%swap3A_484, %swap3A_485] {strides = array<i32>} : memref<16x2048xi32, #tpu.memory_space<vmem>>, vector<16xi32>,
      tpu.vector_store %arg10[%swap3A_484, %swap3A_485], %broadcast_in_dim3A_1 {strides = array<i32>} : memref<16x2048xi32, #tpu.memory_space<vmem>>, vector<16xi32>,
      %add3A_487 = arith.constant 48 : i32
      %add3A_488 = arith.addi %multiple_of3A_471, %add3A_487 : i32
      %swap3A_489 = arith.index_cast %scan3A_177 : i32 to index
      %swap3A_490 = arith.index_cast %add3A_488 : i32 to index
      %swap3A_491 = tpu.vector_load %arg10[%swap3A_489, %swap3A_490] {strides = array<i32>} : memref<16x2048xi32, #tpu.memory_space<vmem>>, vector<16xi32>,
      tpu.vector_store %arg10[%swap3A_489, %swap3A_490], %broadcast_in_dim3A_1 {strides = array<i32>} : memref<16x2048xi32, #tpu.memory_space<vmem>>, vector<16xi32>,
      %add3A_492 = arith.constant 64 : i32
      %add3A_493 = arith.addi %multiple_of3A_471, %add3A_492 : i32
      %swap3A_494 = arith.index_cast %scan3A_177 : i32 to index
      %swap3A_495 = arith.index_cast %add3A_493 : i32 to index
      %swap3A_496 = tpu.vector_load %arg10[%swap3A_494, %swap3A_495] {strides = array<i32>} : memref<16x2048xi32, #tpu.memory_space<vmem>>, vector<16xi32>,
      tpu.vector_store %arg10[%swap3A_494, %swap3A_495], %broadcast_in_dim3A_1 {strides = array<i32>} : memref<16x2048xi32, #tpu.memory_space<vmem>>, vector<16xi32>,
      %add3A_497 = arith.constant 80 : i32
      %add3A_498 = arith.addi %multiple_of3A_471, %add3A_497 : i32
      %swap3A_499 = arith.index_cast %scan3A_177 : i32 to index
      %swap3A_500 = arith.index_cast %add3A_498 : i32 to index
      %swap3A_501 = tpu.vector_load %arg10[%swap3A_499, %swap3A_500] {strides = array<i32>} : memref<16x2048xi32, #tpu.memory_space<vmem>>, vector<16xi32>,
      tpu.vector_store %arg10[%swap3A_499, %swap3A_500], %broadcast_in_dim3A_1 {strides = array<i32>} : memref<16x2048xi32, #tpu.memory_space<vmem>>, vector<16xi32>,
      %add3A_502 = arith.constant 96 : i32
      %add3A_503 = arith.addi %multiple_of3A_471, %add3A_502 : i32
      %swap3A_504 = arith.index_cast %scan3A_177 : i32 to index
      %swap3A_505 = arith.index_cast %add3A_503 : i32 to index
      %swap3A_506 = tpu.vector_load %arg10[%swap3A_504, %swap3A_505] {strides = array<i32>} : memref<16x2048xi32, #tpu.memory_space<vmem>>, vector<16xi32>,
      tpu.vector_store %arg10[%swap3A_504, %swap3A_505], %broadcast_in_dim3A_1 {strides = array<i32>} : memref<16x2048xi32, #tpu.memory_space<vmem>>, vector<16xi32>,
      %add3A_507 = arith.constant 112 : i32
      %add3A_508 = arith.addi %multiple_of3A_471, %add3A_507 : i32
      %swap3A_509 = arith.index_cast %scan3A_177 : i32 to index
      %swap3A_510 = arith.index_cast %add3A_508 : i32 to index
      %swap3A_511 = tpu.vector_load %arg10[%swap3A_509, %swap3A_510] {strides = array<i32>} : memref<16x2048xi32, #tpu.memory_space<vmem>>, vector<16xi32>,
      tpu.vector_store %arg10[%swap3A_509, %swap3A_510], %broadcast_in_dim3A_1 {strides = array<i32>} : memref<16x2048xi32, #tpu.memory_space<vmem>>, vector<16xi32>,
      %multiple_of3A_512 = arith.constant 1024 : i32
      %multiple_of3A_513 = tpu.assume_multiple %multiple_of3A_512, 128 : i32
      %add3A_514 = arith.constant 0 : i32
      %add3A_515 = arith.addi %multiple_of3A_513, %add3A_514 : i32
      %swap3A_516 = arith.index_cast %scan3A_177 : i32 to index
      %swap3A_517 = arith.index_cast %add3A_515 : i32 to index
      %swap3A_518 = tpu.vector_load %arg10[%swap3A_516, %swap3A_517] {strides = array<i32>} : memref<16x2048xi32, #tpu.memory_space<vmem>>, vector<16xi32>,
      tpu.vector_store %arg10[%swap3A_516, %swap3A_517], %broadcast_in_dim3A_1 {strides = array<i32>} : memref<16x2048xi32, #tpu.memory_space<vmem>>, vector<16xi32>,
      %add3A_519 = arith.constant 16 : i32
      %add3A_520 = arith.addi %multiple_of3A_513, %add3A_519 : i32
      %swap3A_521 = arith.index_cast %scan3A_177 : i32 to index
      %swap3A_522 = arith.index_cast %add3A_520 : i32 to index
      %swap3A_523 = tpu.vector_load %arg10[%swap3A_521, %swap3A_522] {strides = array<i32>} : memref<16x2048xi32, #tpu.memory_space<vmem>>, vector<16xi32>,
      tpu.vector_store %arg10[%swap3A_521, %swap3A_522], %broadcast_in_dim3A_1 {strides = array<i32>} : memref<16x2048xi32, #tpu.memory_space<vmem>>, vector<16xi32>,
      %add3A_524 = arith.constant 32 : i32
      %add3A_525 = arith.addi %multiple_of3A_513, %add3A_524 : i32
      %swap3A_526 = arith.index_cast %scan3A_177 : i32 to index
      %swap3A_527 = arith.index_cast %add3A_525 : i32 to index
      %swap3A_528 = tpu.vector_load %arg10[%swap3A_526, %swap3A_527] {strides = array<i32>} : memref<16x2048xi32, #tpu.memory_space<vmem>>, vector<16xi32>,
      tpu.vector_store %arg10[%swap3A_526, %swap3A_527], %broadcast_in_dim3A_1 {strides = array<i32>} : memref<16x2048xi32, #tpu.memory_space<vmem>>, vector<16xi32>,
      %add3A_529 = arith.constant 48 : i32
      %add3A_530 = arith.addi %multiple_of3A_513, %add3A_529 : i32
      %swap3A_531 = arith.index_cast %scan3A_177 : i32 to index
      %swap3A_532 = arith.index_cast %add3A_530 : i32 to index
      %swap3A_533 = tpu.vector_load %arg10[%swap3A_531, %swap3A_532] {strides = array<i32>} : memref<16x2048xi32, #tpu.memory_space<vmem>>, vector<16xi32>,
      tpu.vector_store %arg10[%swap3A_531, %swap3A_532], %broadcast_in_dim3A_1 {strides = array<i32>} : memref<16x2048xi32, #tpu.memory_space<vmem>>, vector<16xi32>,
      %add3A_534 = arith.constant 64 : i32
      %add3A_535 = arith.addi %multiple_of3A_513, %add3A_534 : i32
      %swap3A_536 = arith.index_cast %scan3A_177 : i32 to index
      %swap3A_537 = arith.index_cast %add3A_535 : i32 to index
      %swap3A_538 = tpu.vector_load %arg10[%swap3A_536, %swap3A_537] {strides = array<i32>} : memref<16x2048xi32, #tpu.memory_space<vmem>>, vector<16xi32>,
      tpu.vector_store %arg10[%swap3A_536, %swap3A_537], %broadcast_in_dim3A_1 {strides = array<i32>} : memref<16x2048xi32, #tpu.memory_space<vmem>>, vector<16xi32>,
      %add3A_539 = arith.constant 80 : i32
      %add3A_540 = arith.addi %multiple_of3A_513, %add3A_539 : i32
      %swap3A_541 = arith.index_cast %scan3A_177 : i32 to index
      %swap3A_542 = arith.index_cast %add3A_540 : i32 to index
      %swap3A_543 = tpu.vector_load %arg10[%swap3A_541, %swap3A_542] {strides = array<i32>} : memref<16x2048xi32, #tpu.memory_space<vmem>>, vector<16xi32>,
      tpu.vector_store %arg10[%swap3A_541, %swap3A_542], %broadcast_in_dim3A_1 {strides = array<i32>} : memref<16x2048xi32, #tpu.memory_space<vmem>>, vector<16xi32>,
      %add3A_544 = arith.constant 96 : i32
      %add3A_545 = arith.addi %multiple_of3A_513, %add3A_544 : i32
      %swap3A_546 = arith.index_cast %scan3A_177 : i32 to index
      %swap3A_547 = arith.index_cast %add3A_545 : i32 to index
      %swap3A_548 = tpu.vector_load %arg10[%swap3A_546, %swap3A_547] {strides = array<i32>} : memref<16x2048xi32, #tpu.memory_space<vmem>>, vector<16xi32>,
      tpu.vector_store %arg10[%swap3A_546, %swap3A_547], %broadcast_in_dim3A_1 {strides = array<i32>} : memref<16x2048xi32, #tpu.memory_space<vmem>>, vector<16xi32>,
      %add3A_549 = arith.constant 112 : i32
      %add3A_550 = arith.addi %multiple_of3A_513, %add3A_549 : i32
      %swap3A_551 = arith.index_cast %scan3A_177 : i32 to index
      %swap3A_552 = arith.index_cast %add3A_550 : i32 to index
      %swap3A_553 = tpu.vector_load %arg10[%swap3A_551, %swap3A_552] {strides = array<i32>} : memref<16x2048xi32, #tpu.memory_space<vmem>>, vector<16xi32>,
      tpu.vector_store %arg10[%swap3A_551, %swap3A_552], %broadcast_in_dim3A_1 {strides = array<i32>} : memref<16x2048xi32, #tpu.memory_space<vmem>>, vector<16xi32>,
      %multiple_of3A_554 = arith.constant 1152 : i32
      %multiple_of3A_555 = tpu.assume_multiple %multiple_of3A_554, 128 : i32
      %add3A_556 = arith.constant 0 : i32
      %add3A_557 = arith.addi %multiple_of3A_555, %add3A_556 : i32
      %swap3A_558 = arith.index_cast %scan3A_177 : i32 to index
      %swap3A_559 = arith.index_cast %add3A_557 : i32 to index
      %swap3A_560 = tpu.vector_load %arg10[%swap3A_558, %swap3A_559] {strides = array<i32>} : memref<16x2048xi32, #tpu.memory_space<vmem>>, vector<16xi32>,
      tpu.vector_store %arg10[%swap3A_558, %swap3A_559], %broadcast_in_dim3A_1 {strides = array<i32>} : memref<16x2048xi32, #tpu.memory_space<vmem>>, vector<16xi32>,
      %add3A_561 = arith.constant 16 : i32
      %add3A_562 = arith.addi %multiple_of3A_555, %add3A_561 : i32
      %swap3A_563 = arith.index_cast %scan3A_177 : i32 to index
      %swap3A_564 = arith.index_cast %add3A_562 : i32 to index
      %swap3A_565 = tpu.vector_load %arg10[%swap3A_563, %swap3A_564] {strides = array<i32>} : memref<16x2048xi32, #tpu.memory_space<vmem>>, vector<16xi32>,
      tpu.vector_store %arg10[%swap3A_563, %swap3A_564], %broadcast_in_dim3A_1 {strides = array<i32>} : memref<16x2048xi32, #tpu.memory_space<vmem>>, vector<16xi32>,
      %add3A_566 = arith.constant 32 : i32
      %add3A_567 = arith.addi %multiple_of3A_555, %add3A_566 : i32
      %swap3A_568 = arith.index_cast %scan3A_177 : i32 to index
      %swap3A_569 = arith.index_cast %add3A_567 : i32 to index
      %swap3A_570 = tpu.vector_load %arg10[%swap3A_568, %swap3A_569] {strides = array<i32>} : memref<16x2048xi32, #tpu.memory_space<vmem>>, vector<16xi32>,
      tpu.vector_store %arg10[%swap3A_568, %swap3A_569], %broadcast_in_dim3A_1 {strides = array<i32>} : memref<16x2048xi32, #tpu.memory_space<vmem>>, vector<16xi32>,
      %add3A_571 = arith.constant 48 : i32
      %add3A_572 = arith.addi %multiple_of3A_555, %add3A_571 : i32
      %swap3A_573 = arith.index_cast %scan3A_177 : i32 to index
      %swap3A_574 = arith.index_cast %add3A_572 : i32 to index
      %swap3A_575 = tpu.vector_load %arg10[%swap3A_573, %swap3A_574] {strides = array<i32>} : memref<16x2048xi32, #tpu.memory_space<vmem>>, vector<16xi32>,
      tpu.vector_store %arg10[%swap3A_573, %swap3A_574], %broadcast_in_dim3A_1 {strides = array<i32>} : memref<16x2048xi32, #tpu.memory_space<vmem>>, vector<16xi32>,
      %add3A_576 = arith.constant 64 : i32
      %add3A_577 = arith.addi %multiple_of3A_555, %add3A_576 : i32
      %swap3A_578 = arith.index_cast %scan3A_177 : i32 to index
      %swap3A_579 = arith.index_cast %add3A_577 : i32 to index
      %swap3A_580 = tpu.vector_load %arg10[%swap3A_578, %swap3A_579] {strides = array<i32>} : memref<16x2048xi32, #tpu.memory_space<vmem>>, vector<16xi32>,
      tpu.vector_store %arg10[%swap3A_578, %swap3A_579], %broadcast_in_dim3A_1 {strides = array<i32>} : memref<16x2048xi32, #tpu.memory_space<vmem>>, vector<16xi32>,
      %add3A_581 = arith.constant 80 : i32
      %add3A_582 = arith.addi %multiple_of3A_555, %add3A_581 : i32
      %swap3A_583 = arith.index_cast %scan3A_177 : i32 to index
      %swap3A_584 = arith.index_cast %add3A_582 : i32 to index
      %swap3A_585 = tpu.vector_load %arg10[%swap3A_583, %swap3A_584] {strides = array<i32>} : memref<16x2048xi32, #tpu.memory_space<vmem>>, vector<16xi32>,
      tpu.vector_store %arg10[%swap3A_583, %swap3A_584], %broadcast_in_dim3A_1 {strides = array<i32>} : memref<16x2048xi32, #tpu.memory_space<vmem>>, vector<16xi32>,
      %add3A_586 = arith.constant 96 : i32
      %add3A_587 = arith.addi %multiple_of3A_555, %add3A_586 : i32
      %swap3A_588 = arith.index_cast %scan3A_177 : i32 to index
      %swap3A_589 = arith.index_cast %add3A_587 : i32 to index
      %swap3A_590 = tpu.vector_load %arg10[%swap3A_588, %swap3A_589] {strides = array<i32>} : memref<16x2048xi32, #tpu.memory_space<vmem>>, vector<16xi32>,
      tpu.vector_store %arg10[%swap3A_588, %swap3A_589], %broadcast_in_dim3A_1 {strides = array<i32>} : memref<16x2048xi32, #tpu.memory_space<vmem>>, vector<16xi32>,
      %add3A_591 = arith.constant 112 : i32
      %add3A_592 = arith.addi %multiple_of3A_555, %add3A_591 : i32
      %swap3A_593 = arith.index_cast %scan3A_177 : i32 to index
      %swap3A_594 = arith.index_cast %add3A_592 : i32 to index
      %swap3A_595 = tpu.vector_load %arg10[%swap3A_593, %swap3A_594] {strides = array<i32>} : memref<16x2048xi32, #tpu.memory_space<vmem>>, vector<16xi32>,
      tpu.vector_store %arg10[%swap3A_593, %swap3A_594], %broadcast_in_dim3A_1 {strides = array<i32>} : memref<16x2048xi32, #tpu.memory_space<vmem>>, vector<16xi32>,
      %multiple_of3A_596 = arith.constant 1280 : i32
      %multiple_of3A_597 = tpu.assume_multiple %multiple_of3A_596, 128 : i32
      %add3A_598 = arith.constant 0 : i32
      %add3A_599 = arith.addi %multiple_of3A_597, %add3A_598 : i32
      %swap3A_600 = arith.index_cast %scan3A_177 : i32 to index
      %swap3A_601 = arith.index_cast %add3A_599 : i32 to index
      %swap3A_602 = tpu.vector_load %arg10[%swap3A_600, %swap3A_601] {strides = array<i32>} : memref<16x2048xi32, #tpu.memory_space<vmem>>, vector<16xi32>,
      tpu.vector_store %arg10[%swap3A_600, %swap3A_601], %broadcast_in_dim3A_1 {strides = array<i32>} : memref<16x2048xi32, #tpu.memory_space<vmem>>, vector<16xi32>,
      %add3A_603 = arith.constant 16 : i32
      %add3A_604 = arith.addi %multiple_of3A_597, %add3A_603 : i32
      %swap3A_605 = arith.index_cast %scan3A_177 : i32 to index
      %swap3A_606 = arith.index_cast %add3A_604 : i32 to index
      %swap3A_607 = tpu.vector_load %arg10[%swap3A_605, %swap3A_606] {strides = array<i32>} : memref<16x2048xi32, #tpu.memory_space<vmem>>, vector<16xi32>,
      tpu.vector_store %arg10[%swap3A_605, %swap3A_606], %broadcast_in_dim3A_1 {strides = array<i32>} : memref<16x2048xi32, #tpu.memory_space<vmem>>, vector<16xi32>,
      %add3A_608 = arith.constant 32 : i32
      %add3A_609 = arith.addi %multiple_of3A_597, %add3A_608 : i32
      %swap3A_610 = arith.index_cast %scan3A_177 : i32 to index
      %swap3A_611 = arith.index_cast %add3A_609 : i32 to index
      %swap3A_612 = tpu.vector_load %arg10[%swap3A_610, %swap3A_611] {strides = array<i32>} : memref<16x2048xi32, #tpu.memory_space<vmem>>, vector<16xi32>,
      tpu.vector_store %arg10[%swap3A_610, %swap3A_611], %broadcast_in_dim3A_1 {strides = array<i32>} : memref<16x2048xi32, #tpu.memory_space<vmem>>, vector<16xi32>,
      %add3A_613 = arith.constant 48 : i32
      %add3A_614 = arith.addi %multiple_of3A_597, %add3A_613 : i32
      %swap3A_615 = arith.index_cast %scan3A_177 : i32 to index
      %swap3A_616 = arith.index_cast %add3A_614 : i32 to index
      %swap3A_617 = tpu.vector_load %arg10[%swap3A_615, %swap3A_616] {strides = array<i32>} : memref<16x2048xi32, #tpu.memory_space<vmem>>, vector<16xi32>,
      tpu.vector_store %arg10[%swap3A_615, %swap3A_616], %broadcast_in_dim3A_1 {strides = array<i32>} : memref<16x2048xi32, #tpu.memory_space<vmem>>, vector<16xi32>,
      %add3A_618 = arith.constant 64 : i32
      %add3A_619 = arith.addi %multiple_of3A_597, %add3A_618 : i32
      %swap3A_620 = arith.index_cast %scan3A_177 : i32 to index
      %swap3A_621 = arith.index_cast %add3A_619 : i32 to index
      %swap3A_622 = tpu.vector_load %arg10[%swap3A_620, %swap3A_621] {strides = array<i32>} : memref<16x2048xi32, #tpu.memory_space<vmem>>, vector<16xi32>,
      tpu.vector_store %arg10[%swap3A_620, %swap3A_621], %broadcast_in_dim3A_1 {strides = array<i32>} : memref<16x2048xi32, #tpu.memory_space<vmem>>, vector<16xi32>,
      %add3A_623 = arith.constant 80 : i32
      %add3A_624 = arith.addi %multiple_of3A_597, %add3A_623 : i32
      %swap3A_625 = arith.index_cast %scan3A_177 : i32 to index
      %swap3A_626 = arith.index_cast %add3A_624 : i32 to index
      %swap3A_627 = tpu.vector_load %arg10[%swap3A_625, %swap3A_626] {strides = array<i32>} : memref<16x2048xi32, #tpu.memory_space<vmem>>, vector<16xi32>,
      tpu.vector_store %arg10[%swap3A_625, %swap3A_626], %broadcast_in_dim3A_1 {strides = array<i32>} : memref<16x2048xi32, #tpu.memory_space<vmem>>, vector<16xi32>,
      %add3A_628 = arith.constant 96 : i32
      %add3A_629 = arith.addi %multiple_of3A_597, %add3A_628 : i32
      %swap3A_630 = arith.index_cast %scan3A_177 : i32 to index
      %swap3A_631 = arith.index_cast %add3A_629 : i32 to index
      %swap3A_632 = tpu.vector_load %arg10[%swap3A_630, %swap3A_631] {strides = array<i32>} : memref<16x2048xi32, #tpu.memory_space<vmem>>, vector<16xi32>,
      tpu.vector_store %arg10[%swap3A_630, %swap3A_631], %broadcast_in_dim3A_1 {strides = array<i32>} : memref<16x2048xi32, #tpu.memory_space<vmem>>, vector<16xi32>,
      %add3A_633 = arith.constant 112 : i32
      %add3A_634 = arith.addi %multiple_of3A_597, %add3A_633 : i32
      %swap3A_635 = arith.index_cast %scan3A_177 : i32 to index
      %swap3A_636 = arith.index_cast %add3A_634 : i32 to index
      %swap3A_637 = tpu.vector_load %arg10[%swap3A_635, %swap3A_636] {strides = array<i32>} : memref<16x2048xi32, #tpu.memory_space<vmem>>, vector<16xi32>,
      tpu.vector_store %arg10[%swap3A_635, %swap3A_636], %broadcast_in_dim3A_1 {strides = array<i32>} : memref<16x2048xi32, #tpu.memory_space<vmem>>, vector<16xi32>,
      %multiple_of3A_638 = arith.constant 1408 : i32
      %multiple_of3A_639 = tpu.assume_multiple %multiple_of3A_638, 128 : i32
      %add3A_640 = arith.constant 0 : i32
      %add3A_641 = arith.addi %multiple_of3A_639, %add3A_640 : i32
      %swap3A_642 = arith.index_cast %scan3A_177 : i32 to index
      %swap3A_643 = arith.index_cast %add3A_641 : i32 to index
      %swap3A_644 = tpu.vector_load %arg10[%swap3A_642, %swap3A_643] {strides = array<i32>} : memref<16x2048xi32, #tpu.memory_space<vmem>>, vector<16xi32>,
      tpu.vector_store %arg10[%swap3A_642, %swap3A_643], %broadcast_in_dim3A_1 {strides = array<i32>} : memref<16x2048xi32, #tpu.memory_space<vmem>>, vector<16xi32>,
      %add3A_645 = arith.constant 16 : i32
      %add3A_646 = arith.addi %multiple_of3A_639, %add3A_645 : i32
      %swap3A_647 = arith.index_cast %scan3A_177 : i32 to index
      %swap3A_648 = arith.index_cast %add3A_646 : i32 to index
      %swap3A_649 = tpu.vector_load %arg10[%swap3A_647, %swap3A_648] {strides = array<i32>} : memref<16x2048xi32, #tpu.memory_space<vmem>>, vector<16xi32>,
      tpu.vector_store %arg10[%swap3A_647, %swap3A_648], %broadcast_in_dim3A_1 {strides = array<i32>} : memref<16x2048xi32, #tpu.memory_space<vmem>>, vector<16xi32>,
      %add3A_650 = arith.constant 32 : i32
      %add3A_651 = arith.addi %multiple_of3A_639, %add3A_650 : i32
      %swap3A_652 = arith.index_cast %scan3A_177 : i32 to index
      %swap3A_653 = arith.index_cast %add3A_651 : i32 to index
      %swap3A_654 = tpu.vector_load %arg10[%swap3A_652, %swap3A_653] {strides = array<i32>} : memref<16x2048xi32, #tpu.memory_space<vmem>>, vector<16xi32>,
      tpu.vector_store %arg10[%swap3A_652, %swap3A_653], %broadcast_in_dim3A_1 {strides = array<i32>} : memref<16x2048xi32, #tpu.memory_space<vmem>>, vector<16xi32>,
      %add3A_655 = arith.constant 48 : i32
      %add3A_656 = arith.addi %multiple_of3A_639, %add3A_655 : i32
      %swap3A_657 = arith.index_cast %scan3A_177 : i32 to index
      %swap3A_658 = arith.index_cast %add3A_656 : i32 to index
      %swap3A_659 = tpu.vector_load %arg10[%swap3A_657, %swap3A_658] {strides = array<i32>} : memref<16x2048xi32, #tpu.memory_space<vmem>>, vector<16xi32>,
      tpu.vector_store %arg10[%swap3A_657, %swap3A_658], %broadcast_in_dim3A_1 {strides = array<i32>} : memref<16x2048xi32, #tpu.memory_space<vmem>>, vector<16xi32>,
      %add3A_660 = arith.constant 64 : i32
      %add3A_661 = arith.addi %multiple_of3A_639, %add3A_660 : i32
      %swap3A_662 = arith.index_cast %scan3A_177 : i32 to index
      %swap3A_663 = arith.index_cast %add3A_661 : i32 to index
      %swap3A_664 = tpu.vector_load %arg10[%swap3A_662, %swap3A_663] {strides = array<i32>} : memref<16x2048xi32, #tpu.memory_space<vmem>>, vector<16xi32>,
      tpu.vector_store %arg10[%swap3A_662, %swap3A_663], %broadcast_in_dim3A_1 {strides = array<i32>} : memref<16x2048xi32, #tpu.memory_space<vmem>>, vector<16xi32>,
      %add3A_665 = arith.constant 80 : i32
      %add3A_666 = arith.addi %multiple_of3A_639, %add3A_665 : i32
      %swap3A_667 = arith.index_cast %scan3A_177 : i32 to index
      %swap3A_668 = arith.index_cast %add3A_666 : i32 to index
      %swap3A_669 = tpu.vector_load %arg10[%swap3A_667, %swap3A_668] {strides = array<i32>} : memref<16x2048xi32, #tpu.memory_space<vmem>>, vector<16xi32>,
      tpu.vector_store %arg10[%swap3A_667, %swap3A_668], %broadcast_in_dim3A_1 {strides = array<i32>} : memref<16x2048xi32, #tpu.memory_space<vmem>>, vector<16xi32>,
      %add3A_670 = arith.constant 96 : i32
      %add3A_671 = arith.addi %multiple_of3A_639, %add3A_670 : i32
      %swap3A_672 = arith.index_cast %scan3A_177 : i32 to index
      %swap3A_673 = arith.index_cast %add3A_671 : i32 to index
      %swap3A_674 = tpu.vector_load %arg10[%swap3A_672, %swap3A_673] {strides = array<i32>} : memref<16x2048xi32, #tpu.memory_space<vmem>>, vector<16xi32>,
      tpu.vector_store %arg10[%swap3A_672, %swap3A_673], %broadcast_in_dim3A_1 {strides = array<i32>} : memref<16x2048xi32, #tpu.memory_space<vmem>>, vector<16xi32>,
      %add3A_675 = arith.constant 112 : i32
      %add3A_676 = arith.addi %multiple_of3A_639, %add3A_675 : i32
      %swap3A_677 = arith.index_cast %scan3A_177 : i32 to index
      %swap3A_678 = arith.index_cast %add3A_676 : i32 to index
      %swap3A_679 = tpu.vector_load %arg10[%swap3A_677, %swap3A_678] {strides = array<i32>} : memref<16x2048xi32, #tpu.memory_space<vmem>>, vector<16xi32>,
      tpu.vector_store %arg10[%swap3A_677, %swap3A_678], %broadcast_in_dim3A_1 {strides = array<i32>} : memref<16x2048xi32, #tpu.memory_space<vmem>>, vector<16xi32>,
      %multiple_of3A_680 = arith.constant 1536 : i32
      %multiple_of3A_681 = tpu.assume_multiple %multiple_of3A_680, 128 : i32
      %add3A_682 = arith.constant 0 : i32
      %add3A_683 = arith.addi %multiple_of3A_681, %add3A_682 : i32
      %swap3A_684 = arith.index_cast %scan3A_177 : i32 to index
      %swap3A_685 = arith.index_cast %add3A_683 : i32 to index
      %swap3A_686 = tpu.vector_load %arg10[%swap3A_684, %swap3A_685] {strides = array<i32>} : memref<16x2048xi32, #tpu.memory_space<vmem>>, vector<16xi32>,
      tpu.vector_store %arg10[%swap3A_684, %swap3A_685], %broadcast_in_dim3A_1 {strides = array<i32>} : memref<16x2048xi32, #tpu.memory_space<vmem>>, vector<16xi32>,
      %add3A_687 = arith.constant 16 : i32
      %add3A_688 = arith.addi %multiple_of3A_681, %add3A_687 : i32
      %swap3A_689 = arith.index_cast %scan3A_177 : i32 to index
      %swap3A_690 = arith.index_cast %add3A_688 : i32 to index
      %swap3A_691 = tpu.vector_load %arg10[%swap3A_689, %swap3A_690] {strides = array<i32>} : memref<16x2048xi32, #tpu.memory_space<vmem>>, vector<16xi32>,
      tpu.vector_store %arg10[%swap3A_689, %swap3A_690], %broadcast_in_dim3A_1 {strides = array<i32>} : memref<16x2048xi32, #tpu.memory_space<vmem>>, vector<16xi32>,
      %add3A_692 = arith.constant 32 : i32
      %add3A_693 = arith.addi %multiple_of3A_681, %add3A_692 : i32
      %swap3A_694 = arith.index_cast %scan3A_177 : i32 to index
      %swap3A_695 = arith.index_cast %add3A_693 : i32 to index
      %swap3A_696 = tpu.vector_load %arg10[%swap3A_694, %swap3A_695] {strides = array<i32>} : memref<16x2048xi32, #tpu.memory_space<vmem>>, vector<16xi32>,
      tpu.vector_store %arg10[%swap3A_694, %swap3A_695], %broadcast_in_dim3A_1 {strides = array<i32>} : memref<16x2048xi32, #tpu.memory_space<vmem>>, vector<16xi32>,
      %add3A_697 = arith.constant 48 : i32
      %add3A_698 = arith.addi %multiple_of3A_681, %add3A_697 : i32
      %swap3A_699 = arith.index_cast %scan3A_177 : i32 to index
      %swap3A_700 = arith.index_cast %add3A_698 : i32 to index
      %swap3A_701 = tpu.vector_load %arg10[%swap3A_699, %swap3A_700] {strides = array<i32>} : memref<16x2048xi32, #tpu.memory_space<vmem>>, vector<16xi32>,
      tpu.vector_store %arg10[%swap3A_699, %swap3A_700], %broadcast_in_dim3A_1 {strides = array<i32>} : memref<16x2048xi32, #tpu.memory_space<vmem>>, vector<16xi32>,
      %add3A_702 = arith.constant 64 : i32
      %add3A_703 = arith.addi %multiple_of3A_681, %add3A_702 : i32
      %swap3A_704 = arith.index_cast %scan3A_177 : i32 to index
      %swap3A_705 = arith.index_cast %add3A_703 : i32 to index
      %swap3A_706 = tpu.vector_load %arg10[%swap3A_704, %swap3A_705] {strides = array<i32>} : memref<16x2048xi32, #tpu.memory_space<vmem>>, vector<16xi32>,
      tpu.vector_store %arg10[%swap3A_704, %swap3A_705], %broadcast_in_dim3A_1 {strides = array<i32>} : memref<16x2048xi32, #tpu.memory_space<vmem>>, vector<16xi32>,
      %add3A_707 = arith.constant 80 : i32
      %add3A_708 = arith.addi %multiple_of3A_681, %add3A_707 : i32
      %swap3A_709 = arith.index_cast %scan3A_177 : i32 to index
      %swap3A_710 = arith.index_cast %add3A_708 : i32 to index
      %swap3A_711 = tpu.vector_load %arg10[%swap3A_709, %swap3A_710] {strides = array<i32>} : memref<16x2048xi32, #tpu.memory_space<vmem>>, vector<16xi32>,
      tpu.vector_store %arg10[%swap3A_709, %swap3A_710], %broadcast_in_dim3A_1 {strides = array<i32>} : memref<16x2048xi32, #tpu.memory_space<vmem>>, vector<16xi32>,
      %add3A_712 = arith.constant 96 : i32
      %add3A_713 = arith.addi %multiple_of3A_681, %add3A_712 : i32
      %swap3A_714 = arith.index_cast %scan3A_177 : i32 to index
      %swap3A_715 = arith.index_cast %add3A_713 : i32 to index
      %swap3A_716 = tpu.vector_load %arg10[%swap3A_714, %swap3A_715] {strides = array<i32>} : memref<16x2048xi32, #tpu.memory_space<vmem>>, vector<16xi32>,
      tpu.vector_store %arg10[%swap3A_714, %swap3A_715], %broadcast_in_dim3A_1 {strides = array<i32>} : memref<16x2048xi32, #tpu.memory_space<vmem>>, vector<16xi32>,
      %add3A_717 = arith.constant 112 : i32
      %add3A_718 = arith.addi %multiple_of3A_681, %add3A_717 : i32
      %swap3A_719 = arith.index_cast %scan3A_177 : i32 to index
      %swap3A_720 = arith.index_cast %add3A_718 : i32 to index
      %swap3A_721 = tpu.vector_load %arg10[%swap3A_719, %swap3A_720] {strides = array<i32>} : memref<16x2048xi32, #tpu.memory_space<vmem>>, vector<16xi32>,
      tpu.vector_store %arg10[%swap3A_719, %swap3A_720], %broadcast_in_dim3A_1 {strides = array<i32>} : memref<16x2048xi32, #tpu.memory_space<vmem>>, vector<16xi32>,
      %multiple_of3A_722 = arith.constant 1664 : i32
      %multiple_of3A_723 = tpu.assume_multiple %multiple_of3A_722, 128 : i32
      %add3A_724 = arith.constant 0 : i32
      %add3A_725 = arith.addi %multiple_of3A_723, %add3A_724 : i32
      %swap3A_726 = arith.index_cast %scan3A_177 : i32 to index
      %swap3A_727 = arith.index_cast %add3A_725 : i32 to index
      %swap3A_728 = tpu.vector_load %arg10[%swap3A_726, %swap3A_727] {strides = array<i32>} : memref<16x2048xi32, #tpu.memory_space<vmem>>, vector<16xi32>,
      tpu.vector_store %arg10[%swap3A_726, %swap3A_727], %broadcast_in_dim3A_1 {strides = array<i32>} : memref<16x2048xi32, #tpu.memory_space<vmem>>, vector<16xi32>,
      %add3A_729 = arith.constant 16 : i32
      %add3A_730 = arith.addi %multiple_of3A_723, %add3A_729 : i32
      %swap3A_731 = arith.index_cast %scan3A_177 : i32 to index
      %swap3A_732 = arith.index_cast %add3A_730 : i32 to index
      %swap3A_733 = tpu.vector_load %arg10[%swap3A_731, %swap3A_732] {strides = array<i32>} : memref<16x2048xi32, #tpu.memory_space<vmem>>, vector<16xi32>,
      tpu.vector_store %arg10[%swap3A_731, %swap3A_732], %broadcast_in_dim3A_1 {strides = array<i32>} : memref<16x2048xi32, #tpu.memory_space<vmem>>, vector<16xi32>,
      %add3A_734 = arith.constant 32 : i32
      %add3A_735 = arith.addi %multiple_of3A_723, %add3A_734 : i32
      %swap3A_736 = arith.index_cast %scan3A_177 : i32 to index
      %swap3A_737 = arith.index_cast %add3A_735 : i32 to index
      %swap3A_738 = tpu.vector_load %arg10[%swap3A_736, %swap3A_737] {strides = array<i32>} : memref<16x2048xi32, #tpu.memory_space<vmem>>, vector<16xi32>,
      tpu.vector_store %arg10[%swap3A_736, %swap3A_737], %broadcast_in_dim3A_1 {strides = array<i32>} : memref<16x2048xi32, #tpu.memory_space<vmem>>, vector<16xi32>,
      %add3A_739 = arith.constant 48 : i32
      %add3A_740 = arith.addi %multiple_of3A_723, %add3A_739 : i32
      %swap3A_741 = arith.index_cast %scan3A_177 : i32 to index
      %swap3A_742 = arith.index_cast %add3A_740 : i32 to index
      %swap3A_743 = tpu.vector_load %arg10[%swap3A_741, %swap3A_742] {strides = array<i32>} : memref<16x2048xi32, #tpu.memory_space<vmem>>, vector<16xi32>,
      tpu.vector_store %arg10[%swap3A_741, %swap3A_742], %broadcast_in_dim3A_1 {strides = array<i32>} : memref<16x2048xi32, #tpu.memory_space<vmem>>, vector<16xi32>,
      %add3A_744 = arith.constant 64 : i32
      %add3A_745 = arith.addi %multiple_of3A_723, %add3A_744 : i32
      %swap3A_746 = arith.index_cast %scan3A_177 : i32 to index
      %swap3A_747 = arith.index_cast %add3A_745 : i32 to index
      %swap3A_748 = tpu.vector_load %arg10[%swap3A_746, %swap3A_747] {strides = array<i32>} : memref<16x2048xi32, #tpu.memory_space<vmem>>, vector<16xi32>,
      tpu.vector_store %arg10[%swap3A_746, %swap3A_747], %broadcast_in_dim3A_1 {strides = array<i32>} : memref<16x2048xi32, #tpu.memory_space<vmem>>, vector<16xi32>,
      %add3A_749 = arith.constant 80 : i32
      %add3A_750 = arith.addi %multiple_of3A_723, %add3A_749 : i32
      %swap3A_751 = arith.index_cast %scan3A_177 : i32 to index
      %swap3A_752 = arith.index_cast %add3A_750 : i32 to index
      %swap3A_753 = tpu.vector_load %arg10[%swap3A_751, %swap3A_752] {strides = array<i32>} : memref<16x2048xi32, #tpu.memory_space<vmem>>, vector<16xi32>,
      tpu.vector_store %arg10[%swap3A_751, %swap3A_752], %broadcast_in_dim3A_1 {strides = array<i32>} : memref<16x2048xi32, #tpu.memory_space<vmem>>, vector<16xi32>,
      %add3A_754 = arith.constant 96 : i32
      %add3A_755 = arith.addi %multiple_of3A_723, %add3A_754 : i32
      %swap3A_756 = arith.index_cast %scan3A_177 : i32 to index
      %swap3A_757 = arith.index_cast %add3A_755 : i32 to index
      %swap3A_758 = tpu.vector_load %arg10[%swap3A_756, %swap3A_757] {strides = array<i32>} : memref<16x2048xi32, #tpu.memory_space<vmem>>, vector<16xi32>,
      tpu.vector_store %arg10[%swap3A_756, %swap3A_757], %broadcast_in_dim3A_1 {strides = array<i32>} : memref<16x2048xi32, #tpu.memory_space<vmem>>, vector<16xi32>,
      %add3A_759 = arith.constant 112 : i32
      %add3A_760 = arith.addi %multiple_of3A_723, %add3A_759 : i32
      %swap3A_761 = arith.index_cast %scan3A_177 : i32 to index
      %swap3A_762 = arith.index_cast %add3A_760 : i32 to index
      %swap3A_763 = tpu.vector_load %arg10[%swap3A_761, %swap3A_762] {strides = array<i32>} : memref<16x2048xi32, #tpu.memory_space<vmem>>, vector<16xi32>,
      tpu.vector_store %arg10[%swap3A_761, %swap3A_762], %broadcast_in_dim3A_1 {strides = array<i32>} : memref<16x2048xi32, #tpu.memory_space<vmem>>, vector<16xi32>,
      %multiple_of3A_764 = arith.constant 1792 : i32
      %multiple_of3A_765 = tpu.assume_multiple %multiple_of3A_764, 128 : i32
      %add3A_766 = arith.constant 0 : i32
      %add3A_767 = arith.addi %multiple_of3A_765, %add3A_766 : i32
      %swap3A_768 = arith.index_cast %scan3A_177 : i32 to index
      %swap3A_769 = arith.index_cast %add3A_767 : i32 to index
      %swap3A_770 = tpu.vector_load %arg10[%swap3A_768, %swap3A_769] {strides = array<i32>} : memref<16x2048xi32, #tpu.memory_space<vmem>>, vector<16xi32>,
      tpu.vector_store %arg10[%swap3A_768, %swap3A_769], %broadcast_in_dim3A_1 {strides = array<i32>} : memref<16x2048xi32, #tpu.memory_space<vmem>>, vector<16xi32>,
      %add3A_771 = arith.constant 16 : i32
      %add3A_772 = arith.addi %multiple_of3A_765, %add3A_771 : i32
      %swap3A_773 = arith.index_cast %scan3A_177 : i32 to index
      %swap3A_774 = arith.index_cast %add3A_772 : i32 to index
      %swap3A_775 = tpu.vector_load %arg10[%swap3A_773, %swap3A_774] {strides = array<i32>} : memref<16x2048xi32, #tpu.memory_space<vmem>>, vector<16xi32>,
      tpu.vector_store %arg10[%swap3A_773, %swap3A_774], %broadcast_in_dim3A_1 {strides = array<i32>} : memref<16x2048xi32, #tpu.memory_space<vmem>>, vector<16xi32>,
      %add3A_776 = arith.constant 32 : i32
      %add3A_777 = arith.addi %multiple_of3A_765, %add3A_776 : i32
      %swap3A_778 = arith.index_cast %scan3A_177 : i32 to index
      %swap3A_779 = arith.index_cast %add3A_777 : i32 to index
      %swap3A_780 = tpu.vector_load %arg10[%swap3A_778, %swap3A_779] {strides = array<i32>} : memref<16x2048xi32, #tpu.memory_space<vmem>>, vector<16xi32>,
      tpu.vector_store %arg10[%swap3A_778, %swap3A_779], %broadcast_in_dim3A_1 {strides = array<i32>} : memref<16x2048xi32, #tpu.memory_space<vmem>>, vector<16xi32>,
      %add3A_781 = arith.constant 48 : i32
      %add3A_782 = arith.addi %multiple_of3A_765, %add3A_781 : i32
      %swap3A_783 = arith.index_cast %scan3A_177 : i32 to index
      %swap3A_784 = arith.index_cast %add3A_782 : i32 to index
      %swap3A_785 = tpu.vector_load %arg10[%swap3A_783, %swap3A_784] {strides = array<i32>} : memref<16x2048xi32, #tpu.memory_space<vmem>>, vector<16xi32>,
      tpu.vector_store %arg10[%swap3A_783, %swap3A_784], %broadcast_in_dim3A_1 {strides = array<i32>} : memref<16x2048xi32, #tpu.memory_space<vmem>>, vector<16xi32>,
      %add3A_786 = arith.constant 64 : i32
      %add3A_787 = arith.addi %multiple_of3A_765, %add3A_786 : i32
      %swap3A_788 = arith.index_cast %scan3A_177 : i32 to index
      %swap3A_789 = arith.index_cast %add3A_787 : i32 to index
      %swap3A_790 = tpu.vector_load %arg10[%swap3A_788, %swap3A_789] {strides = array<i32>} : memref<16x2048xi32, #tpu.memory_space<vmem>>, vector<16xi32>,
      tpu.vector_store %arg10[%swap3A_788, %swap3A_789], %broadcast_in_dim3A_1 {strides = array<i32>} : memref<16x2048xi32, #tpu.memory_space<vmem>>, vector<16xi32>,
      %add3A_791 = arith.constant 80 : i32
      %add3A_792 = arith.addi %multiple_of3A_765, %add3A_791 : i32
      %swap3A_793 = arith.index_cast %scan3A_177 : i32 to index
      %swap3A_794 = arith.index_cast %add3A_792 : i32 to index
      %swap3A_795 = tpu.vector_load %arg10[%swap3A_793, %swap3A_794] {strides = array<i32>} : memref<16x2048xi32, #tpu.memory_space<vmem>>, vector<16xi32>,
      tpu.vector_store %arg10[%swap3A_793, %swap3A_794], %broadcast_in_dim3A_1 {strides = array<i32>} : memref<16x2048xi32, #tpu.memory_space<vmem>>, vector<16xi32>,
      %add3A_796 = arith.constant 96 : i32
      %add3A_797 = arith.addi %multiple_of3A_765, %add3A_796 : i32
      %swap3A_798 = arith.index_cast %scan3A_177 : i32 to index
      %swap3A_799 = arith.index_cast %add3A_797 : i32 to index
      %swap3A_800 = tpu.vector_load %arg10[%swap3A_798, %swap3A_799] {strides = array<i32>} : memref<16x2048xi32, #tpu.memory_space<vmem>>, vector<16xi32>,
      tpu.vector_store %arg10[%swap3A_798, %swap3A_799], %broadcast_in_dim3A_1 {strides = array<i32>} : memref<16x2048xi32, #tpu.memory_space<vmem>>, vector<16xi32>,
      %add3A_801 = arith.constant 112 : i32
      %add3A_802 = arith.addi %multiple_of3A_765, %add3A_801 : i32
      %swap3A_803 = arith.index_cast %scan3A_177 : i32 to index
      %swap3A_804 = arith.index_cast %add3A_802 : i32 to index
      %swap3A_805 = tpu.vector_load %arg10[%swap3A_803, %swap3A_804] {strides = array<i32>} : memref<16x2048xi32, #tpu.memory_space<vmem>>, vector<16xi32>,
      tpu.vector_store %arg10[%swap3A_803, %swap3A_804], %broadcast_in_dim3A_1 {strides = array<i32>} : memref<16x2048xi32, #tpu.memory_space<vmem>>, vector<16xi32>,
      %multiple_of3A_806 = arith.constant 1920 : i32
      %multiple_of3A_807 = tpu.assume_multiple %multiple_of3A_806, 128 : i32
      %add3A_808 = arith.constant 0 : i32
      %add3A_809 = arith.addi %multiple_of3A_807, %add3A_808 : i32
      %swap3A_810 = arith.index_cast %scan3A_177 : i32 to index
      %swap3A_811 = arith.index_cast %add3A_809 : i32 to index
      %swap3A_812 = tpu.vector_load %arg10[%swap3A_810, %swap3A_811] {strides = array<i32>} : memref<16x2048xi32, #tpu.memory_space<vmem>>, vector<16xi32>,
      tpu.vector_store %arg10[%swap3A_810, %swap3A_811], %broadcast_in_dim3A_1 {strides = array<i32>} : memref<16x2048xi32, #tpu.memory_space<vmem>>, vector<16xi32>,
      %add3A_813 = arith.constant 16 : i32
      %add3A_814 = arith.addi %multiple_of3A_807, %add3A_813 : i32
      %swap3A_815 = arith.index_cast %scan3A_177 : i32 to index
      %swap3A_816 = arith.index_cast %add3A_814 : i32 to index
      %swap3A_817 = tpu.vector_load %arg10[%swap3A_815, %swap3A_816] {strides = array<i32>} : memref<16x2048xi32, #tpu.memory_space<vmem>>, vector<16xi32>,
      tpu.vector_store %arg10[%swap3A_815, %swap3A_816], %broadcast_in_dim3A_1 {strides = array<i32>} : memref<16x2048xi32, #tpu.memory_space<vmem>>, vector<16xi32>,
      %add3A_818 = arith.constant 32 : i32
      %add3A_819 = arith.addi %multiple_of3A_807, %add3A_818 : i32
      %swap3A_820 = arith.index_cast %scan3A_177 : i32 to index
      %swap3A_821 = arith.index_cast %add3A_819 : i32 to index
      %swap3A_822 = tpu.vector_load %arg10[%swap3A_820, %swap3A_821] {strides = array<i32>} : memref<16x2048xi32, #tpu.memory_space<vmem>>, vector<16xi32>,
      tpu.vector_store %arg10[%swap3A_820, %swap3A_821], %broadcast_in_dim3A_1 {strides = array<i32>} : memref<16x2048xi32, #tpu.memory_space<vmem>>, vector<16xi32>,
      %add3A_823 = arith.constant 48 : i32
      %add3A_824 = arith.addi %multiple_of3A_807, %add3A_823 : i32
      %swap3A_825 = arith.index_cast %scan3A_177 : i32 to index
      %swap3A_826 = arith.index_cast %add3A_824 : i32 to index
      %swap3A_827 = tpu.vector_load %arg10[%swap3A_825, %swap3A_826] {strides = array<i32>} : memref<16x2048xi32, #tpu.memory_space<vmem>>, vector<16xi32>,
      tpu.vector_store %arg10[%swap3A_825, %swap3A_826], %broadcast_in_dim3A_1 {strides = array<i32>} : memref<16x2048xi32, #tpu.memory_space<vmem>>, vector<16xi32>,
      %add3A_828 = arith.constant 64 : i32
      %add3A_829 = arith.addi %multiple_of3A_807, %add3A_828 : i32
      %swap3A_830 = arith.index_cast %scan3A_177 : i32 to index
      %swap3A_831 = arith.index_cast %add3A_829 : i32 to index
      %swap3A_832 = tpu.vector_load %arg10[%swap3A_830, %swap3A_831] {strides = array<i32>} : memref<16x2048xi32, #tpu.memory_space<vmem>>, vector<16xi32>,
      tpu.vector_store %arg10[%swap3A_830, %swap3A_831], %broadcast_in_dim3A_1 {strides = array<i32>} : memref<16x2048xi32, #tpu.memory_space<vmem>>, vector<16xi32>,
      %add3A_833 = arith.constant 80 : i32
      %add3A_834 = arith.addi %multiple_of3A_807, %add3A_833 : i32
      %swap3A_835 = arith.index_cast %scan3A_177 : i32 to index
      %swap3A_836 = arith.index_cast %add3A_834 : i32 to index
      %swap3A_837 = tpu.vector_load %arg10[%swap3A_835, %swap3A_836] {strides = array<i32>} : memref<16x2048xi32, #tpu.memory_space<vmem>>, vector<16xi32>,
      tpu.vector_store %arg10[%swap3A_835, %swap3A_836], %broadcast_in_dim3A_1 {strides = array<i32>} : memref<16x2048xi32, #tpu.memory_space<vmem>>, vector<16xi32>,
      %add3A_838 = arith.constant 96 : i32
      %add3A_839 = arith.addi %multiple_of3A_807, %add3A_838 : i32
      %swap3A_840 = arith.index_cast %scan3A_177 : i32 to index
      %swap3A_841 = arith.index_cast %add3A_839 : i32 to index
      %swap3A_842 = tpu.vector_load %arg10[%swap3A_840, %swap3A_841] {strides = array<i32>} : memref<16x2048xi32, #tpu.memory_space<vmem>>, vector<16xi32>,
      tpu.vector_store %arg10[%swap3A_840, %swap3A_841], %broadcast_in_dim3A_1 {strides = array<i32>} : memref<16x2048xi32, #tpu.memory_space<vmem>>, vector<16xi32>,
      %add3A_843 = arith.constant 112 : i32
      %add3A_844 = arith.addi %multiple_of3A_807, %add3A_843 : i32
      %swap3A_845 = arith.index_cast %scan3A_177 : i32 to index
      %swap3A_846 = arith.index_cast %add3A_844 : i32 to index
      %swap3A_847 = tpu.vector_load %arg10[%swap3A_845, %swap3A_846] {strides = array<i32>} : memref<16x2048xi32, #tpu.memory_space<vmem>>, vector<16xi32>,
      tpu.vector_store %arg10[%swap3A_845, %swap3A_846], %broadcast_in_dim3A_1 {strides = array<i32>} : memref<16x2048xi32, #tpu.memory_space<vmem>>, vector<16xi32>,
    }
    %scan3A_74 = arith.constant 16 : i32
    %add3A_75 = arith.constant 32 : i32
    %add3A_76 = arith.addi %mul3A_3, %add3A_75 : i32
    %mul3A_77 = arith.constant 128 : i32
    %mul3A_78 = arith.muli %add3A_76, %mul3A_77 : i32
    %dma_wait3A_79 = tpu.memref_slice %arg3[%mul3A_78] : memref<262144xi32, #tpu.memory_space<hbm>> -> memref<4096xi32, #tpu.memory_space<hbm>>
    %dma_wait3A_80 = tpu.memref_slice %arg3[%mul3A_78] : memref<262144xi32, #tpu.memory_space<hbm>> -> memref<4096xi32, #tpu.memory_space<hbm>>
    tpu.wait_dma2 semaphore(%arg12 : memref<!tpu.dma_semaphore, #tpu.memory_space<semaphore_mem>>) src(%dma_wait3A_80 : memref<4096xi32, #tpu.memory_space<hbm>>) dst(%arg6 : memref<4096xi32, #tpu.memory_space<vmem>>)
    %dma_wait3A_81 = tpu.memref_slice %arg2[%mul3A_78] : memref<262144xf32, #tpu.memory_space<hbm>> -> memref<4096xf32, #tpu.memory_space<hbm>>
    %dma_wait3A_82 = tpu.memref_slice %arg2[%mul3A_78] : memref<262144xf32, #tpu.memory_space<hbm>> -> memref<4096xf32, #tpu.memory_space<hbm>>
    tpu.wait_dma2 semaphore(%arg12 : memref<!tpu.dma_semaphore, #tpu.memory_space<semaphore_mem>>) src(%dma_wait3A_82 : memref<4096xf32, #tpu.memory_space<hbm>>) dst(%arg8 : memref<4096xf32, #tpu.memory_space<vmem>>)
    %mul3A_83 = arith.constant 32 : i32
    %mul3A_84 = arith.muli %add3A, %mul3A_83 : i32
    %add3A_85 = arith.constant 16 : i32
    %add3A_86 = arith.addi %mul3A_84, %add3A_85 : i32
    %scan3A_87 = arith.constant 0 : i32
    %scan3A_88 = arith.constant 0 : i32
    %scan3A_89 = arith.constant 32 : i32
    %scan3A_90 = arith.addi %scan3A_88, %scan3A_89 : i32
    %scan3A_91 = arith.constant 1 : i32
    scf.for %scan3A_177 = %scan3A_88 to %scan3A_90 step %scan3A_91  : i32 {
      %mul3A_178 = arith.constant 4 : i32
      %mul3A_179 = arith.muli %mul3A_178, %scan3A_177 : i32
      %add3A_180 = arith.constant 0 : i32
      %add3A_181 = arith.addi %mul3A_179, %add3A_180 : i32
      %mul3A_182 = arith.constant 16 : i32
      %mul3A_183 = arith.muli %add3A_181, %mul3A_182 : i32
      %multiple_of3A = tpu.assume_multiple %mul3A_183, 16 : i32
      %get3A = arith.index_cast %multiple_of3A : i32 to index
      %get3A_184 = tpu.vector_load %arg6[%get3A] {strides = array<i32>} : memref<4096xi32, #tpu.memory_space<vmem>>, vector<16xi32>,
      %get3A_185 = arith.index_cast %multiple_of3A : i32 to index
      %get3A_186 = tpu.vector_load %arg8[%get3A_185] {strides = array<i32>} : memref<4096xf32, #tpu.memory_space<vmem>>, vector<16xf32>,
      %bitcast3A = vector.bitcast %get3A_186 : vector<16xf32> to vector<16xi32>
      %shift_right_logical3A = arith.constant 16 : i32
      %shift_right_logical3A_187 = vector.broadcast %shift_right_logical3A : i32 to vector<16xi32>
      %shift_right_logical3A_188 = arith.shrui %bitcast3A, %shift_right_logical3A_187 : vector<16xi32>
      %and3A = arith.constant 1 : i32
      %and3A_189 = vector.broadcast %and3A : i32 to vector<16xi32>
      %and3A_190 = arith.andi %shift_right_logical3A_188, %and3A_189 : vector<16xi32>
      %add3A_191 = arith.constant 32767 : i32
      %add3A_192 = vector.broadcast %add3A_191 : i32 to vector<16xi32>
      %add3A_193 = arith.addi %bitcast3A, %add3A_192 : vector<16xi32>
      %add3A_194 = arith.addi %add3A_193, %and3A_190 : vector<16xi32>
      %shift_right_logical3A_195 = arith.constant 16 : i32
      %shift_right_logical3A_196 = vector.broadcast %shift_right_logical3A_195 : i32 to vector<16xi32>
      %shift_right_logical3A_197 = arith.shrui %add3A_194, %shift_right_logical3A_196 : vector<16xi32>
      %jit3A = arith.constant 8 : i32
      %div3A = arith.divsi %add3A_181, %jit3A : i32
      %sign3A = arith.constant 0 : i32
      %sign3A_198 = arith.cmpi sgt, %add3A_181, %sign3A : i32
      %sign3A_199 = arith.extui %sign3A_198 : i1 to i32
      %sign3A_200 = arith.constant 0 : i32
      %sign3A_201 = arith.cmpi slt, %add3A_181, %sign3A_200 : i32
      %sign3A_202 = arith.extui %sign3A_201 : i1 to i32
      %sign3A_203 = arith.subi %sign3A_199, %sign3A_202 : i32
      %sign3A_204 = arith.constant 0 : i32
      %sign3A_205 = arith.cmpi sgt, %jit3A, %sign3A_204 : i32
      %sign3A_206 = arith.extui %sign3A_205 : i1 to i32
      %sign3A_207 = arith.constant 0 : i32
      %sign3A_208 = arith.cmpi slt, %jit3A, %sign3A_207 : i32
      %sign3A_209 = arith.extui %sign3A_208 : i1 to i32
      %sign3A_210 = arith.subi %sign3A_206, %sign3A_209 : i32
      %ne3A = arith.cmpi ne, %sign3A_203, %sign3A_210 : i32
      %rem3A = arith.remsi %add3A_181, %jit3A : i32
      %ne3A_211 = arith.constant 0 : i32
      %ne3A_212 = arith.cmpi ne, %rem3A, %ne3A_211 : i32
      %and3A_213 = arith.andi %ne3A, %ne3A_212 : i1
      %sub3A = arith.constant 1 : i32
      %sub3A_214 = arith.subi %div3A, %sub3A : i32
      %select_n3A = arith.select %and3A_213, %sub3A_214, %div3A : i32
      %and3A_215 = arith.constant 1 : i32
      %and3A_216 = arith.andi %select_n3A, %and3A_215 : i32
      %mul3A_217 = arith.constant 16 : i32
      %mul3A_218 = arith.muli %and3A_216, %mul3A_217 : i32
      %shift_left3A = vector.broadcast %mul3A_218 : i32 to vector<16xi32>
      %shift_left3A_219 = arith.shli %shift_right_logical3A_197, %shift_left3A : vector<16xi32>
      %bitcast3A_220 = vector.bitcast %shift_left3A_219 : vector<16xi32> to vector<16xi32>
      %jit3A_221 = arith.constant 16 : i32
      %div3A_222 = arith.divsi %add3A_181, %jit3A_221 : i32
      %sign3A_223 = arith.constant 0 : i32
      %sign3A_224 = arith.cmpi sgt, %add3A_181, %sign3A_223 : i32
      %sign3A_225 = arith.extui %sign3A_224 : i1 to i32
      %sign3A_226 = arith.constant 0 : i32
      %sign3A_227 = arith.cmpi slt, %add3A_181, %sign3A_226 : i32
      %sign3A_228 = arith.extui %sign3A_227 : i1 to i32
      %sign3A_229 = arith.subi %sign3A_225, %sign3A_228 : i32
      %sign3A_230 = arith.constant 0 : i32
      %sign3A_231 = arith.cmpi sgt, %jit3A_221, %sign3A_230 : i32
      %sign3A_232 = arith.extui %sign3A_231 : i1 to i32
      %sign3A_233 = arith.constant 0 : i32
      %sign3A_234 = arith.cmpi slt, %jit3A_221, %sign3A_233 : i32
      %sign3A_235 = arith.extui %sign3A_234 : i1 to i32
      %sign3A_236 = arith.subi %sign3A_232, %sign3A_235 : i32
      %ne3A_237 = arith.cmpi ne, %sign3A_229, %sign3A_236 : i32
      %rem3A_238 = arith.remsi %add3A_181, %jit3A_221 : i32
      %ne3A_239 = arith.constant 0 : i32
      %ne3A_240 = arith.cmpi ne, %rem3A_238, %ne3A_239 : i32
      %and3A_241 = arith.andi %ne3A_237, %ne3A_240 : i1
      %sub3A_242 = arith.constant 1 : i32
      %sub3A_243 = arith.subi %div3A_222, %sub3A_242 : i32
      %select_n3A_244 = arith.select %and3A_241, %sub3A_243, %div3A_222 : i32
      %broadcast_in_dim3A_245 = vector.broadcast %select_n3A_244 : i32 to vector<16xi32>
      tpu.vector_store_idx %arg10[%broadcast_in_dim3A_245, %get3A_184], %bitcast3A_220 {add = true} : memref<16x2048xi32, #tpu.memory_space<vmem>>[vector<16xi32>, vector<16xi32>], vector<16xi32>,
      %mul3A_246 = arith.constant 4 : i32
      %mul3A_247 = arith.muli %mul3A_246, %scan3A_177 : i32
      %add3A_248 = arith.constant 1 : i32
      %add3A_249 = arith.addi %mul3A_247, %add3A_248 : i32
      %mul3A_250 = arith.constant 16 : i32
      %mul3A_251 = arith.muli %add3A_249, %mul3A_250 : i32
      %multiple_of3A_252 = tpu.assume_multiple %mul3A_251, 16 : i32
      %get3A_253 = arith.index_cast %multiple_of3A_252 : i32 to index
      %get3A_254 = tpu.vector_load %arg6[%get3A_253] {strides = array<i32>} : memref<4096xi32, #tpu.memory_space<vmem>>, vector<16xi32>,
      %get3A_255 = arith.index_cast %multiple_of3A_252 : i32 to index
      %get3A_256 = tpu.vector_load %arg8[%get3A_255] {strides = array<i32>} : memref<4096xf32, #tpu.memory_space<vmem>>, vector<16xf32>,
      %bitcast3A_257 = vector.bitcast %get3A_256 : vector<16xf32> to vector<16xi32>
      %shift_right_logical3A_258 = arith.constant 16 : i32
      %shift_right_logical3A_259 = vector.broadcast %shift_right_logical3A_258 : i32 to vector<16xi32>
      %shift_right_logical3A_260 = arith.shrui %bitcast3A_257, %shift_right_logical3A_259 : vector<16xi32>
      %and3A_261 = arith.constant 1 : i32
      %and3A_262 = vector.broadcast %and3A_261 : i32 to vector<16xi32>
      %and3A_263 = arith.andi %shift_right_logical3A_260, %and3A_262 : vector<16xi32>
      %add3A_264 = arith.constant 32767 : i32
      %add3A_265 = vector.broadcast %add3A_264 : i32 to vector<16xi32>
      %add3A_266 = arith.addi %bitcast3A_257, %add3A_265 : vector<16xi32>
      %add3A_267 = arith.addi %add3A_266, %and3A_263 : vector<16xi32>
      %shift_right_logical3A_268 = arith.constant 16 : i32
      %shift_right_logical3A_269 = vector.broadcast %shift_right_logical3A_268 : i32 to vector<16xi32>
      %shift_right_logical3A_270 = arith.shrui %add3A_267, %shift_right_logical3A_269 : vector<16xi32>
      %jit3A_271 = arith.constant 8 : i32
      %div3A_272 = arith.divsi %add3A_249, %jit3A_271 : i32
      %sign3A_273 = arith.constant 0 : i32
      %sign3A_274 = arith.cmpi sgt, %add3A_249, %sign3A_273 : i32
      %sign3A_275 = arith.extui %sign3A_274 : i1 to i32
      %sign3A_276 = arith.constant 0 : i32
      %sign3A_277 = arith.cmpi slt, %add3A_249, %sign3A_276 : i32
      %sign3A_278 = arith.extui %sign3A_277 : i1 to i32
      %sign3A_279 = arith.subi %sign3A_275, %sign3A_278 : i32
      %sign3A_280 = arith.constant 0 : i32
      %sign3A_281 = arith.cmpi sgt, %jit3A_271, %sign3A_280 : i32
      %sign3A_282 = arith.extui %sign3A_281 : i1 to i32
      %sign3A_283 = arith.constant 0 : i32
      %sign3A_284 = arith.cmpi slt, %jit3A_271, %sign3A_283 : i32
      %sign3A_285 = arith.extui %sign3A_284 : i1 to i32
      %sign3A_286 = arith.subi %sign3A_282, %sign3A_285 : i32
      %ne3A_287 = arith.cmpi ne, %sign3A_279, %sign3A_286 : i32
      %rem3A_288 = arith.remsi %add3A_249, %jit3A_271 : i32
      %ne3A_289 = arith.constant 0 : i32
      %ne3A_290 = arith.cmpi ne, %rem3A_288, %ne3A_289 : i32
      %and3A_291 = arith.andi %ne3A_287, %ne3A_290 : i1
      %sub3A_292 = arith.constant 1 : i32
      %sub3A_293 = arith.subi %div3A_272, %sub3A_292 : i32
      %select_n3A_294 = arith.select %and3A_291, %sub3A_293, %div3A_272 : i32
      %and3A_295 = arith.constant 1 : i32
      %and3A_296 = arith.andi %select_n3A_294, %and3A_295 : i32
      %mul3A_297 = arith.constant 16 : i32
      %mul3A_298 = arith.muli %and3A_296, %mul3A_297 : i32
      %shift_left3A_299 = vector.broadcast %mul3A_298 : i32 to vector<16xi32>
      %shift_left3A_300 = arith.shli %shift_right_logical3A_270, %shift_left3A_299 : vector<16xi32>
      %bitcast3A_301 = vector.bitcast %shift_left3A_300 : vector<16xi32> to vector<16xi32>
      %jit3A_302 = arith.constant 16 : i32
      %div3A_303 = arith.divsi %add3A_249, %jit3A_302 : i32
      %sign3A_304 = arith.constant 0 : i32
      %sign3A_305 = arith.cmpi sgt, %add3A_249, %sign3A_304 : i32
      %sign3A_306 = arith.extui %sign3A_305 : i1 to i32
      %sign3A_307 = arith.constant 0 : i32
      %sign3A_308 = arith.cmpi slt, %add3A_249, %sign3A_307 : i32
      %sign3A_309 = arith.extui %sign3A_308 : i1 to i32
      %sign3A_310 = arith.subi %sign3A_306, %sign3A_309 : i32
      %sign3A_311 = arith.constant 0 : i32
      %sign3A_312 = arith.cmpi sgt, %jit3A_302, %sign3A_311 : i32
      %sign3A_313 = arith.extui %sign3A_312 : i1 to i32
      %sign3A_314 = arith.constant 0 : i32
      %sign3A_315 = arith.cmpi slt, %jit3A_302, %sign3A_314 : i32
      %sign3A_316 = arith.extui %sign3A_315 : i1 to i32
      %sign3A_317 = arith.subi %sign3A_313, %sign3A_316 : i32
      %ne3A_318 = arith.cmpi ne, %sign3A_310, %sign3A_317 : i32
      %rem3A_319 = arith.remsi %add3A_249, %jit3A_302 : i32
      %ne3A_320 = arith.constant 0 : i32
      %ne3A_321 = arith.cmpi ne, %rem3A_319, %ne3A_320 : i32
      %and3A_322 = arith.andi %ne3A_318, %ne3A_321 : i1
      %sub3A_323 = arith.constant 1 : i32
      %sub3A_324 = arith.subi %div3A_303, %sub3A_323 : i32
      %select_n3A_325 = arith.select %and3A_322, %sub3A_324, %div3A_303 : i32
      %broadcast_in_dim3A_326 = vector.broadcast %select_n3A_325 : i32 to vector<16xi32>
      tpu.vector_store_idx %arg10[%broadcast_in_dim3A_326, %get3A_254], %bitcast3A_301 {add = true} : memref<16x2048xi32, #tpu.memory_space<vmem>>[vector<16xi32>, vector<16xi32>], vector<16xi32>,
      %mul3A_327 = arith.constant 4 : i32
      %mul3A_328 = arith.muli %mul3A_327, %scan3A_177 : i32
      %add3A_329 = arith.constant 2 : i32
      %add3A_330 = arith.addi %mul3A_328, %add3A_329 : i32
      %mul3A_331 = arith.constant 16 : i32
      %mul3A_332 = arith.muli %add3A_330, %mul3A_331 : i32
      %multiple_of3A_333 = tpu.assume_multiple %mul3A_332, 16 : i32
      %get3A_334 = arith.index_cast %multiple_of3A_333 : i32 to index
      %get3A_335 = tpu.vector_load %arg6[%get3A_334] {strides = array<i32>} : memref<4096xi32, #tpu.memory_space<vmem>>, vector<16xi32>,
      %get3A_336 = arith.index_cast %multiple_of3A_333 : i32 to index
      %get3A_337 = tpu.vector_load %arg8[%get3A_336] {strides = array<i32>} : memref<4096xf32, #tpu.memory_space<vmem>>, vector<16xf32>,
      %bitcast3A_338 = vector.bitcast %get3A_337 : vector<16xf32> to vector<16xi32>
      %shift_right_logical3A_339 = arith.constant 16 : i32
      %shift_right_logical3A_340 = vector.broadcast %shift_right_logical3A_339 : i32 to vector<16xi32>
      %shift_right_logical3A_341 = arith.shrui %bitcast3A_338, %shift_right_logical3A_340 : vector<16xi32>
      %and3A_342 = arith.constant 1 : i32
      %and3A_343 = vector.broadcast %and3A_342 : i32 to vector<16xi32>
      %and3A_344 = arith.andi %shift_right_logical3A_341, %and3A_343 : vector<16xi32>
      %add3A_345 = arith.constant 32767 : i32
      %add3A_346 = vector.broadcast %add3A_345 : i32 to vector<16xi32>
      %add3A_347 = arith.addi %bitcast3A_338, %add3A_346 : vector<16xi32>
      %add3A_348 = arith.addi %add3A_347, %and3A_344 : vector<16xi32>
      %shift_right_logical3A_349 = arith.constant 16 : i32
      %shift_right_logical3A_350 = vector.broadcast %shift_right_logical3A_349 : i32 to vector<16xi32>
      %shift_right_logical3A_351 = arith.shrui %add3A_348, %shift_right_logical3A_350 : vector<16xi32>
      %jit3A_352 = arith.constant 8 : i32
      %div3A_353 = arith.divsi %add3A_330, %jit3A_352 : i32
      %sign3A_354 = arith.constant 0 : i32
      %sign3A_355 = arith.cmpi sgt, %add3A_330, %sign3A_354 : i32
      %sign3A_356 = arith.extui %sign3A_355 : i1 to i32
      %sign3A_357 = arith.constant 0 : i32
      %sign3A_358 = arith.cmpi slt, %add3A_330, %sign3A_357 : i32
      %sign3A_359 = arith.extui %sign3A_358 : i1 to i32
      %sign3A_360 = arith.subi %sign3A_356, %sign3A_359 : i32
      %sign3A_361 = arith.constant 0 : i32
      %sign3A_362 = arith.cmpi sgt, %jit3A_352, %sign3A_361 : i32
      %sign3A_363 = arith.extui %sign3A_362 : i1 to i32
      %sign3A_364 = arith.constant 0 : i32
      %sign3A_365 = arith.cmpi slt, %jit3A_352, %sign3A_364 : i32
      %sign3A_366 = arith.extui %sign3A_365 : i1 to i32
      %sign3A_367 = arith.subi %sign3A_363, %sign3A_366 : i32
      %ne3A_368 = arith.cmpi ne, %sign3A_360, %sign3A_367 : i32
      %rem3A_369 = arith.remsi %add3A_330, %jit3A_352 : i32
      %ne3A_370 = arith.constant 0 : i32
      %ne3A_371 = arith.cmpi ne, %rem3A_369, %ne3A_370 : i32
      %and3A_372 = arith.andi %ne3A_368, %ne3A_371 : i1
      %sub3A_373 = arith.constant 1 : i32
      %sub3A_374 = arith.subi %div3A_353, %sub3A_373 : i32
      %select_n3A_375 = arith.select %and3A_372, %sub3A_374, %div3A_353 : i32
      %and3A_376 = arith.constant 1 : i32
      %and3A_377 = arith.andi %select_n3A_375, %and3A_376 : i32
      %mul3A_378 = arith.constant 16 : i32
      %mul3A_379 = arith.muli %and3A_377, %mul3A_378 : i32
      %shift_left3A_380 = vector.broadcast %mul3A_379 : i32 to vector<16xi32>
      %shift_left3A_381 = arith.shli %shift_right_logical3A_351, %shift_left3A_380 : vector<16xi32>
      %bitcast3A_382 = vector.bitcast %shift_left3A_381 : vector<16xi32> to vector<16xi32>
      %jit3A_383 = arith.constant 16 : i32
      %div3A_384 = arith.divsi %add3A_330, %jit3A_383 : i32
      %sign3A_385 = arith.constant 0 : i32
      %sign3A_386 = arith.cmpi sgt, %add3A_330, %sign3A_385 : i32
      %sign3A_387 = arith.extui %sign3A_386 : i1 to i32
      %sign3A_388 = arith.constant 0 : i32
      %sign3A_389 = arith.cmpi slt, %add3A_330, %sign3A_388 : i32
      %sign3A_390 = arith.extui %sign3A_389 : i1 to i32
      %sign3A_391 = arith.subi %sign3A_387, %sign3A_390 : i32
      %sign3A_392 = arith.constant 0 : i32
      %sign3A_393 = arith.cmpi sgt, %jit3A_383, %sign3A_392 : i32
      %sign3A_394 = arith.extui %sign3A_393 : i1 to i32
      %sign3A_395 = arith.constant 0 : i32
      %sign3A_396 = arith.cmpi slt, %jit3A_383, %sign3A_395 : i32
      %sign3A_397 = arith.extui %sign3A_396 : i1 to i32
      %sign3A_398 = arith.subi %sign3A_394, %sign3A_397 : i32
      %ne3A_399 = arith.cmpi ne, %sign3A_391, %sign3A_398 : i32
      %rem3A_400 = arith.remsi %add3A_330, %jit3A_383 : i32
      %ne3A_401 = arith.constant 0 : i32
      %ne3A_402 = arith.cmpi ne, %rem3A_400, %ne3A_401 : i32
      %and3A_403 = arith.andi %ne3A_399, %ne3A_402 : i1
      %sub3A_404 = arith.constant 1 : i32
      %sub3A_405 = arith.subi %div3A_384, %sub3A_404 : i32
      %select_n3A_406 = arith.select %and3A_403, %sub3A_405, %div3A_384 : i32
      %broadcast_in_dim3A_407 = vector.broadcast %select_n3A_406 : i32 to vector<16xi32>
      tpu.vector_store_idx %arg10[%broadcast_in_dim3A_407, %get3A_335], %bitcast3A_382 {add = true} : memref<16x2048xi32, #tpu.memory_space<vmem>>[vector<16xi32>, vector<16xi32>], vector<16xi32>,
      %mul3A_408 = arith.constant 4 : i32
      %mul3A_409 = arith.muli %mul3A_408, %scan3A_177 : i32
      %add3A_410 = arith.constant 3 : i32
      %add3A_411 = arith.addi %mul3A_409, %add3A_410 : i32
      %mul3A_412 = arith.constant 16 : i32
      %mul3A_413 = arith.muli %add3A_411, %mul3A_412 : i32
      %multiple_of3A_414 = tpu.assume_multiple %mul3A_413, 16 : i32
      %get3A_415 = arith.index_cast %multiple_of3A_414 : i32 to index
      %get3A_416 = tpu.vector_load %arg6[%get3A_415] {strides = array<i32>} : memref<4096xi32, #tpu.memory_space<vmem>>, vector<16xi32>,
      %get3A_417 = arith.index_cast %multiple_of3A_414 : i32 to index
      %get3A_418 = tpu.vector_load %arg8[%get3A_417] {strides = array<i32>} : memref<4096xf32, #tpu.memory_space<vmem>>, vector<16xf32>,
      %bitcast3A_419 = vector.bitcast %get3A_418 : vector<16xf32> to vector<16xi32>
      %shift_right_logical3A_420 = arith.constant 16 : i32
      %shift_right_logical3A_421 = vector.broadcast %shift_right_logical3A_420 : i32 to vector<16xi32>
      %shift_right_logical3A_422 = arith.shrui %bitcast3A_419, %shift_right_logical3A_421 : vector<16xi32>
      %and3A_423 = arith.constant 1 : i32
      %and3A_424 = vector.broadcast %and3A_423 : i32 to vector<16xi32>
      %and3A_425 = arith.andi %shift_right_logical3A_422, %and3A_424 : vector<16xi32>
      %add3A_426 = arith.constant 32767 : i32
      %add3A_427 = vector.broadcast %add3A_426 : i32 to vector<16xi32>
      %add3A_428 = arith.addi %bitcast3A_419, %add3A_427 : vector<16xi32>
      %add3A_429 = arith.addi %add3A_428, %and3A_425 : vector<16xi32>
      %shift_right_logical3A_430 = arith.constant 16 : i32
      %shift_right_logical3A_431 = vector.broadcast %shift_right_logical3A_430 : i32 to vector<16xi32>
      %shift_right_logical3A_432 = arith.shrui %add3A_429, %shift_right_logical3A_431 : vector<16xi32>
      %jit3A_433 = arith.constant 8 : i32
      %div3A_434 = arith.divsi %add3A_411, %jit3A_433 : i32
      %sign3A_435 = arith.constant 0 : i32
      %sign3A_436 = arith.cmpi sgt, %add3A_411, %sign3A_435 : i32
      %sign3A_437 = arith.extui %sign3A_436 : i1 to i32
      %sign3A_438 = arith.constant 0 : i32
      %sign3A_439 = arith.cmpi slt, %add3A_411, %sign3A_438 : i32
      %sign3A_440 = arith.extui %sign3A_439 : i1 to i32
      %sign3A_441 = arith.subi %sign3A_437, %sign3A_440 : i32
      %sign3A_442 = arith.constant 0 : i32
      %sign3A_443 = arith.cmpi sgt, %jit3A_433, %sign3A_442 : i32
      %sign3A_444 = arith.extui %sign3A_443 : i1 to i32
      %sign3A_445 = arith.constant 0 : i32
      %sign3A_446 = arith.cmpi slt, %jit3A_433, %sign3A_445 : i32
      %sign3A_447 = arith.extui %sign3A_446 : i1 to i32
      %sign3A_448 = arith.subi %sign3A_444, %sign3A_447 : i32
      %ne3A_449 = arith.cmpi ne, %sign3A_441, %sign3A_448 : i32
      %rem3A_450 = arith.remsi %add3A_411, %jit3A_433 : i32
      %ne3A_451 = arith.constant 0 : i32
      %ne3A_452 = arith.cmpi ne, %rem3A_450, %ne3A_451 : i32
      %and3A_453 = arith.andi %ne3A_449, %ne3A_452 : i1
      %sub3A_454 = arith.constant 1 : i32
      %sub3A_455 = arith.subi %div3A_434, %sub3A_454 : i32
      %select_n3A_456 = arith.select %and3A_453, %sub3A_455, %div3A_434 : i32
      %and3A_457 = arith.constant 1 : i32
      %and3A_458 = arith.andi %select_n3A_456, %and3A_457 : i32
      %mul3A_459 = arith.constant 16 : i32
      %mul3A_460 = arith.muli %and3A_458, %mul3A_459 : i32
      %shift_left3A_461 = vector.broadcast %mul3A_460 : i32 to vector<16xi32>
      %shift_left3A_462 = arith.shli %shift_right_logical3A_432, %shift_left3A_461 : vector<16xi32>
      %bitcast3A_463 = vector.bitcast %shift_left3A_462 : vector<16xi32> to vector<16xi32>
      %jit3A_464 = arith.constant 16 : i32
      %div3A_465 = arith.divsi %add3A_411, %jit3A_464 : i32
      %sign3A_466 = arith.constant 0 : i32
      %sign3A_467 = arith.cmpi sgt, %add3A_411, %sign3A_466 : i32
      %sign3A_468 = arith.extui %sign3A_467 : i1 to i32
      %sign3A_469 = arith.constant 0 : i32
      %sign3A_470 = arith.cmpi slt, %add3A_411, %sign3A_469 : i32
      %sign3A_471 = arith.extui %sign3A_470 : i1 to i32
      %sign3A_472 = arith.subi %sign3A_468, %sign3A_471 : i32
      %sign3A_473 = arith.constant 0 : i32
      %sign3A_474 = arith.cmpi sgt, %jit3A_464, %sign3A_473 : i32
      %sign3A_475 = arith.extui %sign3A_474 : i1 to i32
      %sign3A_476 = arith.constant 0 : i32
      %sign3A_477 = arith.cmpi slt, %jit3A_464, %sign3A_476 : i32
      %sign3A_478 = arith.extui %sign3A_477 : i1 to i32
      %sign3A_479 = arith.subi %sign3A_475, %sign3A_478 : i32
      %ne3A_480 = arith.cmpi ne, %sign3A_472, %sign3A_479 : i32
      %rem3A_481 = arith.remsi %add3A_411, %jit3A_464 : i32
      %ne3A_482 = arith.constant 0 : i32
      %ne3A_483 = arith.cmpi ne, %rem3A_481, %ne3A_482 : i32
      %and3A_484 = arith.andi %ne3A_480, %ne3A_483 : i1
      %sub3A_485 = arith.constant 1 : i32
      %sub3A_486 = arith.subi %div3A_465, %sub3A_485 : i32
      %select_n3A_487 = arith.select %and3A_484, %sub3A_486, %div3A_465 : i32
      %broadcast_in_dim3A_488 = vector.broadcast %select_n3A_487 : i32 to vector<16xi32>
      tpu.vector_store_idx %arg10[%broadcast_in_dim3A_488, %get3A_416], %bitcast3A_463 {add = true} : memref<16x2048xi32, #tpu.memory_space<vmem>>[vector<16xi32>, vector<16xi32>], vector<16xi32>,
    }
    %scan3A_92 = arith.constant 32 : i32
    %dma_start3A_93 = arith.constant 0 : i32
    %dma_start3A_94 = arith.constant 0 : i32
    %dma_start3A_95 = tpu.memref_slice %arg10[%dma_start3A_93, %dma_start3A_94] : memref<16x2048xi32, #tpu.memory_space<vmem>> -> memref<8x2048xi32, #tpu.memory_space<vmem>>
    %dma_start3A_96 = arith.constant 0 : i32
    %dma_start3A_97 = tpu.memref_slice %arg4[%add3A_86, %dma_start3A_96] : memref<1024x2048xi32, #tpu.memory_space<hbm>> -> memref<8x2048xi32, #tpu.memory_space<hbm>>
    %dma_start3A_98 = arith.constant 0 : i32
    %dma_start3A_99 = tpu.memref_slice %arg4[%add3A_86, %dma_start3A_98] : memref<1024x2048xi32, #tpu.memory_space<hbm>> -> memref<8x2048xi32, #tpu.memory_space<hbm>>
    %dma_start3A_100 = arith.constant 0 : i32
    %dma_start3A_101 = arith.constant 0 : i32
    %dma_start3A_102 = tpu.memref_slice %arg10[%dma_start3A_100, %dma_start3A_101] : memref<16x2048xi32, #tpu.memory_space<vmem>> -> memref<8x2048xi32, #tpu.memory_space<vmem>>
    tpu.enqueue_dma source(%dma_start3A_102 : memref<8x2048xi32, #tpu.memory_space<vmem>>) target(%dma_start3A_99 : memref<8x2048xi32, #tpu.memory_space<hbm>>) target_semaphore(%arg14 : memref<!tpu.dma_semaphore, #tpu.memory_space<semaphore_mem>>)
    %scan3A_103 = arith.constant 0 : i32
    %scan3A_104 = arith.constant 32 : i32
    %scan3A_105 = arith.constant 32 : i32
    %scan3A_106 = arith.addi %scan3A_104, %scan3A_105 : i32
    %scan3A_107 = arith.constant 1 : i32
    scf.for %scan3A_177 = %scan3A_104 to %scan3A_106 step %scan3A_107  : i32 {
      %mul3A_178 = arith.constant 4 : i32
      %mul3A_179 = arith.muli %mul3A_178, %scan3A_177 : i32
      %add3A_180 = arith.constant 0 : i32
      %add3A_181 = arith.addi %mul3A_179, %add3A_180 : i32
      %mul3A_182 = arith.constant 16 : i32
      %mul3A_183 = arith.muli %add3A_181, %mul3A_182 : i32
      %multiple_of3A = tpu.assume_multiple %mul3A_183, 16 : i32
      %get3A = arith.index_cast %multiple_of3A : i32 to index
      %get3A_184 = tpu.vector_load %arg6[%get3A] {strides = array<i32>} : memref<4096xi32, #tpu.memory_space<vmem>>, vector<16xi32>,
      %get3A_185 = arith.index_cast %multiple_of3A : i32 to index
      %get3A_186 = tpu.vector_load %arg8[%get3A_185] {strides = array<i32>} : memref<4096xf32, #tpu.memory_space<vmem>>, vector<16xf32>,
      %bitcast3A = vector.bitcast %get3A_186 : vector<16xf32> to vector<16xi32>
      %shift_right_logical3A = arith.constant 16 : i32
      %shift_right_logical3A_187 = vector.broadcast %shift_right_logical3A : i32 to vector<16xi32>
      %shift_right_logical3A_188 = arith.shrui %bitcast3A, %shift_right_logical3A_187 : vector<16xi32>
      %and3A = arith.constant 1 : i32
      %and3A_189 = vector.broadcast %and3A : i32 to vector<16xi32>
      %and3A_190 = arith.andi %shift_right_logical3A_188, %and3A_189 : vector<16xi32>
      %add3A_191 = arith.constant 32767 : i32
      %add3A_192 = vector.broadcast %add3A_191 : i32 to vector<16xi32>
      %add3A_193 = arith.addi %bitcast3A, %add3A_192 : vector<16xi32>
      %add3A_194 = arith.addi %add3A_193, %and3A_190 : vector<16xi32>
      %shift_right_logical3A_195 = arith.constant 16 : i32
      %shift_right_logical3A_196 = vector.broadcast %shift_right_logical3A_195 : i32 to vector<16xi32>
      %shift_right_logical3A_197 = arith.shrui %add3A_194, %shift_right_logical3A_196 : vector<16xi32>
      %jit3A = arith.constant 8 : i32
      %div3A = arith.divsi %add3A_181, %jit3A : i32
      %sign3A = arith.constant 0 : i32
      %sign3A_198 = arith.cmpi sgt, %add3A_181, %sign3A : i32
      %sign3A_199 = arith.extui %sign3A_198 : i1 to i32
      %sign3A_200 = arith.constant 0 : i32
      %sign3A_201 = arith.cmpi slt, %add3A_181, %sign3A_200 : i32
      %sign3A_202 = arith.extui %sign3A_201 : i1 to i32
      %sign3A_203 = arith.subi %sign3A_199, %sign3A_202 : i32
      %sign3A_204 = arith.constant 0 : i32
      %sign3A_205 = arith.cmpi sgt, %jit3A, %sign3A_204 : i32
      %sign3A_206 = arith.extui %sign3A_205 : i1 to i32
      %sign3A_207 = arith.constant 0 : i32
      %sign3A_208 = arith.cmpi slt, %jit3A, %sign3A_207 : i32
      %sign3A_209 = arith.extui %sign3A_208 : i1 to i32
      %sign3A_210 = arith.subi %sign3A_206, %sign3A_209 : i32
      %ne3A = arith.cmpi ne, %sign3A_203, %sign3A_210 : i32
      %rem3A = arith.remsi %add3A_181, %jit3A : i32
      %ne3A_211 = arith.constant 0 : i32
      %ne3A_212 = arith.cmpi ne, %rem3A, %ne3A_211 : i32
      %and3A_213 = arith.andi %ne3A, %ne3A_212 : i1
      %sub3A = arith.constant 1 : i32
      %sub3A_214 = arith.subi %div3A, %sub3A : i32
      %select_n3A = arith.select %and3A_213, %sub3A_214, %div3A : i32
      %and3A_215 = arith.constant 1 : i32
      %and3A_216 = arith.andi %select_n3A, %and3A_215 : i32
      %mul3A_217 = arith.constant 16 : i32
      %mul3A_218 = arith.muli %and3A_216, %mul3A_217 : i32
      %shift_left3A = vector.broadcast %mul3A_218 : i32 to vector<16xi32>
      %shift_left3A_219 = arith.shli %shift_right_logical3A_197, %shift_left3A : vector<16xi32>
      %bitcast3A_220 = vector.bitcast %shift_left3A_219 : vector<16xi32> to vector<16xi32>
      %jit3A_221 = arith.constant 16 : i32
      %div3A_222 = arith.divsi %add3A_181, %jit3A_221 : i32
      %sign3A_223 = arith.constant 0 : i32
      %sign3A_224 = arith.cmpi sgt, %add3A_181, %sign3A_223 : i32
      %sign3A_225 = arith.extui %sign3A_224 : i1 to i32
      %sign3A_226 = arith.constant 0 : i32
      %sign3A_227 = arith.cmpi slt, %add3A_181, %sign3A_226 : i32
      %sign3A_228 = arith.extui %sign3A_227 : i1 to i32
      %sign3A_229 = arith.subi %sign3A_225, %sign3A_228 : i32
      %sign3A_230 = arith.constant 0 : i32
      %sign3A_231 = arith.cmpi sgt, %jit3A_221, %sign3A_230 : i32
      %sign3A_232 = arith.extui %sign3A_231 : i1 to i32
      %sign3A_233 = arith.constant 0 : i32
      %sign3A_234 = arith.cmpi slt, %jit3A_221, %sign3A_233 : i32
      %sign3A_235 = arith.extui %sign3A_234 : i1 to i32
      %sign3A_236 = arith.subi %sign3A_232, %sign3A_235 : i32
      %ne3A_237 = arith.cmpi ne, %sign3A_229, %sign3A_236 : i32
      %rem3A_238 = arith.remsi %add3A_181, %jit3A_221 : i32
      %ne3A_239 = arith.constant 0 : i32
      %ne3A_240 = arith.cmpi ne, %rem3A_238, %ne3A_239 : i32
      %and3A_241 = arith.andi %ne3A_237, %ne3A_240 : i1
      %sub3A_242 = arith.constant 1 : i32
      %sub3A_243 = arith.subi %div3A_222, %sub3A_242 : i32
      %select_n3A_244 = arith.select %and3A_241, %sub3A_243, %div3A_222 : i32
      %broadcast_in_dim3A_245 = vector.broadcast %select_n3A_244 : i32 to vector<16xi32>
      tpu.vector_store_idx %arg10[%broadcast_in_dim3A_245, %get3A_184], %bitcast3A_220 {add = true} : memref<16x2048xi32, #tpu.memory_space<vmem>>[vector<16xi32>, vector<16xi32>], vector<16xi32>,
      %mul3A_246 = arith.constant 4 : i32
      %mul3A_247 = arith.muli %mul3A_246, %scan3A_177 : i32
      %add3A_248 = arith.constant 1 : i32
      %add3A_249 = arith.addi %mul3A_247, %add3A_248 : i32
      %mul3A_250 = arith.constant 16 : i32
      %mul3A_251 = arith.muli %add3A_249, %mul3A_250 : i32
      %multiple_of3A_252 = tpu.assume_multiple %mul3A_251, 16 : i32
      %get3A_253 = arith.index_cast %multiple_of3A_252 : i32 to index
      %get3A_254 = tpu.vector_load %arg6[%get3A_253] {strides = array<i32>} : memref<4096xi32, #tpu.memory_space<vmem>>, vector<16xi32>,
      %get3A_255 = arith.index_cast %multiple_of3A_252 : i32 to index
      %get3A_256 = tpu.vector_load %arg8[%get3A_255] {strides = array<i32>} : memref<4096xf32, #tpu.memory_space<vmem>>, vector<16xf32>,
      %bitcast3A_257 = vector.bitcast %get3A_256 : vector<16xf32> to vector<16xi32>
      %shift_right_logical3A_258 = arith.constant 16 : i32
      %shift_right_logical3A_259 = vector.broadcast %shift_right_logical3A_258 : i32 to vector<16xi32>
      %shift_right_logical3A_260 = arith.shrui %bitcast3A_257, %shift_right_logical3A_259 : vector<16xi32>
      %and3A_261 = arith.constant 1 : i32
      %and3A_262 = vector.broadcast %and3A_261 : i32 to vector<16xi32>
      %and3A_263 = arith.andi %shift_right_logical3A_260, %and3A_262 : vector<16xi32>
      %add3A_264 = arith.constant 32767 : i32
      %add3A_265 = vector.broadcast %add3A_264 : i32 to vector<16xi32>
      %add3A_266 = arith.addi %bitcast3A_257, %add3A_265 : vector<16xi32>
      %add3A_267 = arith.addi %add3A_266, %and3A_263 : vector<16xi32>
      %shift_right_logical3A_268 = arith.constant 16 : i32
      %shift_right_logical3A_269 = vector.broadcast %shift_right_logical3A_268 : i32 to vector<16xi32>
      %shift_right_logical3A_270 = arith.shrui %add3A_267, %shift_right_logical3A_269 : vector<16xi32>
      %jit3A_271 = arith.constant 8 : i32
      %div3A_272 = arith.divsi %add3A_249, %jit3A_271 : i32
      %sign3A_273 = arith.constant 0 : i32
      %sign3A_274 = arith.cmpi sgt, %add3A_249, %sign3A_273 : i32
      %sign3A_275 = arith.extui %sign3A_274 : i1 to i32
      %sign3A_276 = arith.constant 0 : i32
      %sign3A_277 = arith.cmpi slt, %add3A_249, %sign3A_276 : i32
      %sign3A_278 = arith.extui %sign3A_277 : i1 to i32
      %sign3A_279 = arith.subi %sign3A_275, %sign3A_278 : i32
      %sign3A_280 = arith.constant 0 : i32
      %sign3A_281 = arith.cmpi sgt, %jit3A_271, %sign3A_280 : i32
      %sign3A_282 = arith.extui %sign3A_281 : i1 to i32
      %sign3A_283 = arith.constant 0 : i32
      %sign3A_284 = arith.cmpi slt, %jit3A_271, %sign3A_283 : i32
      %sign3A_285 = arith.extui %sign3A_284 : i1 to i32
      %sign3A_286 = arith.subi %sign3A_282, %sign3A_285 : i32
      %ne3A_287 = arith.cmpi ne, %sign3A_279, %sign3A_286 : i32
      %rem3A_288 = arith.remsi %add3A_249, %jit3A_271 : i32
      %ne3A_289 = arith.constant 0 : i32
      %ne3A_290 = arith.cmpi ne, %rem3A_288, %ne3A_289 : i32
      %and3A_291 = arith.andi %ne3A_287, %ne3A_290 : i1
      %sub3A_292 = arith.constant 1 : i32
      %sub3A_293 = arith.subi %div3A_272, %sub3A_292 : i32
      %select_n3A_294 = arith.select %and3A_291, %sub3A_293, %div3A_272 : i32
      %and3A_295 = arith.constant 1 : i32
      %and3A_296 = arith.andi %select_n3A_294, %and3A_295 : i32
      %mul3A_297 = arith.constant 16 : i32
      %mul3A_298 = arith.muli %and3A_296, %mul3A_297 : i32
      %shift_left3A_299 = vector.broadcast %mul3A_298 : i32 to vector<16xi32>
      %shift_left3A_300 = arith.shli %shift_right_logical3A_270, %shift_left3A_299 : vector<16xi32>
      %bitcast3A_301 = vector.bitcast %shift_left3A_300 : vector<16xi32> to vector<16xi32>
      %jit3A_302 = arith.constant 16 : i32
      %div3A_303 = arith.divsi %add3A_249, %jit3A_302 : i32
      %sign3A_304 = arith.constant 0 : i32
      %sign3A_305 = arith.cmpi sgt, %add3A_249, %sign3A_304 : i32
      %sign3A_306 = arith.extui %sign3A_305 : i1 to i32
      %sign3A_307 = arith.constant 0 : i32
      %sign3A_308 = arith.cmpi slt, %add3A_249, %sign3A_307 : i32
      %sign3A_309 = arith.extui %sign3A_308 : i1 to i32
      %sign3A_310 = arith.subi %sign3A_306, %sign3A_309 : i32
      %sign3A_311 = arith.constant 0 : i32
      %sign3A_312 = arith.cmpi sgt, %jit3A_302, %sign3A_311 : i32
      %sign3A_313 = arith.extui %sign3A_312 : i1 to i32
      %sign3A_314 = arith.constant 0 : i32
      %sign3A_315 = arith.cmpi slt, %jit3A_302, %sign3A_314 : i32
      %sign3A_316 = arith.extui %sign3A_315 : i1 to i32
      %sign3A_317 = arith.subi %sign3A_313, %sign3A_316 : i32
      %ne3A_318 = arith.cmpi ne, %sign3A_310, %sign3A_317 : i32
      %rem3A_319 = arith.remsi %add3A_249, %jit3A_302 : i32
      %ne3A_320 = arith.constant 0 : i32
      %ne3A_321 = arith.cmpi ne, %rem3A_319, %ne3A_320 : i32
      %and3A_322 = arith.andi %ne3A_318, %ne3A_321 : i1
      %sub3A_323 = arith.constant 1 : i32
      %sub3A_324 = arith.subi %div3A_303, %sub3A_323 : i32
      %select_n3A_325 = arith.select %and3A_322, %sub3A_324, %div3A_303 : i32
      %broadcast_in_dim3A_326 = vector.broadcast %select_n3A_325 : i32 to vector<16xi32>
      tpu.vector_store_idx %arg10[%broadcast_in_dim3A_326, %get3A_254], %bitcast3A_301 {add = true} : memref<16x2048xi32, #tpu.memory_space<vmem>>[vector<16xi32>, vector<16xi32>], vector<16xi32>,
      %mul3A_327 = arith.constant 4 : i32
      %mul3A_328 = arith.muli %mul3A_327, %scan3A_177 : i32
      %add3A_329 = arith.constant 2 : i32
      %add3A_330 = arith.addi %mul3A_328, %add3A_329 : i32
      %mul3A_331 = arith.constant 16 : i32
      %mul3A_332 = arith.muli %add3A_330, %mul3A_331 : i32
      %multiple_of3A_333 = tpu.assume_multiple %mul3A_332, 16 : i32
      %get3A_334 = arith.index_cast %multiple_of3A_333 : i32 to index
      %get3A_335 = tpu.vector_load %arg6[%get3A_334] {strides = array<i32>} : memref<4096xi32, #tpu.memory_space<vmem>>, vector<16xi32>,
      %get3A_336 = arith.index_cast %multiple_of3A_333 : i32 to index
      %get3A_337 = tpu.vector_load %arg8[%get3A_336] {strides = array<i32>} : memref<4096xf32, #tpu.memory_space<vmem>>, vector<16xf32>,
      %bitcast3A_338 = vector.bitcast %get3A_337 : vector<16xf32> to vector<16xi32>
      %shift_right_logical3A_339 = arith.constant 16 : i32
      %shift_right_logical3A_340 = vector.broadcast %shift_right_logical3A_339 : i32 to vector<16xi32>
      %shift_right_logical3A_341 = arith.shrui %bitcast3A_338, %shift_right_logical3A_340 : vector<16xi32>
      %and3A_342 = arith.constant 1 : i32
      %and3A_343 = vector.broadcast %and3A_342 : i32 to vector<16xi32>
      %and3A_344 = arith.andi %shift_right_logical3A_341, %and3A_343 : vector<16xi32>
      %add3A_345 = arith.constant 32767 : i32
      %add3A_346 = vector.broadcast %add3A_345 : i32 to vector<16xi32>
      %add3A_347 = arith.addi %bitcast3A_338, %add3A_346 : vector<16xi32>
      %add3A_348 = arith.addi %add3A_347, %and3A_344 : vector<16xi32>
      %shift_right_logical3A_349 = arith.constant 16 : i32
      %shift_right_logical3A_350 = vector.broadcast %shift_right_logical3A_349 : i32 to vector<16xi32>
      %shift_right_logical3A_351 = arith.shrui %add3A_348, %shift_right_logical3A_350 : vector<16xi32>
      %jit3A_352 = arith.constant 8 : i32
      %div3A_353 = arith.divsi %add3A_330, %jit3A_352 : i32
      %sign3A_354 = arith.constant 0 : i32
      %sign3A_355 = arith.cmpi sgt, %add3A_330, %sign3A_354 : i32
      %sign3A_356 = arith.extui %sign3A_355 : i1 to i32
      %sign3A_357 = arith.constant 0 : i32
      %sign3A_358 = arith.cmpi slt, %add3A_330, %sign3A_357 : i32
      %sign3A_359 = arith.extui %sign3A_358 : i1 to i32
      %sign3A_360 = arith.subi %sign3A_356, %sign3A_359 : i32
      %sign3A_361 = arith.constant 0 : i32
      %sign3A_362 = arith.cmpi sgt, %jit3A_352, %sign3A_361 : i32
      %sign3A_363 = arith.extui %sign3A_362 : i1 to i32
      %sign3A_364 = arith.constant 0 : i32
      %sign3A_365 = arith.cmpi slt, %jit3A_352, %sign3A_364 : i32
      %sign3A_366 = arith.extui %sign3A_365 : i1 to i32
      %sign3A_367 = arith.subi %sign3A_363, %sign3A_366 : i32
      %ne3A_368 = arith.cmpi ne, %sign3A_360, %sign3A_367 : i32
      %rem3A_369 = arith.remsi %add3A_330, %jit3A_352 : i32
      %ne3A_370 = arith.constant 0 : i32
      %ne3A_371 = arith.cmpi ne, %rem3A_369, %ne3A_370 : i32
      %and3A_372 = arith.andi %ne3A_368, %ne3A_371 : i1
      %sub3A_373 = arith.constant 1 : i32
      %sub3A_374 = arith.subi %div3A_353, %sub3A_373 : i32
      %select_n3A_375 = arith.select %and3A_372, %sub3A_374, %div3A_353 : i32
      %and3A_376 = arith.constant 1 : i32
      %and3A_377 = arith.andi %select_n3A_375, %and3A_376 : i32
      %mul3A_378 = arith.constant 16 : i32
      %mul3A_379 = arith.muli %and3A_377, %mul3A_378 : i32
      %shift_left3A_380 = vector.broadcast %mul3A_379 : i32 to vector<16xi32>
      %shift_left3A_381 = arith.shli %shift_right_logical3A_351, %shift_left3A_380 : vector<16xi32>
      %bitcast3A_382 = vector.bitcast %shift_left3A_381 : vector<16xi32> to vector<16xi32>
      %jit3A_383 = arith.constant 16 : i32
      %div3A_384 = arith.divsi %add3A_330, %jit3A_383 : i32
      %sign3A_385 = arith.constant 0 : i32
      %sign3A_386 = arith.cmpi sgt, %add3A_330, %sign3A_385 : i32
      %sign3A_387 = arith.extui %sign3A_386 : i1 to i32
      %sign3A_388 = arith.constant 0 : i32
      %sign3A_389 = arith.cmpi slt, %add3A_330, %sign3A_388 : i32
      %sign3A_390 = arith.extui %sign3A_389 : i1 to i32
      %sign3A_391 = arith.subi %sign3A_387, %sign3A_390 : i32
      %sign3A_392 = arith.constant 0 : i32
      %sign3A_393 = arith.cmpi sgt, %jit3A_383, %sign3A_392 : i32
      %sign3A_394 = arith.extui %sign3A_393 : i1 to i32
      %sign3A_395 = arith.constant 0 : i32
      %sign3A_396 = arith.cmpi slt, %jit3A_383, %sign3A_395 : i32
      %sign3A_397 = arith.extui %sign3A_396 : i1 to i32
      %sign3A_398 = arith.subi %sign3A_394, %sign3A_397 : i32
      %ne3A_399 = arith.cmpi ne, %sign3A_391, %sign3A_398 : i32
      %rem3A_400 = arith.remsi %add3A_330, %jit3A_383 : i32
      %ne3A_401 = arith.constant 0 : i32
      %ne3A_402 = arith.cmpi ne, %rem3A_400, %ne3A_401 : i32
      %and3A_403 = arith.andi %ne3A_399, %ne3A_402 : i1
      %sub3A_404 = arith.constant 1 : i32
      %sub3A_405 = arith.subi %div3A_384, %sub3A_404 : i32
      %select_n3A_406 = arith.select %and3A_403, %sub3A_405, %div3A_384 : i32
      %broadcast_in_dim3A_407 = vector.broadcast %select_n3A_406 : i32 to vector<16xi32>
      tpu.vector_store_idx %arg10[%broadcast_in_dim3A_407, %get3A_335], %bitcast3A_382 {add = true} : memref<16x2048xi32, #tpu.memory_space<vmem>>[vector<16xi32>, vector<16xi32>], vector<16xi32>,
      %mul3A_408 = arith.constant 4 : i32
      %mul3A_409 = arith.muli %mul3A_408, %scan3A_177 : i32
      %add3A_410 = arith.constant 3 : i32
      %add3A_411 = arith.addi %mul3A_409, %add3A_410 : i32
      %mul3A_412 = arith.constant 16 : i32
      %mul3A_413 = arith.muli %add3A_411, %mul3A_412 : i32
      %multiple_of3A_414 = tpu.assume_multiple %mul3A_413, 16 : i32
      %get3A_415 = arith.index_cast %multiple_of3A_414 : i32 to index
      %get3A_416 = tpu.vector_load %arg6[%get3A_415] {strides = array<i32>} : memref<4096xi32, #tpu.memory_space<vmem>>, vector<16xi32>,
      %get3A_417 = arith.index_cast %multiple_of3A_414 : i32 to index
      %get3A_418 = tpu.vector_load %arg8[%get3A_417] {strides = array<i32>} : memref<4096xf32, #tpu.memory_space<vmem>>, vector<16xf32>,
      %bitcast3A_419 = vector.bitcast %get3A_418 : vector<16xf32> to vector<16xi32>
      %shift_right_logical3A_420 = arith.constant 16 : i32
      %shift_right_logical3A_421 = vector.broadcast %shift_right_logical3A_420 : i32 to vector<16xi32>
      %shift_right_logical3A_422 = arith.shrui %bitcast3A_419, %shift_right_logical3A_421 : vector<16xi32>
      %and3A_423 = arith.constant 1 : i32
      %and3A_424 = vector.broadcast %and3A_423 : i32 to vector<16xi32>
      %and3A_425 = arith.andi %shift_right_logical3A_422, %and3A_424 : vector<16xi32>
      %add3A_426 = arith.constant 32767 : i32
      %add3A_427 = vector.broadcast %add3A_426 : i32 to vector<16xi32>
      %add3A_428 = arith.addi %bitcast3A_419, %add3A_427 : vector<16xi32>
      %add3A_429 = arith.addi %add3A_428, %and3A_425 : vector<16xi32>
      %shift_right_logical3A_430 = arith.constant 16 : i32
      %shift_right_logical3A_431 = vector.broadcast %shift_right_logical3A_430 : i32 to vector<16xi32>
      %shift_right_logical3A_432 = arith.shrui %add3A_429, %shift_right_logical3A_431 : vector<16xi32>
      %jit3A_433 = arith.constant 8 : i32
      %div3A_434 = arith.divsi %add3A_411, %jit3A_433 : i32
      %sign3A_435 = arith.constant 0 : i32
      %sign3A_436 = arith.cmpi sgt, %add3A_411, %sign3A_435 : i32
      %sign3A_437 = arith.extui %sign3A_436 : i1 to i32
      %sign3A_438 = arith.constant 0 : i32
      %sign3A_439 = arith.cmpi slt, %add3A_411, %sign3A_438 : i32
      %sign3A_440 = arith.extui %sign3A_439 : i1 to i32
      %sign3A_441 = arith.subi %sign3A_437, %sign3A_440 : i32
      %sign3A_442 = arith.constant 0 : i32
      %sign3A_443 = arith.cmpi sgt, %jit3A_433, %sign3A_442 : i32
      %sign3A_444 = arith.extui %sign3A_443 : i1 to i32
      %sign3A_445 = arith.constant 0 : i32
      %sign3A_446 = arith.cmpi slt, %jit3A_433, %sign3A_445 : i32
      %sign3A_447 = arith.extui %sign3A_446 : i1 to i32
      %sign3A_448 = arith.subi %sign3A_444, %sign3A_447 : i32
      %ne3A_449 = arith.cmpi ne, %sign3A_441, %sign3A_448 : i32
      %rem3A_450 = arith.remsi %add3A_411, %jit3A_433 : i32
      %ne3A_451 = arith.constant 0 : i32
      %ne3A_452 = arith.cmpi ne, %rem3A_450, %ne3A_451 : i32
      %and3A_453 = arith.andi %ne3A_449, %ne3A_452 : i1
      %sub3A_454 = arith.constant 1 : i32
      %sub3A_455 = arith.subi %div3A_434, %sub3A_454 : i32
      %select_n3A_456 = arith.select %and3A_453, %sub3A_455, %div3A_434 : i32
      %and3A_457 = arith.constant 1 : i32
      %and3A_458 = arith.andi %select_n3A_456, %and3A_457 : i32
      %mul3A_459 = arith.constant 16 : i32
      %mul3A_460 = arith.muli %and3A_458, %mul3A_459 : i32
      %shift_left3A_461 = vector.broadcast %mul3A_460 : i32 to vector<16xi32>
      %shift_left3A_462 = arith.shli %shift_right_logical3A_432, %shift_left3A_461 : vector<16xi32>
      %bitcast3A_463 = vector.bitcast %shift_left3A_462 : vector<16xi32> to vector<16xi32>
      %jit3A_464 = arith.constant 16 : i32
      %div3A_465 = arith.divsi %add3A_411, %jit3A_464 : i32
      %sign3A_466 = arith.constant 0 : i32
      %sign3A_467 = arith.cmpi sgt, %add3A_411, %sign3A_466 : i32
      %sign3A_468 = arith.extui %sign3A_467 : i1 to i32
      %sign3A_469 = arith.constant 0 : i32
      %sign3A_470 = arith.cmpi slt, %add3A_411, %sign3A_469 : i32
      %sign3A_471 = arith.extui %sign3A_470 : i1 to i32
      %sign3A_472 = arith.subi %sign3A_468, %sign3A_471 : i32
      %sign3A_473 = arith.constant 0 : i32
      %sign3A_474 = arith.cmpi sgt, %jit3A_464, %sign3A_473 : i32
      %sign3A_475 = arith.extui %sign3A_474 : i1 to i32
      %sign3A_476 = arith.constant 0 : i32
      %sign3A_477 = arith.cmpi slt, %jit3A_464, %sign3A_476 : i32
      %sign3A_478 = arith.extui %sign3A_477 : i1 to i32
      %sign3A_479 = arith.subi %sign3A_475, %sign3A_478 : i32
      %ne3A_480 = arith.cmpi ne, %sign3A_472, %sign3A_479 : i32
      %rem3A_481 = arith.remsi %add3A_411, %jit3A_464 : i32
      %ne3A_482 = arith.constant 0 : i32
      %ne3A_483 = arith.cmpi ne, %rem3A_481, %ne3A_482 : i32
      %and3A_484 = arith.andi %ne3A_480, %ne3A_483 : i1
      %sub3A_485 = arith.constant 1 : i32
      %sub3A_486 = arith.subi %div3A_465, %sub3A_485 : i32
      %select_n3A_487 = arith.select %and3A_484, %sub3A_486, %div3A_465 : i32
      %broadcast_in_dim3A_488 = vector.broadcast %select_n3A_487 : i32 to vector<16xi32>
      tpu.vector_store_idx %arg10[%broadcast_in_dim3A_488, %get3A_416], %bitcast3A_463 {add = true} : memref<16x2048xi32, #tpu.memory_space<vmem>>[vector<16xi32>, vector<16xi32>], vector<16xi32>,
    }
    %scan3A_108 = arith.constant 32 : i32
    %add3A_109 = arith.constant 8 : i32
    %add3A_110 = arith.addi %add3A_86, %add3A_109 : i32
    %dma_start3A_111 = arith.constant 8 : i32
    %dma_start3A_112 = arith.constant 0 : i32
    %dma_start3A_113 = tpu.memref_slice %arg10[%dma_start3A_111, %dma_start3A_112] : memref<16x2048xi32, #tpu.memory_space<vmem>> -> memref<8x2048xi32, #tpu.memory_space<vmem>>
    %dma_start3A_114 = arith.constant 0 : i32
    %dma_start3A_115 = tpu.memref_slice %arg4[%add3A_110, %dma_start3A_114] : memref<1024x2048xi32, #tpu.memory_space<hbm>> -> memref<8x2048xi32, #tpu.memory_space<hbm>>
    %dma_start3A_116 = arith.constant 0 : i32
    %dma_start3A_117 = tpu.memref_slice %arg4[%add3A_110, %dma_start3A_116] : memref<1024x2048xi32, #tpu.memory_space<hbm>> -> memref<8x2048xi32, #tpu.memory_space<hbm>>
    %dma_start3A_118 = arith.constant 8 : i32
    %dma_start3A_119 = arith.constant 0 : i32
    %dma_start3A_120 = tpu.memref_slice %arg10[%dma_start3A_118, %dma_start3A_119] : memref<16x2048xi32, #tpu.memory_space<vmem>> -> memref<8x2048xi32, #tpu.memory_space<vmem>>
    tpu.enqueue_dma source(%dma_start3A_120 : memref<8x2048xi32, #tpu.memory_space<vmem>>) target(%dma_start3A_117 : memref<8x2048xi32, #tpu.memory_space<hbm>>) target_semaphore(%arg14 : memref<!tpu.dma_semaphore, #tpu.memory_space<semaphore_mem>>)
    %mul3A_121 = arith.constant 32 : i32
    %mul3A_122 = arith.muli %add3A, %mul3A_121 : i32
    %add3A_123 = arith.constant 0 : i32
    %add3A_124 = arith.addi %mul3A_122, %add3A_123 : i32
    %add3A_125 = arith.constant 0 : i32
    %add3A_126 = arith.addi %add3A_124, %add3A_125 : i32
    %dma_wait3A_127 = arith.constant 0 : i32
    %dma_wait3A_128 = arith.constant 0 : i32
    %dma_wait3A_129 = tpu.memref_slice %arg9[%dma_wait3A_127, %dma_wait3A_128] : memref<16x2048xi32, #tpu.memory_space<vmem>> -> memref<8x2048xi32, #tpu.memory_space<vmem>>
    %dma_wait3A_130 = arith.constant 0 : i32
    %dma_wait3A_131 = tpu.memref_slice %arg4[%add3A_126, %dma_wait3A_130] : memref<1024x2048xi32, #tpu.memory_space<hbm>> -> memref<8x2048xi32, #tpu.memory_space<hbm>>
    %dma_wait3A_132 = arith.constant 0 : i32
    %dma_wait3A_133 = tpu.memref_slice %arg4[%add3A_126, %dma_wait3A_132] : memref<1024x2048xi32, #tpu.memory_space<hbm>> -> memref<8x2048xi32, #tpu.memory_space<hbm>>
    %dma_wait3A_134 = arith.constant 0 : i32
    %dma_wait3A_135 = arith.constant 0 : i32
    %dma_wait3A_136 = tpu.memref_slice %arg9[%dma_wait3A_134, %dma_wait3A_135] : memref<16x2048xi32, #tpu.memory_space<vmem>> -> memref<8x2048xi32, #tpu.memory_space<vmem>>
    tpu.wait_dma2 semaphore(%arg13 : memref<!tpu.dma_semaphore, #tpu.memory_space<semaphore_mem>>) src(%dma_wait3A_136 : memref<8x2048xi32, #tpu.memory_space<vmem>>) dst(%dma_wait3A_133 : memref<8x2048xi32, #tpu.memory_space<hbm>>)
    %add3A_137 = arith.constant 8 : i32
    %add3A_138 = arith.addi %add3A_124, %add3A_137 : i32
    %dma_wait3A_139 = arith.constant 8 : i32
    %dma_wait3A_140 = arith.constant 0 : i32
    %dma_wait3A_141 = tpu.memref_slice %arg9[%dma_wait3A_139, %dma_wait3A_140] : memref<16x2048xi32, #tpu.memory_space<vmem>> -> memref<8x2048xi32, #tpu.memory_space<vmem>>
    %dma_wait3A_142 = arith.constant 0 : i32
    %dma_wait3A_143 = tpu.memref_slice %arg4[%add3A_138, %dma_wait3A_142] : memref<1024x2048xi32, #tpu.memory_space<hbm>> -> memref<8x2048xi32, #tpu.memory_space<hbm>>
    %dma_wait3A_144 = arith.constant 0 : i32
    %dma_wait3A_145 = tpu.memref_slice %arg4[%add3A_138, %dma_wait3A_144] : memref<1024x2048xi32, #tpu.memory_space<hbm>> -> memref<8x2048xi32, #tpu.memory_space<hbm>>
    %dma_wait3A_146 = arith.constant 8 : i32
    %dma_wait3A_147 = arith.constant 0 : i32
    %dma_wait3A_148 = tpu.memref_slice %arg9[%dma_wait3A_146, %dma_wait3A_147] : memref<16x2048xi32, #tpu.memory_space<vmem>> -> memref<8x2048xi32, #tpu.memory_space<vmem>>
    tpu.wait_dma2 semaphore(%arg13 : memref<!tpu.dma_semaphore, #tpu.memory_space<semaphore_mem>>) src(%dma_wait3A_148 : memref<8x2048xi32, #tpu.memory_space<vmem>>) dst(%dma_wait3A_145 : memref<8x2048xi32, #tpu.memory_space<hbm>>)
    %mul3A_149 = arith.constant 32 : i32
    %mul3A_150 = arith.muli %add3A, %mul3A_149 : i32
    %add3A_151 = arith.constant 16 : i32
    %add3A_152 = arith.addi %mul3A_150, %add3A_151 : i32
    %add3A_153 = arith.constant 0 : i32
    %add3A_154 = arith.addi %add3A_152, %add3A_153 : i32
    %dma_wait3A_155 = arith.constant 0 : i32
    %dma_wait3A_156 = arith.constant 0 : i32
    %dma_wait3A_157 = tpu.memref_slice %arg10[%dma_wait3A_155, %dma_wait3A_156] : memref<16x2048xi32, #tpu.memory_space<vmem>> -> memref<8x2048xi32, #tpu.memory_space<vmem>>
    %dma_wait3A_158 = arith.constant 0 : i32
    %dma_wait3A_159 = tpu.memref_slice %arg4[%add3A_154, %dma_wait3A_158] : memref<1024x2048xi32, #tpu.memory_space<hbm>> -> memref<8x2048xi32, #tpu.memory_space<hbm>>
    %dma_wait3A_160 = arith.constant 0 : i32
    %dma_wait3A_161 = tpu.memref_slice %arg4[%add3A_154, %dma_wait3A_160] : memref<1024x2048xi32, #tpu.memory_space<hbm>> -> memref<8x2048xi32, #tpu.memory_space<hbm>>
    %dma_wait3A_162 = arith.constant 0 : i32
    %dma_wait3A_163 = arith.constant 0 : i32
    %dma_wait3A_164 = tpu.memref_slice %arg10[%dma_wait3A_162, %dma_wait3A_163] : memref<16x2048xi32, #tpu.memory_space<vmem>> -> memref<8x2048xi32, #tpu.memory_space<vmem>>
    tpu.wait_dma2 semaphore(%arg14 : memref<!tpu.dma_semaphore, #tpu.memory_space<semaphore_mem>>) src(%dma_wait3A_164 : memref<8x2048xi32, #tpu.memory_space<vmem>>) dst(%dma_wait3A_161 : memref<8x2048xi32, #tpu.memory_space<hbm>>)
    %add3A_165 = arith.constant 8 : i32
    %add3A_166 = arith.addi %add3A_152, %add3A_165 : i32
    %dma_wait3A_167 = arith.constant 8 : i32
    %dma_wait3A_168 = arith.constant 0 : i32
    %dma_wait3A_169 = tpu.memref_slice %arg10[%dma_wait3A_167, %dma_wait3A_168] : memref<16x2048xi32, #tpu.memory_space<vmem>> -> memref<8x2048xi32, #tpu.memory_space<vmem>>
    %dma_wait3A_170 = arith.constant 0 : i32
    %dma_wait3A_171 = tpu.memref_slice %arg4[%add3A_166, %dma_wait3A_170] : memref<1024x2048xi32, #tpu.memory_space<hbm>> -> memref<8x2048xi32, #tpu.memory_space<hbm>>
    %dma_wait3A_172 = arith.constant 0 : i32
    %dma_wait3A_173 = tpu.memref_slice %arg4[%add3A_166, %dma_wait3A_172] : memref<1024x2048xi32, #tpu.memory_space<hbm>> -> memref<8x2048xi32, #tpu.memory_space<hbm>>
    %dma_wait3A_174 = arith.constant 8 : i32
    %dma_wait3A_175 = arith.constant 0 : i32
    %dma_wait3A_176 = tpu.memref_slice %arg10[%dma_wait3A_174, %dma_wait3A_175] : memref<16x2048xi32, #tpu.memory_space<vmem>> -> memref<8x2048xi32, #tpu.memory_space<vmem>>
    tpu.wait_dma2 semaphore(%arg14 : memref<!tpu.dma_semaphore, #tpu.memory_space<semaphore_mem>>) src(%dma_wait3A_176 : memref<8x2048xi32, #tpu.memory_space<vmem>>) dst(%dma_wait3A_173 : memref<8x2048xi32, #tpu.memory_space<hbm>>)
    return
  }
}

module attributes {stable_mosaic.version = 14 : i64} {
  func.func @_matmul_body(%arg0: i32, %arg1: memref<128x2048xf32, #tpu.memory_space<vmem>>, %arg2: memref<1024x1024xi32, #tpu.memory_space<vmem>>, %arg3: memref<1x1024xf32, #tpu.memory_space<vmem>>, %arg4: memref<128x1024xf32, #tpu.memory_space<vmem>>) attributes {dimension_semantics = [#tpu.dimension_semantics<arbitrary>], iteration_bounds = array<i64: 2>, scalar_prefetch = 0 : i64, scratch_operands = 0 : i64, tpu.core_type = #tpu.core_type<tc>, window_params = [{pipeline_mode = #tpu.pipeline_mode<synchronous>, transform_indices = @transform_0, window_bounds = array<i64: 128, 2048>}, {transform_indices = @transform_1, window_bounds = array<i64: 1024, 1024>}, {transform_indices = @transform_2, window_bounds = array<i64: 1, 1024>}, {transform_indices = @transform_3, window_bounds = array<i64: 128, 1024>}]} {
    %get3A = arith.constant 0 : index
    %get3A_0 = arith.constant 0 : index
    %get3A_1 = vector.load %arg2[%get3A, %get3A_0] : memref<1024x1024xi32, #tpu.memory_space<vmem>>, vector<1024x1024xi32>
    %bitcast3A = tpu.bitcast %get3A_1 : vector<1024x1024xi32> -> vector<2048x1024xbf16>
    %get3A_2 = arith.constant 0 : index
    %get3A_3 = arith.constant 0 : index
    %get3A_4 = vector.load %arg1[%get3A_2, %get3A_3] : memref<128x2048xf32, #tpu.memory_space<vmem>>, vector<128x2048xf32>
    %convert_element_type3A = arith.truncf %get3A_4 : vector<128x2048xf32> to vector<128x2048xbf16>
    %dot_general3A = arith.constant dense<0.000000e+00> : vector<128x1024xf32>
    %dot_general3A_5 = tpu.matmul %convert_element_type3A, %bitcast3A, %dot_general3A {dimension_numbers = #tpu.dot_dimension_numbers<[1], [0], [0], [1], [0, 0, 1, 1], [], []>, transpose_lhs_hint = false} : vector<128x2048xbf16>, vector<2048x1024xbf16>, vector<128x1024xf32> -> vector<128x1024xf32>
    %get3A_6 = arith.constant 0 : index
    %get3A_7 = arith.constant 0 : index
    %get3A_8 = vector.load %arg3[%get3A_6, %get3A_7] : memref<1x1024xf32, #tpu.memory_space<vmem>>, vector<1x1024xf32>
    %add3A = vector.broadcast %get3A_8 : vector<1x1024xf32> to vector<128x1024xf32>
    %add3A_9 = arith.addf %dot_general3A_5, %add3A : vector<128x1024xf32>
    %swap3A = arith.constant 0 : index
    %swap3A_10 = arith.constant 0 : index
    %swap3A_11 = vector.load %arg4[%swap3A, %swap3A_10] : memref<128x1024xf32, #tpu.memory_space<vmem>>, vector<128x1024xf32>
    tpu.vector_store %arg4[%swap3A, %swap3A_10], %add3A_9 {strides = array<i32>} : memref<128x1024xf32, #tpu.memory_space<vmem>>, vector<128x1024xf32>,
    return
  }
  func.func @transform_0(%arg0: i32) -> (i32, i32) {
    %c0_i32 = arith.constant 0 : i32
    %c0_i32_0 = arith.constant 0 : i32
    %c0_i32_1 = arith.constant 0 : i32
    return %c0_i32, %c0_i32_0 : i32, i32
  }
  func.func @transform_1(%arg0: i32) -> (i32, i32) {
    %c0_i32 = arith.constant 0 : i32
    %c0_i32_0 = arith.constant 0 : i32
    return %c0_i32, %arg0 : i32, i32
  }
  func.func @transform_2(%arg0: i32) -> (i32, i32) {
    %c0_i32 = arith.constant 0 : i32
    %c0_i32_0 = arith.constant 0 : i32
    return %c0_i32, %arg0 : i32, i32
  }
  func.func @transform_3(%arg0: i32) -> (i32, i32) {
    %c0_i32 = arith.constant 0 : i32
    %c0_i32_0 = arith.constant 0 : i32
    return %c0_i32, %arg0 : i32, i32
  }
}

</mosaic_0001>

<sc_bundles>
// kernel: kernel.4.cloned.1.call-start
scs
__scs_entry_jumppad:
0x0: {  	(pc) =	sbr.rel $0x88, $3  }
0x1: {  	(tag) =	ssettag $0x0;
	lr =	simm.s32 $0x1  }
0x2: {  	[smem:$0x3F9D] =	sst lr;
	_ =	strace $0xD0000000  }
0x3: {  	_ = 	snop  }
0x4: {  	_ = 	snop  }
0x5: {  	_ = 	snop  }
0x6: {  	_ = 	snop  }
0x7: {  	_ = 	snop  }
__scs_overlays_trampoline_lowered:
0x8: {  	[smem:$0x3FAC] =	sst s0  }
0x9: {  	[smem:$0x3FAD] =	sst s1  }
0xa: {  	[smem:$0x3FAE] =	sst s2  }
0xb: {  	[smem:$0x3FAF] =	sst s3  }
0xc: {  	[smem:$0x3FB0] =	sst s4  }
0xd: {  	[smem:$0x3FB1] =	sst s5  }
0xe: {  	[smem:$0x3FB2] =	sst s6  }
0xf: {  	[smem:$0x3FB3] =	sst s7  }
0x10: {  	[smem:$0x3FB4] =	sst s8  }
0x11: {  	[smem:$0x3FB5] =	sst s9;
	s0 =	simm.s32 @!p0 $0x0  }
0x12: {  	s1 =	sld [smem:$0x3F9B];
	s0 =	simm.s32 @p0 $0x1  }
0x13: {  	[smem:$0x3FB6] =	sst s0;
	s0 =	simm.s32 @!p1 $0x0  }
0x14: {  	s2 =	sld [smem:$0x3F9A];
	s0 =	simm.s32 @p1 $0x1  }
0x15: {  	[smem:$0x3FB7] =	sst s0;
	s0 =	simm.s32 @!p2 $0x0  }
0x16: {  	s3 =	sld [smem:$0x3FDB];
	s0 =	simm.s32 @p2 $0x1  }
0x17: {  	s4 =	simm.s32 $0x1BF5;
	[smem:$0x3FB9] =	sst s0  }
0x18: {  	s0 =	sld [smem:$0x3F9C];
	_ =	swait.ge [sflag:s4], $0x0  }
0x19: {  	s7 =	sld [smem:$0x3F9D]  }
0x1a: {  	s8 =	sadd.s32 $0xFFFFE003, lr  }
0x1b: {  	s9 =	sadd.s32 $0xFFFFFEF7, lr;
	s5 =	simm.s32 $0xFFFFFFFF;
	p2 =	slt.u32 s8, $0xFFFFF086  }
0x1c: {  	p1 =	slt.u32 s9, $0xF7A;
	s5 =	simm.s32 @!p2 $0x0  }
0x1d: {  	s5 =	simm.s32 @p1 $0x1;
	p0 =	seq.s32 s7, s2  }
0x1e: {  	s7 =	smul.u32 @!p0 $0xF7A, s2;
	p2 =	seq.s32 @!p0 s5, $0x0  }
0x1f: {  	s9 =	smul.u32 $0xF7A, s1;
	s8 =	simm.s32 @!p0 $0x1BF5;
	p2 =	por !p2, p0  }
0x20: {  	[sflag:s8] =	ssyncset.s32 @!p0 $0xFFFFF086;
	s6 =	sadd.s32 @!p0 s3, s7;
	s7 =	simm.s32 @!p0 $0x108  }
0x21: {  	s3 =	sadd.s32 s3, s9;
	s6 =	sadd.s32 @!p0 $0x88, s6;
	s7 =	simm.s32 @p2 $0x1082  }
0x22: {  	[simem:s7], [sflag:s8] =	dma.local @!p0 [hbm:s6], $0xF7A  }
0x23: {  	s9 =	sor.u32 $0xD0000000, s2;
	s6 =	simm.s32 $0x108;
	_ =	swait.ge @!p0 [sflag:s8], $0x0  }
0x24: {  	s3 =	sadd.s32 $0x88, s3;
	s6 =	simm.s32 @!p1 $0x1082;
	[sflag:s4] =	ssyncset.s32 $0xFFFFF086  }
0x25: {  	[simem:s6], [sflag:s4] =	dma.local [hbm:s3], $0xF7A  }
0x26: {  	[smem:$0x3F9D] =	sst s1;
	(tag) =	ssettag s2;
	_ =	strace s9  }
0x27: {  	s1 =	sld [smem:$0x3FAD]  }
0x28: {  	s2 =	sld [smem:$0x3FAE]  }
0x29: {  	s4 =	sld [smem:$0x3FB0]  }
0x2a: {  	p0 =	seq.s32 s5, $0x0;
	s5 =	sld [smem:$0x3FB1]  }
0x2b: {  	s6 =	sld [smem:$0x3FB2]  }
0x2c: {  	s7 =	sld [smem:$0x3FB3]  }
0x2d: {  	s3 =	simm.s32 $0x108;
	s8 =	sld [smem:$0x3FB4]  }
0x2e: {  	s3 =	simm.s32 @!p0 $0x1082;
	s9 =	sld [smem:$0x3FB5]  }
0x2f: {  	lr =	sadd.s32 s0, s3;
	s0 =	sld [smem:$0x3FAC]  }
0x30: {  	s3 =	sld [smem:$0x3FAF]  }
0x31: {  	[smem:$0x3FB8] =	sst s10  }
0x32: {  	s10 =	sld [smem:$0x3FB6];
	_ =	sdelay $0x3  }
0x33: {  	p0 =	seq.s32 s10, $0x1;
	s10 =	sld [smem:$0x3FB8];
	_ =	sdelay $0x3  }
0x34: {  	[smem:$0x3FB8] =	sst s10  }
0x35: {  	s10 =	sld [smem:$0x3FB7];
	_ =	sdelay $0x3  }
0x36: {  	p1 =	seq.s32 s10, $0x1;
	s10 =	sld [smem:$0x3FB8];
	_ =	sdelay $0x3  }
0x37: {  	[smem:$0x3FB8] =	sst s10  }
0x38: {  	s10 =	sld [smem:$0x3FB9]  }
0x39: {  	_ = 	snop;
	(pc) =	sbr.ind lr, $3  }
0x3a: {  	_ = 	snop  }
0x3b: {  	_ = 	snop  }
0x3c: {  	p2 =	seq.s32 s10, $0x1;
	s10 =	sld [smem:$0x3FB8]  }
0x3d: {  	_ =	shalt  }
0x3e: {  	_ =	shalt  }
0x3f: {  	_ =	shalt  }
0x40: {  	_ =	shalt  }
0x41: {  	_ =	shalt  }
0x42: {  	_ =	shalt  }
0x43: {  	_ =	shalt  }
0x44: {  	_ =	shalt  }
0x45: {  	_ =	shalt  }
0x46: {  	_ =	shalt  }
0x47: {  	_ =	shalt  }
0x48: {  	_ =	shalt  }
0x49: {  	_ =	shalt  }
0x4a: {  	_ =	shalt  }
0x4b: {  	_ =	shalt  }
0x4c: {  	_ =	shalt  }
0x4d: {  	_ =	shalt  }
0x4e: {  	_ =	shalt  }
0x4f: {  	_ =	shalt  }
0x50: {  	_ =	shalt  }
0x51: {  	_ =	shalt  }
0x52: {  	_ =	shalt  }
0x53: {  	_ =	shalt  }
0x54: {  	_ =	shalt  }
0x55: {  	_ =	shalt  }
0x56: {  	_ =	shalt  }
0x57: {  	_ =	shalt  }
0x58: {  	_ =	shalt  }
0x59: {  	_ =	shalt  }
0x5a: {  	_ =	shalt  }
0x5b: {  	_ =	shalt  }
0x5c: {  	_ =	shalt  }
0x5d: {  	_ =	shalt  }
0x5e: {  	_ =	shalt  }
0x5f: {  	_ =	shalt  }
0x60: {  	_ =	shalt  }
0x61: {  	_ =	shalt  }
0x62: {  	_ =	shalt  }
0x63: {  	_ =	shalt  }
0x64: {  	_ =	shalt  }
0x65: {  	_ =	shalt  }
0x66: {  	_ =	shalt  }
0x67: {  	_ =	shalt  }
0x68: {  	_ =	shalt  }
0x69: {  	_ =	shalt  }
0x6a: {  	_ =	shalt  }
0x6b: {  	_ =	shalt  }
0x6c: {  	_ =	shalt  }
0x6d: {  	_ =	shalt  }
0x6e: {  	_ =	shalt  }
0x6f: {  	_ =	shalt  }
0x70: {  	_ =	shalt  }
0x71: {  	_ =	shalt  }
0x72: {  	_ =	shalt  }
0x73: {  	_ =	shalt  }
0x74: {  	_ =	shalt  }
0x75: {  	_ =	shalt  }
0x76: {  	_ =	shalt  }
0x77: {  	_ =	shalt  }
0x78: {  	_ =	shalt  }
0x79: {  	_ =	shalt  }
0x7a: {  	_ =	shalt  }
0x7b: {  	_ =	shalt  }
0x7c: {  	_ =	shalt  }
0x7d: {  	_ =	shalt  }
0x7e: {  	_ =	shalt  }
0x7f: {  	_ =	shalt  }
0x80: {  	_ =	shalt  }
0x81: {  	_ =	shalt  }
0x82: {  	_ =	shalt  }
0x83: {  	_ =	shalt  }
0x84: {  	_ =	shalt  }
0x85: {  	_ =	shalt  }
0x86: {  	_ =	shalt  }
0x87: {  	_ =	shalt  }
.Lfunc_end0:
.L_simem_size_0:
called_computation_lowered:
.L_overlay_start_0:
0x88: {  	s2 =	sld [smem:$0x3FD9]  }
0x89: {  	s3 =	sld [smem:$0x3FFE];
	_ =	sdelay $0x1  }
0x8a: {  	s1 =	srdreg.scid  }
0x8b: {  	s0 =	sand.u32 $0x1, s1  }
0x8c: {  	s17 =	sshll.u32 s0, $0xA;
	s2 =	sadd.s32 s3, s2  }
0x8d: {  	s2 =	sadd.s32 s2, s17  }
0x8e: {  	[smem:$0x3FC4] =	sst s2  }
0x8f: {  	_ = 	snop  }
0x90: {  	s2 =	sld [smem:$0x3FC8]  }
0x91: {  	s18 =	sld [smem:$0x3FC6];
	(tm) =	ssettm $0x1  }
0x92: {  	s4 =	sld [smem:$0x3FFB];
	_ =	sdelay $0x3  }
0x93: {  	_ =	strace s4  }
0x94: {  	s4 =	sld [smem:$0x3FFC];
	_ =	sdelay $0x3  }
0x95: {  	_ =	strace s4  }
0x96: {  	s4 =	sld [smem:$0x3FFD];
	_ =	sdelay $0x3  }
0x97: {  	_ =	strace s4  }
0x98: {  	_ =	strace $0x8FFFFFFF  }
0x99: {  	s19 =	sld [smem:$0x3FDB];
	_ =	sdelay $0x1  }
0x9a: {  	s5 =	simm.s32 $_scs_section_size  }
0x9b: {  	s6 =	simm.s32 $_size__tile_overlayer_lowered;
	s7 =	simm.s32 $_tile_overlayer_lowered  }
0x9c: {  	s22 =	simm.s32 $0x1BFF;
	s21 =	sshll.u32 s7, $0x1;
	s4 =	sadd.s32 s5, s19  }
0x9d: {  	s8 =	simm.s32 $0x0;
	s20 =	sshll.u32 s6, $0x1;
	s6 =	sadd.s32 s21, s4  }
0x9e: {  	[timem:s8], [sflag:s22] =	dma.local [hbm:s6], s20  }
0x9f: {  	_ =	swait.ge [sflag:s22], s20  }
0xa0: {  	s5 =	ssub.s32 $0x0, s20;
	[sflag:s22] =	ssyncset.done $0x0  }
0xa1: {  	[sflag:s22] =	ssyncadd.s32 s5;
	_ =	sdelay $0x1  }
0xa2: {  	s23 =	simm.s32 $0x1B8B  }
0xa3: {  	_ =	swait.ge [sflag:s23], $0x1  }
0xa4: {  	[sflag:s23] =	ssyncset.done $0x0  }
0xa5: {  	s25 =	simm.s32 $0x1B8E;
	s24 =	sld [smem:$0x3FFE];
	[sflag:s23] =	ssyncadd.s32 $0xFFFFFFFF  }
0xa6: {  	s26 =	simm.s32 $execute0_lowered;
	[smem:$0x3FD2] =	sst s25  }
0xa7: {  	s6 =	sshll.u32 s26, $0x1;
	_ =	strace $0x80000046;
	[dreg:$0x1] =	wrdreg $0xFFFFFFFF  }
0xa8: {  	s28 =	simm.s32 $_size_execute0_lowered;
	s4 =	sadd.s32 s4, s6;
	[dreg:$0x0] =	wrdreg $0x0  }
0xa9: {  	s6 =	sshll.u32 s28, $0x1;
	[dreg:$0x2] =	wrdreg s4  }
0xaa: {  	[dreg:$0x3] =	wrdreg s6  }
0xab: {  	[dreg:$0x4] =	wrdreg $0xC0  }
0xac: {  	_ =	task [dreg:s8], $0x5FFFF  }
0xad: {  	[dreg:$0x1] =	wrdreg $0xFFFFFFFF  }
0xae: {  	[dreg:$0x0] =	wrdreg $0x60  }
0xaf: {  	[dreg:$0x2] =	wrdreg s2  }
0xb0: {  	[dreg:$0x3] =	wrdreg s18  }
0xb1: {  	[dreg:$0x4] =	wrdreg s24  }
0xb2: {  	[dreg:$0x5] =	wrdreg $0x9  }
0xb3: {  	_ =	task.clear_ibuf [dreg:s8], $0x6FFFF;
	_ =	strace $0x90000046  }
0xb4: {  	s29 =	simm.s32 $0x9;
	_ =	strace $0x80000048  }
0xb5: {  	_ =	swait.ge [sflag:s29], $0x1  }
0xb6: {  	[sflag:s29] =	ssyncadd.s32 $0xFFFFFFFF  }
0xb7: {  	_ =	strace $0x90000048  }
0xb8: {  	_ =	sfence  }
0xb9: {  	s30 =	sld [smem:$0x0];
	_ =	sdelay $0x2  }
0xba: {  	s31 =	sshll.u32 s1, $0xD;
	s1 =	sshrl.u32 s1, $0x2  }
0xbb: {  	s3 =	sand.u32 $0x4000, s31;
	s1 =	sadd.s32 s1, s30  }
0xbc: {  	s0 =	sor.u32 s3, s0;
	s1 =	sshll.u32 s1, $0x11  }
0xbd: {  	s0 =	sor.u32 s1, s0  }
0xbe: {  	s0 =	sadd.s32 $0x8F2B, s0  }
0xbf: {  	[sflag:s0] =	ssyncadd.remote.s32 $0x1  }
0xc0: {  	_ =	sfence.sel $0xFFFF  }
0xc1: {  	[dreg:$0x0] =	wrdreg $0xFFFFFFFF;
	(pc) =	sbr.abs _section_cstart, $3  }
0xc2: {  	[dreg:$0x1] =	wrdreg $0xFFFFFFFF  }
0xc3: {  	_ =	task.clear_ibuf [dreg:s8], $0x2FFFF;
	_ =	strace $0x9FFFFFFF  }
0xc4: {  	(tm) =	ssettm $0x7FFFFFFF  }
0xc5: {  	_ =	shalt  }
tec
execute0_lowered:
.L_overlay_start_1:
0x0: {  	(tag) =	ssettag $0x1  }
0x1: {  	s6 =	rddreg [dreg:$0x0]  }
0x2: {  	s5 =	rddreg [dreg:$0x1]  }
0x3: {  	s3 =	rddreg [dreg:$0x2]  }
0x4: {  	s0 =	rddreg [dreg:$0x3]  }
0x5: {  	s2 =	simm.s32 $0x0;
	s4 =	srdreg.scid;
	s1 =	stileid.u32  }
0x6: {  	s12 =	simm.s32 $0x2000;
	s13 =	simm.s32 $0x1000;
	s14 =	simm.s32 $0x3000  }
0x7: {  	s15 =	simm.s32 $0x1;
	s16 =	simm.s32 $0x4000;
	s17 =	simm.s32 $0x8000  }
0x8: {  	s18 =	simm.s32 $0x2;
	s19 =	simm.s32 $0xC000;
	s20 =	simm.s32 $0x10000  }
0x9: {  	s21 =	simm.s32 $0x3;
	s22 =	simm.s32 $0x4;
	s23 =	simm.s32 $0x0  }
0xa: {  	[smem:$0x7FF] =	sst s2;
	s4 =	sand.u32 $0x1, s4;
	s7 =	sshll.u32 s1, $0x1  }
0xb: {  	_ =	strace $0x80000047;
	s7 =	sor.u32 s4, s7;
	s4 =	ssub.s32 $0x2, s4  }
0xc: {  	s8 =	sshll.u32 s7, $0xD;
	s9 =	sshrl.u32 s4, $0x1;
	s7 =	sshll.u32 s7, $0xA  }
0xd: {  	s10 =	sadd.s32 s8, s3;
	s11 =	ssub.s32 s4, s9;
	s31 =	sor.u32 $0x200, s7  }
0xe: {  	s3 =	sadd.s32 s5, s7;
	s4 =	sadd.s32 s6, s7;
	s5 =	sadd.s32 s5, s31  }
0xf: {  	s6 =	sadd.s32 s6, s31;
	s7 =	sadd.s32 $0xA00, s10;
	s8 =	sadd.s32 $0x1200, s10  }
0x10: {  	v0 =	vimm.s32 $0x0;
	s9 =	sadd.s32 $0x1A00, s10;
	s10 =	sadd.s32 $0x2200, s10;
	s11 =	smax.u32 s11, $0x1  }
.LBB2_1:
0x11: {  	[tilespmem:s2], [sflag:$0x1] =	stream.linear.gather [hbm4b:s3+s2], $0x1000, $0x38;
	[tilespmem:$0x14000] =	vst v63  }
0x12: {  	_ = 	snop  }
0x13: {  	[tilespmem:s12], [sflag:$0x1] =	stream.linear.gather [hbm4b:s4+s2], $0x1000, $0x38;
	[tilespmem:$0x14000] =	vst v63  }
0x14: {  	s24 =	simm.s32 $0xFFFF8000  }
0x15: {  	[tilespmem:s13], [sflag:$0x2] =	stream.linear.gather [hbm4b:s5+s2], $0x1000, $0x38;
	[tilespmem:$0x14000] =	vst v63  }
0x16: {  	s25 =	simm.s32 $0x0;
	s26 =	simm.s32 $0x0;
	s28 =	simm.s32 $0x0  }
0x17: {  	[tilespmem:s14], [sflag:$0x2] =	stream.linear.gather [hbm4b:s6+s2], $0x1000, $0x38;
	[tilespmem:$0x14000] =	vst v63  }
.LBB2_2:
0x18: {  	s29 =	sadd.s32 $0x8000, s24  }
0x19: {  	s30 =	sand.u32 $0x380, s28;
	s29 =	sand.u32 $0x4000, s29  }
0x1a: {  	s29 =	sor.u32 s30, s29  }
0x1b: {  	[tilespmem:s29+$0x4000] =	vst v0  }
0x1c: {  	[tilespmem:s29+$0x4010] =	vst v0  }
0x1d: {  	[tilespmem:s29+$0x4020] =	vst v0  }
0x1e: {  	[tilespmem:s29+$0x4030] =	vst v0  }
0x1f: {  	[tilespmem:s29+$0x4040] =	vst v0  }
0x20: {  	[tilespmem:s29+$0x4050] =	vst v0  }
0x21: {  	[tilespmem:s29+$0x4060] =	vst v0  }
0x22: {  	[tilespmem:s29+$0x4070] =	vst v0  }
0x23: {  	[tilespmem:s29+$0x4400] =	vst v0  }
0x24: {  	[tilespmem:s29+$0x4410] =	vst v0  }
0x25: {  	[tilespmem:s29+$0x4420] =	vst v0  }
0x26: {  	[tilespmem:s29+$0x4430] =	vst v0  }
0x27: {  	[tilespmem:s29+$0x4440] =	vst v0  }
0x28: {  	[tilespmem:s29+$0x4450] =	vst v0  }
0x29: {  	[tilespmem:s29+$0x4460] =	vst v0  }
0x2a: {  	[tilespmem:s29+$0x4470] =	vst v0  }
0x2b: {  	[tilespmem:s29+$0x4800] =	vst v0  }
0x2c: {  	[tilespmem:s29+$0x4810] =	vst v0  }
0x2d: {  	[tilespmem:s29+$0x4820] =	vst v0  }
0x2e: {  	[tilespmem:s29+$0x4830] =	vst v0  }
0x2f: {  	[tilespmem:s29+$0x4840] =	vst v0  }
0x30: {  	[tilespmem:s29+$0x4850] =	vst v0  }
0x31: {  	[tilespmem:s29+$0x4860] =	vst v0  }
0x32: {  	[tilespmem:s29+$0x4870] =	vst v0  }
0x33: {  	[tilespmem:s29+$0x4C00] =	vst v0  }
0x34: {  	[tilespmem:s29+$0x4C10] =	vst v0  }
0x35: {  	[tilespmem:s29+$0x4C20] =	vst v0  }
0x36: {  	[tilespmem:s29+$0x4C30] =	vst v0  }
0x37: {  	[tilespmem:s29+$0x4C40] =	vst v0  }
0x38: {  	[tilespmem:s29+$0x4C50] =	vst v0  }
0x39: {  	[tilespmem:s29+$0x4C60] =	vst v0  }
0x3a: {  	[tilespmem:s29+$0x4C70] =	vst v0  }
0x3b: {  	[tilespmem:s29+$0x5000] =	vst v0  }
0x3c: {  	[tilespmem:s29+$0x5010] =	vst v0  }
0x3d: {  	[tilespmem:s29+$0x5020] =	vst v0  }
0x3e: {  	[tilespmem:s29+$0x5030] =	vst v0  }
0x3f: {  	[tilespmem:s29+$0x5040] =	vst v0  }
0x40: {  	[tilespmem:s29+$0x5050] =	vst v0  }
0x41: {  	[tilespmem:s29+$0x5060] =	vst v0  }
0x42: {  	[tilespmem:s29+$0x5070] =	vst v0  }
0x43: {  	[tilespmem:s29+$0x5400] =	vst v0  }
0x44: {  	[tilespmem:s29+$0x5410] =	vst v0  }
0x45: {  	[tilespmem:s29+$0x5420] =	vst v0  }
0x46: {  	[tilespmem:s29+$0x5430] =	vst v0  }
0x47: {  	[tilespmem:s29+$0x5440] =	vst v0  }
0x48: {  	[tilespmem:s29+$0x5450] =	vst v0  }
0x49: {  	[tilespmem:s29+$0x5460] =	vst v0  }
0x4a: {  	[tilespmem:s29+$0x5470] =	vst v0  }
0x4b: {  	[tilespmem:s29+$0x5800] =	vst v0  }
0x4c: {  	[tilespmem:s29+$0x5810] =	vst v0  }
0x4d: {  	[tilespmem:s29+$0x5820] =	vst v0  }
0x4e: {  	[tilespmem:s29+$0x5830] =	vst v0  }
0x4f: {  	[tilespmem:s29+$0x5840] =	vst v0  }
0x50: {  	[tilespmem:s29+$0x5850] =	vst v0  }
0x51: {  	[tilespmem:s29+$0x5860] =	vst v0  }
0x52: {  	[tilespmem:s29+$0x5870] =	vst v0  }
0x53: {  	[tilespmem:s29+$0x5C00] =	vst v0  }
0x54: {  	[tilespmem:s29+$0x5C10] =	vst v0  }
0x55: {  	[tilespmem:s29+$0x5C20] =	vst v0  }
0x56: {  	[tilespmem:s29+$0x5C30] =	vst v0  }
0x57: {  	[tilespmem:s29+$0x5C40] =	vst v0  }
0x58: {  	[tilespmem:s29+$0x5C50] =	vst v0  }
0x59: {  	[tilespmem:s29+$0x5C60] =	vst v0  }
0x5a: {  	[tilespmem:s29+$0x5C70] =	vst v0  }
0x5b: {  	[tilespmem:s29+$0x6000] =	vst v0  }
0x5c: {  	[tilespmem:s29+$0x6010] =	vst v0  }
0x5d: {  	[tilespmem:s29+$0x6020] =	vst v0  }
0x5e: {  	[tilespmem:s29+$0x6030] =	vst v0  }
0x5f: {  	[tilespmem:s29+$0x6040] =	vst v0  }
0x60: {  	[tilespmem:s29+$0x6050] =	vst v0  }
0x61: {  	[tilespmem:s29+$0x6060] =	vst v0  }
0x62: {  	[tilespmem:s29+$0x6070] =	vst v0  }
0x63: {  	[tilespmem:s29+$0x6400] =	vst v0  }
0x64: {  	[tilespmem:s29+$0x6410] =	vst v0  }
0x65: {  	[tilespmem:s29+$0x6420] =	vst v0  }
0x66: {  	[tilespmem:s29+$0x6430] =	vst v0  }
0x67: {  	[tilespmem:s29+$0x6440] =	vst v0  }
0x68: {  	[tilespmem:s29+$0x6450] =	vst v0  }
0x69: {  	[tilespmem:s29+$0x6460] =	vst v0  }
0x6a: {  	[tilespmem:s29+$0x6470] =	vst v0  }
0x6b: {  	[tilespmem:s29+$0x6800] =	vst v0  }
0x6c: {  	[tilespmem:s29+$0x6810] =	vst v0  }
0x6d: {  	[tilespmem:s29+$0x6820] =	vst v0  }
0x6e: {  	[tilespmem:s29+$0x6830] =	vst v0  }
0x6f: {  	[tilespmem:s29+$0x6840] =	vst v0  }
0x70: {  	[tilespmem:s29+$0x6850] =	vst v0  }
0x71: {  	[tilespmem:s29+$0x6860] =	vst v0  }
0x72: {  	[tilespmem:s29+$0x6870] =	vst v0  }
0x73: {  	[tilespmem:s29+$0x6C00] =	vst v0  }
0x74: {  	[tilespmem:s29+$0x6C10] =	vst v0  }
0x75: {  	[tilespmem:s29+$0x6C20] =	vst v0  }
0x76: {  	[tilespmem:s29+$0x6C30] =	vst v0  }
0x77: {  	[tilespmem:s29+$0x6C40] =	vst v0  }
0x78: {  	[tilespmem:s29+$0x6C50] =	vst v0  }
0x79: {  	[tilespmem:s29+$0x6C60] =	vst v0  }
0x7a: {  	[tilespmem:s29+$0x6C70] =	vst v0  }
0x7b: {  	[tilespmem:s29+$0x7000] =	vst v0  }
0x7c: {  	[tilespmem:s29+$0x7010] =	vst v0  }
0x7d: {  	[tilespmem:s29+$0x7020] =	vst v0  }
0x7e: {  	[tilespmem:s29+$0x7030] =	vst v0  }
0x7f: {  	[tilespmem:s29+$0x7040] =	vst v0  }
0x80: {  	[tilespmem:s29+$0x7050] =	vst v0  }
0x81: {  	[tilespmem:s29+$0x7060] =	vst v0  }
0x82: {  	[tilespmem:s29+$0x7070] =	vst v0  }
0x83: {  	[tilespmem:s29+$0x7400] =	vst v0  }
0x84: {  	[tilespmem:s29+$0x7410] =	vst v0  }
0x85: {  	[tilespmem:s29+$0x7420] =	vst v0  }
0x86: {  	[tilespmem:s29+$0x7430] =	vst v0  }
0x87: {  	s31 =	sand.u32 $0x7, s25;
	[tilespmem:s29+$0x7440] =	vst v0  }
0x88: {  	s30 =	sshll.u32 s31, $0x7;
	[tilespmem:s29+$0x7450] =	vst v0  }
0x89: {  	s30 =	sadd.s32 s30, s26;
	[tilespmem:s29+$0x7460] =	vst v0  }
0x8a: {  	[tilespmem:s29+$0x7470] =	vst v0;
	s31 =	sor.u32 $0x3800, s30  }
0x8b: {  	[tilespmem:s31+$0x4000] =	vst v0;
	s31 =	sor.u32 $0x3810, s30  }
0x8c: {  	[tilespmem:s31+$0x4000] =	vst v0;
	s31 =	sor.u32 $0x3820, s30  }
0x8d: {  	[tilespmem:s31+$0x4000] =	vst v0;
	s31 =	sor.u32 $0x3830, s30  }
0x8e: {  	[tilespmem:s31+$0x4000] =	vst v0;
	s31 =	sor.u32 $0x3840, s30  }
0x8f: {  	[tilespmem:s31+$0x4000] =	vst v0;
	s31 =	sor.u32 $0x3850, s30  }
0x90: {  	[tilespmem:s31+$0x4000] =	vst v0;
	s31 =	sor.u32 $0x3860, s30  }
0x91: {  	[tilespmem:s31+$0x4000] =	vst v0;
	s31 =	sor.u32 $0x3870, s30  }
0x92: {  	[tilespmem:s31+$0x4000] =	vst v0;
	s31 =	sor.u32 $0x3C00, s30  }
0x93: {  	[tilespmem:s31+$0x4000] =	vst v0;
	s31 =	sor.u32 $0x3C10, s30  }
0x94: {  	[tilespmem:s31+$0x4000] =	vst v0;
	s31 =	sor.u32 $0x3C20, s30  }
0x95: {  	p0 =	sne.s32 s28, $0x780;
	[tilespmem:s31+$0x4000] =	vst v0;
	s31 =	sor.u32 $0x3C30, s30  }
.Ltmp0:
0x96: {  	[tilespmem:s31+$0x4000] =	vst v0;
	s31 =	sor.u32 $0x3C40, s30;
	(pc) =	sbr.rel @p0 .LBB2_2-.Ltmp0, $4  }
0x97: {  	[tilespmem:s31+$0x4000] =	vst v0;
	s31 =	sor.u32 $0x3C50, s30  }
0x98: {  	[tilespmem:s31+$0x4000] =	vst v0;
	s31 =	sor.u32 $0x3C60, s30  }
0x99: {  	s25 =	sadd.s32 $0x1, s25;
	[tilespmem:s31+$0x4000] =	vst v0;
	s31 =	sor.u32 $0x3C70, s30  }
0x9a: {  	s24 =	sadd.s32 $0x800, s24;
	s28 =	sadd.s32 $0x80, s28;
	s26 =	sadd.s32 $0x800, s26;
	[tilespmem:s31+$0x4000] =	vst v0  }
0x9b: {  	_ =	swait.ge [sflag:s15], $0x1000  }
0x9c: {  	[sflag:s15] =	ssyncset.done $0x0  }
0x9d: {  	[sflag:s15] =	ssyncadd.s32 $0xFFFFF000  }
0x9e: {  	_ =	swait.ge [sflag:s15], $0x1000  }
0x9f: {  	s24 =	simm.s32 $0x0;
	s25 =	simm.s32 $0x2020;
	[sflag:s15] =	ssyncset.done $0x0  }
0xa0: {  	s26 =	simm.s32 $0x20;
	s28 =	simm.s32 $0x0;
	[sflag:s15] =	ssyncadd.s32 $0xFFFFF000  }
.LBB2_4:
0xa1: {  	v1 =	vld [tilespmem:s26+$0xFFFFFFE0];
	_ =	sdelay $0x1  }
0xa2: {  	v2 =	vld [tilespmem:s25+$0xFFFFFFE0];
	s29 =	sshrl.u32 s28, $0x2  }
0xa3: {  	v3 =	vmov s29  }
0xa4: {  	v3 =	vshll.u32 v3, $0x7  }
0xa5: {  	v3 =	vand.u32 $0x380, v3;
	v4 =	vshll.u32 v1, $0x3  }
0xa6: {  	v3 =	vbroadcast v3, $0x0;
	v1 =	vand.u32 $0x7F, v1;
	v4 =	vand.u32 $0xFFFFFC00, v4  }
0xa7: {  	v57 =	vshrl.u32 v2, $0x10;
	v1 =	vor.u32 v4, v1  }
0xa8: {  	v4 =	vand.u32 $0x1, v57;
	v1 =	vor.u32 v3, v1  }
0xa9: {  	v2 =	vadd.s32 v4, v2  }
0xaa: {  	v2 =	vadd.s32 $0x7FFF, v2  }
0xab: {  	s31 =	sand.u32 $0x10, s24;
	v2 =	vshrl.u32 v2, $0x10  }
0xac: {  	v2 =	vshll.u32 v2, s31  }
0xad: {  	[tilespmem:v1+s16+$0x0] =	vst.idx.add.s32.msk $0xffff, v2  }
0xae: {  	v1 =	vld [tilespmem:s26+$0xFFFFFFF0];
	_ =	sdelay $0x1  }
0xaf: {  	v2 =	vld [tilespmem:s25+$0xFFFFFFF0];
	_ =	sdelay $0x2  }
0xb0: {  	v58 =	vshll.u32 v1, $0x3  }
0xb1: {  	v1 =	vand.u32 $0x7F, v1;
	v4 =	vand.u32 $0xFFFFFC00, v58  }
0xb2: {  	v59 =	vshrl.u32 v2, $0x10;
	v1 =	vor.u32 v4, v1  }
0xb3: {  	v4 =	vand.u32 $0x1, v59;
	v1 =	vor.u32 v3, v1  }
0xb4: {  	v2 =	vadd.s32 v4, v2  }
0xb5: {  	v2 =	vadd.s32 $0x7FFF, v2  }
0xb6: {  	v2 =	vshrl.u32 v2, $0x10  }
0xb7: {  	v2 =	vshll.u32 v2, s31  }
0xb8: {  	[tilespmem:v1+s16+$0x0] =	vst.idx.add.s32.msk $0xffff, v2  }
0xb9: {  	v1 =	vld [tilespmem:s26+$0x0];
	_ =	sdelay $0x1  }
0xba: {  	v2 =	vld [tilespmem:s25+$0x0];
	_ =	sdelay $0x2  }
0xbb: {  	v60 =	vshll.u32 v1, $0x3  }
0xbc: {  	v1 =	vand.u32 $0x7F, v1;
	v4 =	vand.u32 $0xFFFFFC00, v60  }
0xbd: {  	v61 =	vshrl.u32 v2, $0x10;
	v1 =	vor.u32 v4, v1  }
0xbe: {  	v4 =	vand.u32 $0x1, v61;
	v1 =	vor.u32 v3, v1  }
0xbf: {  	v2 =	vadd.s32 v4, v2  }
0xc0: {  	v2 =	vadd.s32 $0x7FFF, v2  }
0xc1: {  	v2 =	vshrl.u32 v2, $0x10  }
0xc2: {  	v2 =	vshll.u32 v2, s31  }
0xc3: {  	[tilespmem:v1+s16+$0x0] =	vst.idx.add.s32.msk $0xffff, v2  }
0xc4: {  	v1 =	vld [tilespmem:s26+$0x10];
	_ =	sdelay $0x1  }
0xc5: {  	v2 =	vld [tilespmem:s25+$0x10];
	_ =	sdelay $0x2  }
0xc6: {  	v62 =	vshll.u32 v1, $0x3  }
0xc7: {  	v1 =	vand.u32 $0x7F, v1;
	v4 =	vand.u32 $0xFFFFFC00, v62  }
0xc8: {  	v63 =	vshrl.u32 v2, $0x10;
	v1 =	vor.u32 v4, v1  }
0xc9: {  	p0 =	sne.s32 s28, $0x1F;
	v4 =	vand.u32 $0x1, v63;
	v1 =	vor.u32 v3, v1  }
.Ltmp1:
0xca: {  	v2 =	vadd.s32 v4, v2;
	(pc) =	sbr.rel @p0 .LBB2_4-.Ltmp1, $4  }
0xcb: {  	v2 =	vadd.s32 $0x7FFF, v2  }
0xcc: {  	v2 =	vshrl.u32 v2, $0x10  }
0xcd: {  	s24 =	sadd.s32 $0x8, s24;
	v2 =	vshll.u32 v2, s31  }
0xce: {  	s28 =	sadd.s32 $0x1, s28;
	s25 =	sadd.s32 $0x40, s25;
	s26 =	sadd.s32 $0x40, s26;
	[tilespmem:v1+s16+$0x0] =	vst.idx.add.s32.msk $0xffff, v2  }
0xcf: {  	[hbm4b:s7+s2] =	stream.linear.scatter [tilespmem:s16], [sflag:$0x3], $0x4000, $0x38;
	[tilespmem:$0x14000] =	vst v63  }
0xd0: {  	s24 =	simm.s32 $0x20  }
0xd1: {  	s25 =	simm.s32 $0x100;
	s26 =	simm.s32 $0x2830;
	s28 =	simm.s32 $0x830  }
.LBB2_6:
0xd2: {  	v1 =	vld [tilespmem:s28+$0xFFFFFFD0];
	_ =	sdelay $0x2  }
0xd3: {  	v2 =	vld [tilespmem:s26+$0xFFFFFFD0];
	s29 =	sshrl.u32 s24, $0x2  }
0xd4: {  	v3 =	vmov s29  }
0xd5: {  	v4 =	vshll.u32 v3, $0xB;
	v5 =	vshll.u32 v1, $0x3  }
0xd6: {  	v4 =	vand.u32 $0x4000, v4;
	v5 =	vand.u32 $0xFFFFFC00, v5  }
0xd7: {  	v3 =	vshll.u32 v3, $0x7;
	v1 =	vand.u32 $0x7F, v1;
	v5 =	vadd.s32 v4, v5  }
0xd8: {  	v3 =	vand.u32 $0x380, v3;
	v56 =	vshrl.u32 v2, $0x10;
	v1 =	vor.u32 v1, v5  }
0xd9: {  	v5 =	vand.u32 $0x1, v56;
	v1 =	vor.u32 v3, v1  }
0xda: {  	v2 =	vadd.s32 v5, v2  }
0xdb: {  	v2 =	vadd.s32 $0x7FFF, v2  }
0xdc: {  	s31 =	sand.u32 $0x10, s25;
	v2 =	vshrl.u32 v2, $0x10  }
0xdd: {  	v2 =	vshll.u32 v2, s31  }
0xde: {  	[tilespmem:v1+s16+$0x0] =	vst.idx.add.s32.msk $0xffff, v2  }
0xdf: {  	v1 =	vld [tilespmem:s28+$0xFFFFFFE0];
	_ =	sdelay $0x2  }
0xe0: {  	v2 =	vld [tilespmem:s26+$0xFFFFFFE0];
	_ =	sdelay $0x1  }
0xe1: {  	v57 =	vshll.u32 v1, $0x3  }
0xe2: {  	v5 =	vand.u32 $0xFFFFFC00, v57  }
0xe3: {  	v1 =	vand.u32 $0x7F, v1;
	v5 =	vadd.s32 v4, v5  }
0xe4: {  	v58 =	vshrl.u32 v2, $0x10;
	v1 =	vor.u32 v1, v5  }
0xe5: {  	v5 =	vand.u32 $0x1, v58;
	v1 =	vor.u32 v3, v1  }
0xe6: {  	v2 =	vadd.s32 v5, v2  }
0xe7: {  	v2 =	vadd.s32 $0x7FFF, v2  }
0xe8: {  	v2 =	vshrl.u32 v2, $0x10  }
0xe9: {  	v2 =	vshll.u32 v2, s31  }
0xea: {  	[tilespmem:v1+s16+$0x0] =	vst.idx.add.s32.msk $0xffff, v2  }
0xeb: {  	v1 =	vld [tilespmem:s28+$0xFFFFFFF0];
	_ =	sdelay $0x2  }
0xec: {  	v2 =	vld [tilespmem:s26+$0xFFFFFFF0];
	_ =	sdelay $0x1  }
0xed: {  	v59 =	vshll.u32 v1, $0x3  }
0xee: {  	v5 =	vand.u32 $0xFFFFFC00, v59  }
0xef: {  	v1 =	vand.u32 $0x7F, v1;
	v5 =	vadd.s32 v4, v5  }
0xf0: {  	v60 =	vshrl.u32 v2, $0x10;
	v1 =	vor.u32 v1, v5  }
0xf1: {  	v5 =	vand.u32 $0x1, v60;
	v1 =	vor.u32 v3, v1  }
0xf2: {  	v2 =	vadd.s32 v5, v2  }
0xf3: {  	v2 =	vadd.s32 $0x7FFF, v2  }
0xf4: {  	v2 =	vshrl.u32 v2, $0x10  }
0xf5: {  	v2 =	vshll.u32 v2, s31  }
0xf6: {  	[tilespmem:v1+s16+$0x0] =	vst.idx.add.s32.msk $0xffff, v2  }
0xf7: {  	v1 =	vld [tilespmem:s28+$0x0];
	_ =	sdelay $0x2  }
0xf8: {  	v2 =	vld [tilespmem:s26+$0x0];
	_ =	sdelay $0x1  }
0xf9: {  	v61 =	vshll.u32 v1, $0x3  }
0xfa: {  	v5 =	vand.u32 $0xFFFFFC00, v61  }
0xfb: {  	v1 =	vand.u32 $0x7F, v1;
	v4 =	vadd.s32 v4, v5  }
0xfc: {  	v62 =	vshrl.u32 v2, $0x10;
	v1 =	vor.u32 v1, v4  }
0xfd: {  	p0 =	sne.s32 s24, $0x3F;
	v63 =	vand.u32 $0x1, v62;
	v1 =	vor.u32 v3, v1  }
.Ltmp2:
0xfe: {  	v2 =	vadd.s32 v63, v2;
	(pc) =	sbr.rel @p0 .LBB2_6-.Ltmp2, $4  }
0xff: {  	v2 =	vadd.s32 $0x7FFF, v2  }
0x100: {  	v2 =	vshrl.u32 v2, $0x10  }
0x101: {  	s25 =	sadd.s32 $0x8, s25;
	v2 =	vshll.u32 v2, s31  }
0x102: {  	s24 =	sadd.s32 $0x1, s24;
	s26 =	sadd.s32 $0x40, s26;
	s28 =	sadd.s32 $0x40, s28;
	[tilespmem:v1+s16+$0x0] =	vst.idx.add.s32.msk $0xffff, v2  }
0x103: {  	s24 =	simm.s32 $0x0  }
0x104: {  	s25 =	simm.s32 $0xFFFF8000;
	s26 =	simm.s32 $0x0;
	s28 =	simm.s32 $0x0  }
0x105: {  	[hbm4b:s8+s24] =	stream.linear.scatter [tilespmem:s17], [sflag:$0x3], $0x4000, $0x38;
	[tilespmem:$0x14000] =	vst v63  }
.LBB2_8:
0x106: {  	s29 =	sadd.s32 $0x8000, s25  }
0x107: {  	s30 =	sand.u32 $0x380, s28;
	s29 =	sand.u32 $0x4000, s29  }
0x108: {  	s29 =	sor.u32 s30, s29  }
0x109: {  	[tilespmem:s29+$0xC000] =	vst v0  }
0x10a: {  	[tilespmem:s29+$0xC010] =	vst v0  }
0x10b: {  	[tilespmem:s29+$0xC020] =	vst v0  }
0x10c: {  	[tilespmem:s29+$0xC030] =	vst v0  }
0x10d: {  	[tilespmem:s29+$0xC040] =	vst v0  }
0x10e: {  	[tilespmem:s29+$0xC050] =	vst v0  }
0x10f: {  	[tilespmem:s29+$0xC060] =	vst v0  }
0x110: {  	[tilespmem:s29+$0xC070] =	vst v0  }
0x111: {  	[tilespmem:s29+$0xC400] =	vst v0  }
0x112: {  	[tilespmem:s29+$0xC410] =	vst v0  }
0x113: {  	[tilespmem:s29+$0xC420] =	vst v0  }
0x114: {  	[tilespmem:s29+$0xC430] =	vst v0  }
0x115: {  	[tilespmem:s29+$0xC440] =	vst v0  }
0x116: {  	[tilespmem:s29+$0xC450] =	vst v0  }
0x117: {  	[tilespmem:s29+$0xC460] =	vst v0  }
0x118: {  	[tilespmem:s29+$0xC470] =	vst v0  }
0x119: {  	[tilespmem:s29+$0xC800] =	vst v0  }
0x11a: {  	[tilespmem:s29+$0xC810] =	vst v0  }
0x11b: {  	[tilespmem:s29+$0xC820] =	vst v0  }
0x11c: {  	[tilespmem:s29+$0xC830] =	vst v0  }
0x11d: {  	[tilespmem:s29+$0xC840] =	vst v0  }
0x11e: {  	[tilespmem:s29+$0xC850] =	vst v0  }
0x11f: {  	[tilespmem:s29+$0xC860] =	vst v0  }
0x120: {  	[tilespmem:s29+$0xC870] =	vst v0  }
0x121: {  	[tilespmem:s29+$0xCC00] =	vst v0  }
0x122: {  	[tilespmem:s29+$0xCC10] =	vst v0  }
0x123: {  	[tilespmem:s29+$0xCC20] =	vst v0  }
0x124: {  	[tilespmem:s29+$0xCC30] =	vst v0  }
0x125: {  	[tilespmem:s29+$0xCC40] =	vst v0  }
0x126: {  	[tilespmem:s29+$0xCC50] =	vst v0  }
0x127: {  	[tilespmem:s29+$0xCC60] =	vst v0  }
0x128: {  	[tilespmem:s29+$0xCC70] =	vst v0  }
0x129: {  	[tilespmem:s29+$0xD000] =	vst v0  }
0x12a: {  	[tilespmem:s29+$0xD010] =	vst v0  }
0x12b: {  	[tilespmem:s29+$0xD020] =	vst v0  }
0x12c: {  	[tilespmem:s29+$0xD030] =	vst v0  }
0x12d: {  	[tilespmem:s29+$0xD040] =	vst v0  }
0x12e: {  	[tilespmem:s29+$0xD050] =	vst v0  }
0x12f: {  	[tilespmem:s29+$0xD060] =	vst v0  }
0x130: {  	[tilespmem:s29+$0xD070] =	vst v0  }
0x131: {  	[tilespmem:s29+$0xD400] =	vst v0  }
0x132: {  	[tilespmem:s29+$0xD410] =	vst v0  }
0x133: {  	[tilespmem:s29+$0xD420] =	vst v0  }
0x134: {  	[tilespmem:s29+$0xD430] =	vst v0  }
0x135: {  	[tilespmem:s29+$0xD440] =	vst v0  }
0x136: {  	[tilespmem:s29+$0xD450] =	vst v0  }
0x137: {  	[tilespmem:s29+$0xD460] =	vst v0  }
0x138: {  	[tilespmem:s29+$0xD470] =	vst v0  }
0x139: {  	[tilespmem:s29+$0xD800] =	vst v0  }
0x13a: {  	[tilespmem:s29+$0xD810] =	vst v0  }
0x13b: {  	[tilespmem:s29+$0xD820] =	vst v0  }
0x13c: {  	[tilespmem:s29+$0xD830] =	vst v0  }
0x13d: {  	[tilespmem:s29+$0xD840] =	vst v0  }
0x13e: {  	[tilespmem:s29+$0xD850] =	vst v0  }
0x13f: {  	[tilespmem:s29+$0xD860] =	vst v0  }
0x140: {  	[tilespmem:s29+$0xD870] =	vst v0  }
0x141: {  	[tilespmem:s29+$0xDC00] =	vst v0  }
0x142: {  	[tilespmem:s29+$0xDC10] =	vst v0  }
0x143: {  	[tilespmem:s29+$0xDC20] =	vst v0  }
0x144: {  	[tilespmem:s29+$0xDC30] =	vst v0  }
0x145: {  	[tilespmem:s29+$0xDC40] =	vst v0  }
0x146: {  	[tilespmem:s29+$0xDC50] =	vst v0  }
0x147: {  	[tilespmem:s29+$0xDC60] =	vst v0  }
0x148: {  	[tilespmem:s29+$0xDC70] =	vst v0  }
0x149: {  	[tilespmem:s29+$0xE000] =	vst v0  }
0x14a: {  	[tilespmem:s29+$0xE010] =	vst v0  }
0x14b: {  	[tilespmem:s29+$0xE020] =	vst v0  }
0x14c: {  	[tilespmem:s29+$0xE030] =	vst v0  }
0x14d: {  	[tilespmem:s29+$0xE040] =	vst v0  }
0x14e: {  	[tilespmem:s29+$0xE050] =	vst v0  }
0x14f: {  	[tilespmem:s29+$0xE060] =	vst v0  }
0x150: {  	[tilespmem:s29+$0xE070] =	vst v0  }
0x151: {  	[tilespmem:s29+$0xE400] =	vst v0  }
0x152: {  	[tilespmem:s29+$0xE410] =	vst v0  }
0x153: {  	[tilespmem:s29+$0xE420] =	vst v0  }
0x154: {  	[tilespmem:s29+$0xE430] =	vst v0  }
0x155: {  	[tilespmem:s29+$0xE440] =	vst v0  }
0x156: {  	[tilespmem:s29+$0xE450] =	vst v0  }
0x157: {  	[tilespmem:s29+$0xE460] =	vst v0  }
0x158: {  	[tilespmem:s29+$0xE470] =	vst v0  }
0x159: {  	[tilespmem:s29+$0xE800] =	vst v0  }
0x15a: {  	[tilespmem:s29+$0xE810] =	vst v0  }
0x15b: {  	[tilespmem:s29+$0xE820] =	vst v0  }
0x15c: {  	[tilespmem:s29+$0xE830] =	vst v0  }
0x15d: {  	[tilespmem:s29+$0xE840] =	vst v0  }
0x15e: {  	[tilespmem:s29+$0xE850] =	vst v0  }
0x15f: {  	[tilespmem:s29+$0xE860] =	vst v0  }
0x160: {  	[tilespmem:s29+$0xE870] =	vst v0  }
0x161: {  	[tilespmem:s29+$0xEC00] =	vst v0  }
0x162: {  	[tilespmem:s29+$0xEC10] =	vst v0  }
0x163: {  	[tilespmem:s29+$0xEC20] =	vst v0  }
0x164: {  	[tilespmem:s29+$0xEC30] =	vst v0  }
0x165: {  	[tilespmem:s29+$0xEC40] =	vst v0  }
0x166: {  	[tilespmem:s29+$0xEC50] =	vst v0  }
0x167: {  	[tilespmem:s29+$0xEC60] =	vst v0  }
0x168: {  	[tilespmem:s29+$0xEC70] =	vst v0  }
0x169: {  	[tilespmem:s29+$0xF000] =	vst v0  }
0x16a: {  	[tilespmem:s29+$0xF010] =	vst v0  }
0x16b: {  	[tilespmem:s29+$0xF020] =	vst v0  }
0x16c: {  	[tilespmem:s29+$0xF030] =	vst v0  }
0x16d: {  	[tilespmem:s29+$0xF040] =	vst v0  }
0x16e: {  	[tilespmem:s29+$0xF050] =	vst v0  }
0x16f: {  	[tilespmem:s29+$0xF060] =	vst v0  }
0x170: {  	[tilespmem:s29+$0xF070] =	vst v0  }
0x171: {  	[tilespmem:s29+$0xF400] =	vst v0  }
0x172: {  	[tilespmem:s29+$0xF410] =	vst v0  }
0x173: {  	[tilespmem:s29+$0xF420] =	vst v0  }
0x174: {  	[tilespmem:s29+$0xF430] =	vst v0  }
0x175: {  	s31 =	sand.u32 $0x7, s24;
	[tilespmem:s29+$0xF440] =	vst v0  }
0x176: {  	s30 =	sshll.u32 s31, $0x7;
	[tilespmem:s29+$0xF450] =	vst v0  }
0x177: {  	s30 =	sadd.s32 s30, s26;
	[tilespmem:s29+$0xF460] =	vst v0  }
0x178: {  	[tilespmem:s29+$0xF470] =	vst v0;
	s31 =	sor.u32 $0x3800, s30  }
0x179: {  	[tilespmem:s31+$0xC000] =	vst v0;
	s31 =	sor.u32 $0x3810, s30  }
0x17a: {  	[tilespmem:s31+$0xC000] =	vst v0;
	s31 =	sor.u32 $0x3820, s30  }
0x17b: {  	[tilespmem:s31+$0xC000] =	vst v0;
	s31 =	sor.u32 $0x3830, s30  }
0x17c: {  	[tilespmem:s31+$0xC000] =	vst v0;
	s31 =	sor.u32 $0x3840, s30  }
0x17d: {  	[tilespmem:s31+$0xC000] =	vst v0;
	s31 =	sor.u32 $0x3850, s30  }
0x17e: {  	[tilespmem:s31+$0xC000] =	vst v0;
	s31 =	sor.u32 $0x3860, s30  }
0x17f: {  	[tilespmem:s31+$0xC000] =	vst v0;
	s31 =	sor.u32 $0x3870, s30  }
0x180: {  	[tilespmem:s31+$0xC000] =	vst v0;
	s31 =	sor.u32 $0x3C00, s30  }
0x181: {  	[tilespmem:s31+$0xC000] =	vst v0;
	s31 =	sor.u32 $0x3C10, s30  }
0x182: {  	[tilespmem:s31+$0xC000] =	vst v0;
	s31 =	sor.u32 $0x3C20, s30  }
0x183: {  	p0 =	sne.s32 s28, $0x780;
	[tilespmem:s31+$0xC000] =	vst v0;
	s31 =	sor.u32 $0x3C30, s30  }
.Ltmp3:
0x184: {  	[tilespmem:s31+$0xC000] =	vst v0;
	s31 =	sor.u32 $0x3C40, s30;
	(pc) =	sbr.rel @p0 .LBB2_8-.Ltmp3, $4  }
0x185: {  	[tilespmem:s31+$0xC000] =	vst v0;
	s31 =	sor.u32 $0x3C50, s30  }
0x186: {  	[tilespmem:s31+$0xC000] =	vst v0;
	s31 =	sor.u32 $0x3C60, s30  }
0x187: {  	s24 =	sadd.s32 $0x1, s24;
	[tilespmem:s31+$0xC000] =	vst v0;
	s31 =	sor.u32 $0x3C70, s30  }
0x188: {  	s25 =	sadd.s32 $0x800, s25;
	s28 =	sadd.s32 $0x80, s28;
	s26 =	sadd.s32 $0x800, s26;
	[tilespmem:s31+$0xC000] =	vst v0  }
0x189: {  	_ =	swait.ge [sflag:s18], $0x1000  }
0x18a: {  	[sflag:s18] =	ssyncset.done $0x0  }
0x18b: {  	[sflag:s18] =	ssyncadd.s32 $0xFFFFF000  }
0x18c: {  	_ =	swait.ge [sflag:s18], $0x1000  }
0x18d: {  	s24 =	simm.s32 $0x0;
	s25 =	simm.s32 $0x3020;
	[sflag:s18] =	ssyncset.done $0x0  }
0x18e: {  	s26 =	simm.s32 $0x1020;
	s28 =	simm.s32 $0x0;
	[sflag:s18] =	ssyncadd.s32 $0xFFFFF000  }
.LBB2_10:
0x18f: {  	v1 =	vld [tilespmem:s26+$0xFFFFFFE0];
	_ =	sdelay $0x1  }
0x190: {  	v2 =	vld [tilespmem:s25+$0xFFFFFFE0];
	s29 =	sshrl.u32 s28, $0x2  }
0x191: {  	v3 =	vmov s29  }
0x192: {  	v3 =	vshll.u32 v3, $0x7  }
0x193: {  	v3 =	vand.u32 $0x380, v3;
	v4 =	vshll.u32 v1, $0x3  }
0x194: {  	v3 =	vbroadcast v3, $0x0;
	v1 =	vand.u32 $0x7F, v1;
	v4 =	vand.u32 $0xFFFFFC00, v4  }
0x195: {  	v57 =	vshrl.u32 v2, $0x10;
	v1 =	vor.u32 v4, v1  }
0x196: {  	v4 =	vand.u32 $0x1, v57;
	v1 =	vor.u32 v3, v1  }
0x197: {  	v2 =	vadd.s32 v4, v2  }
0x198: {  	v2 =	vadd.s32 $0x7FFF, v2  }
0x199: {  	s31 =	sand.u32 $0x10, s24;
	v2 =	vshrl.u32 v2, $0x10  }
0x19a: {  	v2 =	vshll.u32 v2, s31  }
0x19b: {  	[tilespmem:v1+s19+$0x0] =	vst.idx.add.s32.msk $0xffff, v2  }
0x19c: {  	v1 =	vld [tilespmem:s26+$0xFFFFFFF0];
	_ =	sdelay $0x1  }
0x19d: {  	v2 =	vld [tilespmem:s25+$0xFFFFFFF0];
	_ =	sdelay $0x2  }
0x19e: {  	v58 =	vshll.u32 v1, $0x3  }
0x19f: {  	v1 =	vand.u32 $0x7F, v1;
	v4 =	vand.u32 $0xFFFFFC00, v58  }
0x1a0: {  	v59 =	vshrl.u32 v2, $0x10;
	v1 =	vor.u32 v4, v1  }
0x1a1: {  	v4 =	vand.u32 $0x1, v59;
	v1 =	vor.u32 v3, v1  }
0x1a2: {  	v2 =	vadd.s32 v4, v2  }
0x1a3: {  	v2 =	vadd.s32 $0x7FFF, v2  }
0x1a4: {  	v2 =	vshrl.u32 v2, $0x10  }
0x1a5: {  	v2 =	vshll.u32 v2, s31  }
0x1a6: {  	[tilespmem:v1+s19+$0x0] =	vst.idx.add.s32.msk $0xffff, v2  }
0x1a7: {  	v1 =	vld [tilespmem:s26+$0x0];
	_ =	sdelay $0x1  }
0x1a8: {  	v2 =	vld [tilespmem:s25+$0x0];
	_ =	sdelay $0x2  }
0x1a9: {  	v60 =	vshll.u32 v1, $0x3  }
0x1aa: {  	v1 =	vand.u32 $0x7F, v1;
	v4 =	vand.u32 $0xFFFFFC00, v60  }
0x1ab: {  	v61 =	vshrl.u32 v2, $0x10;
	v1 =	vor.u32 v4, v1  }
0x1ac: {  	v4 =	vand.u32 $0x1, v61;
	v1 =	vor.u32 v3, v1  }
0x1ad: {  	v2 =	vadd.s32 v4, v2  }
0x1ae: {  	v2 =	vadd.s32 $0x7FFF, v2  }
0x1af: {  	v2 =	vshrl.u32 v2, $0x10  }
0x1b0: {  	v2 =	vshll.u32 v2, s31  }
0x1b1: {  	[tilespmem:v1+s19+$0x0] =	vst.idx.add.s32.msk $0xffff, v2  }
0x1b2: {  	v1 =	vld [tilespmem:s26+$0x10];
	_ =	sdelay $0x1  }
0x1b3: {  	v2 =	vld [tilespmem:s25+$0x10];
	_ =	sdelay $0x2  }
0x1b4: {  	v62 =	vshll.u32 v1, $0x3  }
0x1b5: {  	v1 =	vand.u32 $0x7F, v1;
	v4 =	vand.u32 $0xFFFFFC00, v62  }
0x1b6: {  	v63 =	vshrl.u32 v2, $0x10;
	v1 =	vor.u32 v4, v1  }
0x1b7: {  	p0 =	sne.s32 s28, $0x1F;
	v4 =	vand.u32 $0x1, v63;
	v1 =	vor.u32 v3, v1  }
.Ltmp4:
0x1b8: {  	v2 =	vadd.s32 v4, v2;
	(pc) =	sbr.rel @p0 .LBB2_10-.Ltmp4, $4  }
0x1b9: {  	v2 =	vadd.s32 $0x7FFF, v2  }
0x1ba: {  	v2 =	vshrl.u32 v2, $0x10  }
0x1bb: {  	s24 =	sadd.s32 $0x8, s24;
	v2 =	vshll.u32 v2, s31  }
0x1bc: {  	s28 =	sadd.s32 $0x1, s28;
	s25 =	sadd.s32 $0x40, s25;
	s26 =	sadd.s32 $0x40, s26;
	[tilespmem:v1+s19+$0x0] =	vst.idx.add.s32.msk $0xffff, v2  }
0x1bd: {  	[hbm4b:s9+s2] =	stream.linear.scatter [tilespmem:s19], [sflag:$0x4], $0x4000, $0x38;
	[tilespmem:$0x14000] =	vst v63  }
0x1be: {  	s24 =	simm.s32 $0x20  }
0x1bf: {  	s25 =	simm.s32 $0x100;
	s26 =	simm.s32 $0x3830;
	s28 =	simm.s32 $0x1830  }
.LBB2_12:
0x1c0: {  	v1 =	vld [tilespmem:s28+$0xFFFFFFD0];
	_ =	sdelay $0x2  }
0x1c1: {  	v2 =	vld [tilespmem:s26+$0xFFFFFFD0];
	s29 =	sshrl.u32 s24, $0x2  }
0x1c2: {  	v3 =	vmov s29  }
0x1c3: {  	v4 =	vshll.u32 v3, $0xB;
	v5 =	vshll.u32 v1, $0x3  }
0x1c4: {  	v4 =	vand.u32 $0x4000, v4;
	v5 =	vand.u32 $0xFFFFFC00, v5  }
0x1c5: {  	v3 =	vshll.u32 v3, $0x7;
	v1 =	vand.u32 $0x7F, v1;
	v5 =	vadd.s32 v4, v5  }
0x1c6: {  	v3 =	vand.u32 $0x380, v3;
	v56 =	vshrl.u32 v2, $0x10;
	v1 =	vor.u32 v1, v5  }
0x1c7: {  	v5 =	vand.u32 $0x1, v56;
	v1 =	vor.u32 v3, v1  }
0x1c8: {  	v2 =	vadd.s32 v5, v2  }
0x1c9: {  	v2 =	vadd.s32 $0x7FFF, v2  }
0x1ca: {  	s31 =	sand.u32 $0x10, s25;
	v2 =	vshrl.u32 v2, $0x10  }
0x1cb: {  	v2 =	vshll.u32 v2, s31  }
0x1cc: {  	[tilespmem:v1+s19+$0x0] =	vst.idx.add.s32.msk $0xffff, v2  }
0x1cd: {  	v1 =	vld [tilespmem:s28+$0xFFFFFFE0];
	_ =	sdelay $0x2  }
0x1ce: {  	v2 =	vld [tilespmem:s26+$0xFFFFFFE0];
	_ =	sdelay $0x1  }
0x1cf: {  	v57 =	vshll.u32 v1, $0x3  }
0x1d0: {  	v5 =	vand.u32 $0xFFFFFC00, v57  }
0x1d1: {  	v1 =	vand.u32 $0x7F, v1;
	v5 =	vadd.s32 v4, v5  }
0x1d2: {  	v58 =	vshrl.u32 v2, $0x10;
	v1 =	vor.u32 v1, v5  }
0x1d3: {  	v5 =	vand.u32 $0x1, v58;
	v1 =	vor.u32 v3, v1  }
0x1d4: {  	v2 =	vadd.s32 v5, v2  }
0x1d5: {  	v2 =	vadd.s32 $0x7FFF, v2  }
0x1d6: {  	v2 =	vshrl.u32 v2, $0x10  }
0x1d7: {  	v2 =	vshll.u32 v2, s31  }
0x1d8: {  	[tilespmem:v1+s19+$0x0] =	vst.idx.add.s32.msk $0xffff, v2  }
0x1d9: {  	v1 =	vld [tilespmem:s28+$0xFFFFFFF0];
	_ =	sdelay $0x2  }
0x1da: {  	v2 =	vld [tilespmem:s26+$0xFFFFFFF0];
	_ =	sdelay $0x1  }
0x1db: {  	v59 =	vshll.u32 v1, $0x3  }
0x1dc: {  	v5 =	vand.u32 $0xFFFFFC00, v59  }
0x1dd: {  	v1 =	vand.u32 $0x7F, v1;
	v5 =	vadd.s32 v4, v5  }
0x1de: {  	v60 =	vshrl.u32 v2, $0x10;
	v1 =	vor.u32 v1, v5  }
0x1df: {  	v5 =	vand.u32 $0x1, v60;
	v1 =	vor.u32 v3, v1  }
0x1e0: {  	v2 =	vadd.s32 v5, v2  }
0x1e1: {  	v2 =	vadd.s32 $0x7FFF, v2  }
0x1e2: {  	v2 =	vshrl.u32 v2, $0x10  }
0x1e3: {  	v2 =	vshll.u32 v2, s31  }
0x1e4: {  	[tilespmem:v1+s19+$0x0] =	vst.idx.add.s32.msk $0xffff, v2  }
0x1e5: {  	v1 =	vld [tilespmem:s28+$0x0];
	_ =	sdelay $0x2  }
0x1e6: {  	v2 =	vld [tilespmem:s26+$0x0];
	_ =	sdelay $0x1  }
0x1e7: {  	v61 =	vshll.u32 v1, $0x3  }
0x1e8: {  	v5 =	vand.u32 $0xFFFFFC00, v61  }
0x1e9: {  	v1 =	vand.u32 $0x7F, v1;
	v4 =	vadd.s32 v4, v5  }
0x1ea: {  	v62 =	vshrl.u32 v2, $0x10;
	v1 =	vor.u32 v1, v4  }
0x1eb: {  	p0 =	sne.s32 s24, $0x3F;
	v63 =	vand.u32 $0x1, v62;
	v1 =	vor.u32 v3, v1  }
.Ltmp5:
0x1ec: {  	v2 =	vadd.s32 v63, v2;
	(pc) =	sbr.rel @p0 .LBB2_12-.Ltmp5, $4  }
0x1ed: {  	v2 =	vadd.s32 $0x7FFF, v2  }
0x1ee: {  	v2 =	vshrl.u32 v2, $0x10  }
0x1ef: {  	s25 =	sadd.s32 $0x8, s25;
	v2 =	vshll.u32 v2, s31  }
0x1f0: {  	s24 =	sadd.s32 $0x1, s24;
	s26 =	sadd.s32 $0x40, s26;
	s28 =	sadd.s32 $0x40, s28;
	[tilespmem:v1+s19+$0x0] =	vst.idx.add.s32.msk $0xffff, v2  }
0x1f1: {  	[hbm4b:s10+s2] =	stream.linear.scatter [tilespmem:s20], [sflag:$0x4], $0x4000, $0x38;
	[tilespmem:$0x14000] =	vst v63  }
0x1f2: {  	_ =	swait.ge [sflag:s21], $0x4000  }
0x1f3: {  	[sflag:s21] =	ssyncset.done $0x0  }
0x1f4: {  	[sflag:s21] =	ssyncadd.s32 $0xFFFFC000  }
0x1f5: {  	_ =	swait.ge [sflag:s21], $0x4000  }
0x1f6: {  	[sflag:s21] =	ssyncset.done $0x0  }
0x1f7: {  	s23 =	sadd.s32 $0x1, s23;
	[sflag:s21] =	ssyncadd.s32 $0xFFFFC000  }
0x1f8: {  	p0 =	sne.s32 s23, s11;
	_ =	swait.ge [sflag:s22], $0x4000  }
.Ltmp6:
0x1f9: {  	[sflag:s22] =	ssyncset.done $0x0;
	(pc) =	sbr.rel @p0 .LBB2_1-.Ltmp6, $4  }
0x1fa: {  	[sflag:s22] =	ssyncadd.s32 $0xFFFFC000  }
0x1fb: {  	_ =	swait.ge [sflag:s22], $0x4000  }
0x1fc: {  	[sflag:s22] =	ssyncset.done $0x0  }
0x1fd: {  	[sflag:s22] =	ssyncadd.s32 $0xFFFFC000  }
0x1fe: {  	_ =	sfence.sel $0x180000  }
0x1ff: {  	[bflag:$0x0] =	sbarrier.arrive $0xFFFF  }
0x200: {  	p0 =	sne.s32 s1, $0x0;
	_ =	strace $0x90000047  }
0x201: {  	s0 =	sadd.s32 @!p0 $0x100000, s0;
	[bflag:$0x2] =	sbarrier.arrive $0xFFFF  }
0x202: {  	[sflag:s0] =	ssyncadd.tile.s32 @!p0 $0x1;
	_ =	shalt  }
.Lfunc_end2:
_tile_overlayer_lowered:
.L_overlay_start_2:
0x203: {  	(tag) =	ssettag $0x2  }
0x204: {  	s0 =	rddreg [dreg:$0x0];
	s2 =	stileid.u32  }
0x205: {  	s1 =	rddreg [dreg:$0x1];
	p0 =	sne.s32 s2, $0x0  }
0x206: {  	s3 =	rddreg [dreg:$0x2];
	[bflag:$0x3] =	sbarrier.arrive $0xFFFF;
	s2 =	simm.s32 @!p0 $0x1C05  }
0x207: {  	[timem:s3], [sflag:s2] =	dma.local @!p0 [hbm:s0], s1  }
0x208: {  	s0 =	simm.s32 @!p0 $0x5  }
0x209: {  	_ =	swait.ge @!p0 [sflag:s0], s1  }
0x20a: {  	s1 =	ssub.s32 @!p0 $0x0, s1;
	[sflag:s0] =	ssyncset.done @!p0 $0x0  }
0x20b: {  	[sflag:s0] =	ssyncadd.s32 @!p0 s1  }
0x20c: {  	[bflag:$0x3] =	sbarrier.arrive $0xFFFF  }
0x20d: {  	_ =	shalt  }

</sc_bundles>
